<compile_context>
chip_gen: v7x
topology: tpu7x:2x2x1
jax: 0.10.2.dev20260603
libtpu: 0.0.44.dev20260713+nightly
codegen_flags: <defaults>
</compile_context>

<pallas_src>
import functools

import jax
import jax.numpy as jnp
from jax import lax
from jax.experimental import pallas as pl
from jax.experimental.pallas import tpu as pltpu
from jax.experimental.pallas import tpu_sc as plsc

N = 16777216
BINS = 20
SMOOTHING = 0.1
NUM_CORES = 2
NUM_SUBCORES = 16
LANES = 16
NW = NUM_CORES * NUM_SUBCORES
PER_TILE = N // NW
BLK = 32768
NBLK = PER_TILE // BLK
UNROLL = 8
NG = BLK // (LANES * UNROLL)
HIST = LANES * BINS

_mesh = plsc.VectorSubcoreMesh(core_axis_name="c", subcore_axis_name="s")


@functools.partial(
    pl.kernel,
    mesh=_mesh,
    out_type=jax.ShapeDtypeStruct((NW, HIST), jnp.float32),
    scratch_types=[
        pltpu.VMEM((BLK,), jnp.float32),
        pltpu.VMEM((BLK,), jnp.float32),
        pltpu.VMEM((HIST,), jnp.float32),
        pltpu.SemaphoreType.DMA,
        pltpu.SemaphoreType.DMA,
    ],
    compiler_params=pltpu.CompilerParams(needs_layout_passes=False),
)
def _sc_hist(pred_hbm, out_hbm, buf0, buf1, hist, sem0, sem1):
    wid = lax.axis_index("s") * NUM_CORES + lax.axis_index("c")
    base = wid * PER_TILE

    zero16 = jnp.zeros((LANES,), jnp.float32)
    for b in range(BINS):
        hist[pl.ds(b * LANES, LANES)] = zero16

    lane_base = lax.iota(jnp.int32, 16) * BINS
    ones16 = jnp.ones((LANES,), jnp.float32)

    bufs = (buf0, buf1)
    sems = (sem0, sem1)

    def start(blk_idx, buf, sem):
        src = pred_hbm.at[pl.ds(base + blk_idx * BLK, BLK)]
        return pltpu.async_copy(src, buf, sem)

    pending = start(0, buf0, sem0)
    for blk in range(NBLK):
        cur = blk & 1
        nxt = None
        if blk + 1 < NBLK:
            nxt = start(blk + 1, bufs[cur ^ 1], sems[cur ^ 1])
        pending.wait()
        buf = bufs[cur]

        def body(g, carry, buf=buf):
            off = g * (LANES * UNROLL)
            for u in range(UNROLL):
                x = buf[pl.ds(off + u * LANES, LANES)]
                ids = (x * 20.0).astype(jnp.int32)
                plsc.addupdate_scatter(hist, [ids + lane_base], ones16)
            return carry
        lax.fori_loop(0, NG, body, 0)
        pending = nxt

    pltpu.sync_copy(hist, out_hbm.at[wid])


def _kl_body(x_ref, t_ref, o_ref):
    counts = jnp.sum(x_ref[...], axis=0)[None, :]
    total = jnp.sum(counts)
    p = counts / (total + 1e-10)
    p = p * (1.0 - SMOOTHING) + SMOOTHING / BINS
    t = t_ref[...] * (1.0 - SMOOTHING) + SMOOTHING / BINS
    loss = jnp.sum(t * (jnp.log(t) - jnp.log(p)))
    o_ref[...] = jnp.broadcast_to(loss, (1, 1))


_kl = pl.pallas_call(
    _kl_body,
    out_shape=jax.ShapeDtypeStruct((1, 1), jnp.float32),
)


@jax.jit
def kernel(predictions, target_distribution):
    part = _sc_hist(predictions)
    x = part.reshape(NW * LANES, BINS)
    t = target_distribution.reshape(1, BINS)
    return _kl(x, t)[0, 0]

# --- scband reference (transcript-rebuilt; emitter-appended) ---
"""Pipeline reference for scband-distribution-matching-loss-38792144618250 (READ-ONLY COPY).

The authoritative reference and input builder live on the scoring server;
editing this copy changes nothing except your own understanding.
"""

import jax, jax.numpy as jnp
import numpy as np

BINS = 20
MIN_VAL = 0.0
MAX_VAL = 1.0
SMOOTHING = 0.1


def _default_target_distribution():
    # beta.pdf(x, 5, 2) on linspace(0,1,bins), normalized.
    # beta.pdf(x,a,b) = x^(a-1)*(1-x)^(b-1)/B(a,b); the constant B(a,b)
    # cancels after normalization, so compute the unnormalized kernel.
    x = np.linspace(0.0, 1.0, BINS)
    dist = (x ** 4) * ((1.0 - x) ** 1)
    dist = dist / dist.sum()
    return jnp.asarray(dist, dtype=jnp.float32)


def setup_inputs(seed: int = 0) -> dict:
    key = jax.random.key(seed)
    predictions = jax.random.uniform(key, (16777216,), dtype=jnp.float32)
    return {
        "predictions": predictions,
        "target_distribution": _default_target_distribution(),
    }


def _histc(x, bins, min_val, max_val):
    # torch.histc equivalent: values outside [min,max] ignored; value == max
    # falls in the last bin. With uniform fill in [0,1) everything is in range.
    flat = x.reshape(-1)
    scaled = (flat - min_val) / (max_val - min_val) * bins
    ids = jnp.floor(jax.lax.stop_gradient(scaled)).astype(jnp.int32)
    ids = jnp.clip(ids, 0, bins - 1)
    counts = jax.ops.segment_sum(jnp.ones_like(flat), ids, num_segments=bins)
    return counts


def reference(predictions, target_distribution):
    pred_hist = _histc(predictions, BINS, MIN_VAL, MAX_VAL)
    pred_hist = pred_hist / (pred_hist.sum() + 1e-10)
    pred_hist = pred_hist * (1.0 - SMOOTHING) + SMOOTHING / BINS
    target_smooth = target_distribution * (1.0 - SMOOTHING) + SMOOTHING / BINS
    # F.kl_div(input=log_pred, target, reduction='sum')
    #   = sum(target * (log(target) - log_pred))
    kl_loss = jnp.sum(target_smooth * (jnp.log(target_smooth) - jnp.log(pred_hist)))
    return kl_loss

if __name__ == "__main__":
    import jax
    _d = setup_inputs()
    print(jax.jit(kernel)(*tuple(_d.values())))

</pallas_src>

<mosaic_0001>
#map = affine_map<(d0, d1) -> (0)>
#map1 = affine_map<(d0, d1) -> (0, 0)>
module attributes {stable_mosaic.version = 14 : i64} {
  func.func @_sc_hist(%arg0: i32, %arg1: i32, %arg2: memref<16777216xf32, #tpu.memory_space<hbm>>, %arg3: memref<32x320xf32, #tpu.memory_space<hbm>>, %arg4: memref<32768xf32, #tpu.memory_space<vmem>>, %arg5: memref<32768xf32, #tpu.memory_space<vmem>>, %arg6: memref<320xf32, #tpu.memory_space<vmem>>, %arg7: memref<!tpu.dma_semaphore, #tpu.memory_space<semaphore_mem>>, %arg8: memref<!tpu.dma_semaphore, #tpu.memory_space<semaphore_mem>>) attributes {dimension_semantics = [#tpu.dimension_semantics<core_parallel>, #tpu.dimension_semantics<subcore_parallel>], iteration_bounds = array<i64: 2, 16>, scalar_prefetch = 0 : i64, scratch_operands = 5 : i64, tpu.core_type = #tpu.core_type<sc_vector_subcore>, window_params = [{transform_indices = #map}, {transform_indices = #map1}]} {
    %mul3A = arith.constant 2 : i32
    %mul3A_0 = arith.muli %arg1, %mul3A : i32
    %add3A = arith.addi %mul3A_0, %arg0 : i32
    %mul3A_1 = arith.constant 524288 : i32
    %mul3A_2 = arith.muli %add3A, %mul3A_1 : i32
    %broadcast_in_dim3A = arith.constant 0.000000e+00 : f32
    %broadcast_in_dim3A_3 = vector.broadcast %broadcast_in_dim3A : f32 to vector<16xf32>
    %swap3A = arith.constant 0 : index
    %swap3A_4 = tpu.vector_load %arg6[%swap3A] {strides = array<i32>} : memref<320xf32, #tpu.memory_space<vmem>>, vector<16xf32>,
    tpu.vector_store %arg6[%swap3A], %broadcast_in_dim3A_3 {strides = array<i32>} : memref<320xf32, #tpu.memory_space<vmem>>, vector<16xf32>,
    %swap3A_5 = arith.constant 16 : index
    %swap3A_6 = tpu.vector_load %arg6[%swap3A_5] {strides = array<i32>} : memref<320xf32, #tpu.memory_space<vmem>>, vector<16xf32>,
    tpu.vector_store %arg6[%swap3A_5], %broadcast_in_dim3A_3 {strides = array<i32>} : memref<320xf32, #tpu.memory_space<vmem>>, vector<16xf32>,
    %swap3A_7 = arith.constant 32 : index
    %swap3A_8 = tpu.vector_load %arg6[%swap3A_7] {strides = array<i32>} : memref<320xf32, #tpu.memory_space<vmem>>, vector<16xf32>,
    tpu.vector_store %arg6[%swap3A_7], %broadcast_in_dim3A_3 {strides = array<i32>} : memref<320xf32, #tpu.memory_space<vmem>>, vector<16xf32>,
    %swap3A_9 = arith.constant 48 : index
    %swap3A_10 = tpu.vector_load %arg6[%swap3A_9] {strides = array<i32>} : memref<320xf32, #tpu.memory_space<vmem>>, vector<16xf32>,
    tpu.vector_store %arg6[%swap3A_9], %broadcast_in_dim3A_3 {strides = array<i32>} : memref<320xf32, #tpu.memory_space<vmem>>, vector<16xf32>,
    %swap3A_11 = arith.constant 64 : index
    %swap3A_12 = tpu.vector_load %arg6[%swap3A_11] {strides = array<i32>} : memref<320xf32, #tpu.memory_space<vmem>>, vector<16xf32>,
    tpu.vector_store %arg6[%swap3A_11], %broadcast_in_dim3A_3 {strides = array<i32>} : memref<320xf32, #tpu.memory_space<vmem>>, vector<16xf32>,
    %swap3A_13 = arith.constant 80 : index
    %swap3A_14 = tpu.vector_load %arg6[%swap3A_13] {strides = array<i32>} : memref<320xf32, #tpu.memory_space<vmem>>, vector<16xf32>,
    tpu.vector_store %arg6[%swap3A_13], %broadcast_in_dim3A_3 {strides = array<i32>} : memref<320xf32, #tpu.memory_space<vmem>>, vector<16xf32>,
    %swap3A_15 = arith.constant 96 : index
    %swap3A_16 = tpu.vector_load %arg6[%swap3A_15] {strides = array<i32>} : memref<320xf32, #tpu.memory_space<vmem>>, vector<16xf32>,
    tpu.vector_store %arg6[%swap3A_15], %broadcast_in_dim3A_3 {strides = array<i32>} : memref<320xf32, #tpu.memory_space<vmem>>, vector<16xf32>,
    %swap3A_17 = arith.constant 112 : index
    %swap3A_18 = tpu.vector_load %arg6[%swap3A_17] {strides = array<i32>} : memref<320xf32, #tpu.memory_space<vmem>>, vector<16xf32>,
    tpu.vector_store %arg6[%swap3A_17], %broadcast_in_dim3A_3 {strides = array<i32>} : memref<320xf32, #tpu.memory_space<vmem>>, vector<16xf32>,
    %swap3A_19 = arith.constant 128 : index
    %swap3A_20 = tpu.vector_load %arg6[%swap3A_19] {strides = array<i32>} : memref<320xf32, #tpu.memory_space<vmem>>, vector<16xf32>,
    tpu.vector_store %arg6[%swap3A_19], %broadcast_in_dim3A_3 {strides = array<i32>} : memref<320xf32, #tpu.memory_space<vmem>>, vector<16xf32>,
    %swap3A_21 = arith.constant 144 : index
    %swap3A_22 = tpu.vector_load %arg6[%swap3A_21] {strides = array<i32>} : memref<320xf32, #tpu.memory_space<vmem>>, vector<16xf32>,
    tpu.vector_store %arg6[%swap3A_21], %broadcast_in_dim3A_3 {strides = array<i32>} : memref<320xf32, #tpu.memory_space<vmem>>, vector<16xf32>,
    %swap3A_23 = arith.constant 160 : index
    %swap3A_24 = tpu.vector_load %arg6[%swap3A_23] {strides = array<i32>} : memref<320xf32, #tpu.memory_space<vmem>>, vector<16xf32>,
    tpu.vector_store %arg6[%swap3A_23], %broadcast_in_dim3A_3 {strides = array<i32>} : memref<320xf32, #tpu.memory_space<vmem>>, vector<16xf32>,
    %swap3A_25 = arith.constant 176 : index
    %swap3A_26 = tpu.vector_load %arg6[%swap3A_25] {strides = array<i32>} : memref<320xf32, #tpu.memory_space<vmem>>, vector<16xf32>,
    tpu.vector_store %arg6[%swap3A_25], %broadcast_in_dim3A_3 {strides = array<i32>} : memref<320xf32, #tpu.memory_space<vmem>>, vector<16xf32>,
    %swap3A_27 = arith.constant 192 : index
    %swap3A_28 = tpu.vector_load %arg6[%swap3A_27] {strides = array<i32>} : memref<320xf32, #tpu.memory_space<vmem>>, vector<16xf32>,
    tpu.vector_store %arg6[%swap3A_27], %broadcast_in_dim3A_3 {strides = array<i32>} : memref<320xf32, #tpu.memory_space<vmem>>, vector<16xf32>,
    %swap3A_29 = arith.constant 208 : index
    %swap3A_30 = tpu.vector_load %arg6[%swap3A_29] {strides = array<i32>} : memref<320xf32, #tpu.memory_space<vmem>>, vector<16xf32>,
    tpu.vector_store %arg6[%swap3A_29], %broadcast_in_dim3A_3 {strides = array<i32>} : memref<320xf32, #tpu.memory_space<vmem>>, vector<16xf32>,
    %swap3A_31 = arith.constant 224 : index
    %swap3A_32 = tpu.vector_load %arg6[%swap3A_31] {strides = array<i32>} : memref<320xf32, #tpu.memory_space<vmem>>, vector<16xf32>,
    tpu.vector_store %arg6[%swap3A_31], %broadcast_in_dim3A_3 {strides = array<i32>} : memref<320xf32, #tpu.memory_space<vmem>>, vector<16xf32>,
    %swap3A_33 = arith.constant 240 : index
    %swap3A_34 = tpu.vector_load %arg6[%swap3A_33] {strides = array<i32>} : memref<320xf32, #tpu.memory_space<vmem>>, vector<16xf32>,
    tpu.vector_store %arg6[%swap3A_33], %broadcast_in_dim3A_3 {strides = array<i32>} : memref<320xf32, #tpu.memory_space<vmem>>, vector<16xf32>,
    %swap3A_35 = arith.constant 256 : index
    %swap3A_36 = tpu.vector_load %arg6[%swap3A_35] {strides = array<i32>} : memref<320xf32, #tpu.memory_space<vmem>>, vector<16xf32>,
    tpu.vector_store %arg6[%swap3A_35], %broadcast_in_dim3A_3 {strides = array<i32>} : memref<320xf32, #tpu.memory_space<vmem>>, vector<16xf32>,
    %swap3A_37 = arith.constant 272 : index
    %swap3A_38 = tpu.vector_load %arg6[%swap3A_37] {strides = array<i32>} : memref<320xf32, #tpu.memory_space<vmem>>, vector<16xf32>,
    tpu.vector_store %arg6[%swap3A_37], %broadcast_in_dim3A_3 {strides = array<i32>} : memref<320xf32, #tpu.memory_space<vmem>>, vector<16xf32>,
    %swap3A_39 = arith.constant 288 : index
    %swap3A_40 = tpu.vector_load %arg6[%swap3A_39] {strides = array<i32>} : memref<320xf32, #tpu.memory_space<vmem>>, vector<16xf32>,
    tpu.vector_store %arg6[%swap3A_39], %broadcast_in_dim3A_3 {strides = array<i32>} : memref<320xf32, #tpu.memory_space<vmem>>, vector<16xf32>,
    %swap3A_41 = arith.constant 304 : index
    %swap3A_42 = tpu.vector_load %arg6[%swap3A_41] {strides = array<i32>} : memref<320xf32, #tpu.memory_space<vmem>>, vector<16xf32>,
    tpu.vector_store %arg6[%swap3A_41], %broadcast_in_dim3A_3 {strides = array<i32>} : memref<320xf32, #tpu.memory_space<vmem>>, vector<16xf32>,
    %iota3A = tpu.iota {dimensions = array<i32: 0>} : vector<16xi32>
    %mul3A_43 = arith.constant 20 : i32
    %mul3A_44 = vector.broadcast %mul3A_43 : i32 to vector<16xi32>
    %mul3A_45 = arith.muli %iota3A, %mul3A_44 : vector<16xi32>
    %broadcast_in_dim3A_46 = arith.constant 1.000000e+00 : f32
    %broadcast_in_dim3A_47 = vector.broadcast %broadcast_in_dim3A_46 : f32 to vector<16xf32>
    %add3A_48 = arith.constant 0 : i32
    %add3A_49 = arith.addi %mul3A_2, %add3A_48 : i32
    %dma_start3A = tpu.memref_slice %arg2[%add3A_49] : memref<16777216xf32, #tpu.memory_space<hbm>> -> memref<32768xf32, #tpu.memory_space<hbm>>
    %dma_start3A_50 = tpu.memref_slice %arg2[%add3A_49] : memref<16777216xf32, #tpu.memory_space<hbm>> -> memref<32768xf32, #tpu.memory_space<hbm>>
    tpu.enqueue_dma source(%dma_start3A_50 : memref<32768xf32, #tpu.memory_space<hbm>>) target(%arg4 : memref<32768xf32, #tpu.memory_space<vmem>>) target_semaphore(%arg7 : memref<!tpu.dma_semaphore, #tpu.memory_space<semaphore_mem>>)
    %add3A_51 = arith.constant 32768 : i32
    %add3A_52 = arith.addi %mul3A_2, %add3A_51 : i32
    %dma_start3A_53 = tpu.memref_slice %arg2[%add3A_52] : memref<16777216xf32, #tpu.memory_space<hbm>> -> memref<32768xf32, #tpu.memory_space<hbm>>
    %dma_start3A_54 = tpu.memref_slice %arg2[%add3A_52] : memref<16777216xf32, #tpu.memory_space<hbm>> -> memref<32768xf32, #tpu.memory_space<hbm>>
    tpu.enqueue_dma source(%dma_start3A_54 : memref<32768xf32, #tpu.memory_space<hbm>>) target(%arg5 : memref<32768xf32, #tpu.memory_space<vmem>>) target_semaphore(%arg8 : memref<!tpu.dma_semaphore, #tpu.memory_space<semaphore_mem>>)
    %dma_wait3A = tpu.memref_slice %arg2[%add3A_49] : memref<16777216xf32, #tpu.memory_space<hbm>> -> memref<32768xf32, #tpu.memory_space<hbm>>
    %dma_wait3A_55 = tpu.memref_slice %arg2[%add3A_49] : memref<16777216xf32, #tpu.memory_space<hbm>> -> memref<32768xf32, #tpu.memory_space<hbm>>
    tpu.wait_dma2 semaphore(%arg7 : memref<!tpu.dma_semaphore, #tpu.memory_space<semaphore_mem>>) src(%dma_wait3A_55 : memref<32768xf32, #tpu.memory_space<hbm>>) dst(%arg4 : memref<32768xf32, #tpu.memory_space<vmem>>)
    %scan3A = arith.constant 0 : i32
    %scan3A_56 = arith.constant 0 : i32
    %scan3A_57 = arith.constant 256 : i32
    %scan3A_58 = arith.addi %scan3A_56, %scan3A_57 : i32
    %scan3A_59 = arith.constant 1 : i32
    scf.for %scan3A_237 = %scan3A_56 to %scan3A_58 step %scan3A_59  : i32 {
      %mul3A_238 = arith.constant 128 : i32
      %mul3A_239 = arith.muli %scan3A_237, %mul3A_238 : i32
      %add3A_240 = arith.constant 0 : i32
      %add3A_241 = arith.addi %mul3A_239, %add3A_240 : i32
      %get3A = arith.index_cast %add3A_241 : i32 to index
      %get3A_242 = tpu.vector_load %arg4[%get3A] {strides = array<i32>} : memref<32768xf32, #tpu.memory_space<vmem>>, vector<16xf32>,
      %mul3A_243 = arith.constant 2.000000e+01 : f32
      %mul3A_244 = vector.broadcast %mul3A_243 : f32 to vector<16xf32>
      %mul3A_245 = arith.mulf %get3A_242, %mul3A_244 : vector<16xf32>
      %convert_element_type3A = arith.fptosi %mul3A_245 : vector<16xf32> to vector<16xi32>
      %add3A_246 = arith.addi %convert_element_type3A, %mul3A_45 : vector<16xi32>
      tpu.vector_store_idx %arg6[%add3A_246], %broadcast_in_dim3A_47 {add = true} : memref<320xf32, #tpu.memory_space<vmem>>[vector<16xi32>], vector<16xf32>,
      %add3A_247 = arith.constant 16 : i32
      %add3A_248 = arith.addi %mul3A_239, %add3A_247 : i32
      %get3A_249 = arith.index_cast %add3A_248 : i32 to index
      %get3A_250 = tpu.vector_load %arg4[%get3A_249] {strides = array<i32>} : memref<32768xf32, #tpu.memory_space<vmem>>, vector<16xf32>,
      %mul3A_251 = arith.constant 2.000000e+01 : f32
      %mul3A_252 = vector.broadcast %mul3A_251 : f32 to vector<16xf32>
      %mul3A_253 = arith.mulf %get3A_250, %mul3A_252 : vector<16xf32>
      %convert_element_type3A_254 = arith.fptosi %mul3A_253 : vector<16xf32> to vector<16xi32>
      %add3A_255 = arith.addi %convert_element_type3A_254, %mul3A_45 : vector<16xi32>
      tpu.vector_store_idx %arg6[%add3A_255], %broadcast_in_dim3A_47 {add = true} : memref<320xf32, #tpu.memory_space<vmem>>[vector<16xi32>], vector<16xf32>,
      %add3A_256 = arith.constant 32 : i32
      %add3A_257 = arith.addi %mul3A_239, %add3A_256 : i32
      %get3A_258 = arith.index_cast %add3A_257 : i32 to index
      %get3A_259 = tpu.vector_load %arg4[%get3A_258] {strides = array<i32>} : memref<32768xf32, #tpu.memory_space<vmem>>, vector<16xf32>,
      %mul3A_260 = arith.constant 2.000000e+01 : f32
      %mul3A_261 = vector.broadcast %mul3A_260 : f32 to vector<16xf32>
      %mul3A_262 = arith.mulf %get3A_259, %mul3A_261 : vector<16xf32>
      %convert_element_type3A_263 = arith.fptosi %mul3A_262 : vector<16xf32> to vector<16xi32>
      %add3A_264 = arith.addi %convert_element_type3A_263, %mul3A_45 : vector<16xi32>
      tpu.vector_store_idx %arg6[%add3A_264], %broadcast_in_dim3A_47 {add = true} : memref<320xf32, #tpu.memory_space<vmem>>[vector<16xi32>], vector<16xf32>,
      %add3A_265 = arith.constant 48 : i32
      %add3A_266 = arith.addi %mul3A_239, %add3A_265 : i32
      %get3A_267 = arith.index_cast %add3A_266 : i32 to index
      %get3A_268 = tpu.vector_load %arg4[%get3A_267] {strides = array<i32>} : memref<32768xf32, #tpu.memory_space<vmem>>, vector<16xf32>,
      %mul3A_269 = arith.constant 2.000000e+01 : f32
      %mul3A_270 = vector.broadcast %mul3A_269 : f32 to vector<16xf32>
      %mul3A_271 = arith.mulf %get3A_268, %mul3A_270 : vector<16xf32>
      %convert_element_type3A_272 = arith.fptosi %mul3A_271 : vector<16xf32> to vector<16xi32>
      %add3A_273 = arith.addi %convert_element_type3A_272, %mul3A_45 : vector<16xi32>
      tpu.vector_store_idx %arg6[%add3A_273], %broadcast_in_dim3A_47 {add = true} : memref<320xf32, #tpu.memory_space<vmem>>[vector<16xi32>], vector<16xf32>,
      %add3A_274 = arith.constant 64 : i32
      %add3A_275 = arith.addi %mul3A_239, %add3A_274 : i32
      %get3A_276 = arith.index_cast %add3A_275 : i32 to index
      %get3A_277 = tpu.vector_load %arg4[%get3A_276] {strides = array<i32>} : memref<32768xf32, #tpu.memory_space<vmem>>, vector<16xf32>,
      %mul3A_278 = arith.constant 2.000000e+01 : f32
      %mul3A_279 = vector.broadcast %mul3A_278 : f32 to vector<16xf32>
      %mul3A_280 = arith.mulf %get3A_277, %mul3A_279 : vector<16xf32>
      %convert_element_type3A_281 = arith.fptosi %mul3A_280 : vector<16xf32> to vector<16xi32>
      %add3A_282 = arith.addi %convert_element_type3A_281, %mul3A_45 : vector<16xi32>
      tpu.vector_store_idx %arg6[%add3A_282], %broadcast_in_dim3A_47 {add = true} : memref<320xf32, #tpu.memory_space<vmem>>[vector<16xi32>], vector<16xf32>,
      %add3A_283 = arith.constant 80 : i32
      %add3A_284 = arith.addi %mul3A_239, %add3A_283 : i32
      %get3A_285 = arith.index_cast %add3A_284 : i32 to index
      %get3A_286 = tpu.vector_load %arg4[%get3A_285] {strides = array<i32>} : memref<32768xf32, #tpu.memory_space<vmem>>, vector<16xf32>,
      %mul3A_287 = arith.constant 2.000000e+01 : f32
      %mul3A_288 = vector.broadcast %mul3A_287 : f32 to vector<16xf32>
      %mul3A_289 = arith.mulf %get3A_286, %mul3A_288 : vector<16xf32>
      %convert_element_type3A_290 = arith.fptosi %mul3A_289 : vector<16xf32> to vector<16xi32>
      %add3A_291 = arith.addi %convert_element_type3A_290, %mul3A_45 : vector<16xi32>
      tpu.vector_store_idx %arg6[%add3A_291], %broadcast_in_dim3A_47 {add = true} : memref<320xf32, #tpu.memory_space<vmem>>[vector<16xi32>], vector<16xf32>,
      %add3A_292 = arith.constant 96 : i32
      %add3A_293 = arith.addi %mul3A_239, %add3A_292 : i32
      %get3A_294 = arith.index_cast %add3A_293 : i32 to index
      %get3A_295 = tpu.vector_load %arg4[%get3A_294] {strides = array<i32>} : memref<32768xf32, #tpu.memory_space<vmem>>, vector<16xf32>,
      %mul3A_296 = arith.constant 2.000000e+01 : f32
      %mul3A_297 = vector.broadcast %mul3A_296 : f32 to vector<16xf32>
      %mul3A_298 = arith.mulf %get3A_295, %mul3A_297 : vector<16xf32>
      %convert_element_type3A_299 = arith.fptosi %mul3A_298 : vector<16xf32> to vector<16xi32>
      %add3A_300 = arith.addi %convert_element_type3A_299, %mul3A_45 : vector<16xi32>
      tpu.vector_store_idx %arg6[%add3A_300], %broadcast_in_dim3A_47 {add = true} : memref<320xf32, #tpu.memory_space<vmem>>[vector<16xi32>], vector<16xf32>,
      %add3A_301 = arith.constant 112 : i32
      %add3A_302 = arith.addi %mul3A_239, %add3A_301 : i32
      %get3A_303 = arith.index_cast %add3A_302 : i32 to index
      %get3A_304 = tpu.vector_load %arg4[%get3A_303] {strides = array<i32>} : memref<32768xf32, #tpu.memory_space<vmem>>, vector<16xf32>,
      %mul3A_305 = arith.constant 2.000000e+01 : f32
      %mul3A_306 = vector.broadcast %mul3A_305 : f32 to vector<16xf32>
      %mul3A_307 = arith.mulf %get3A_304, %mul3A_306 : vector<16xf32>
      %convert_element_type3A_308 = arith.fptosi %mul3A_307 : vector<16xf32> to vector<16xi32>
      %add3A_309 = arith.addi %convert_element_type3A_308, %mul3A_45 : vector<16xi32>
      tpu.vector_store_idx %arg6[%add3A_309], %broadcast_in_dim3A_47 {add = true} : memref<320xf32, #tpu.memory_space<vmem>>[vector<16xi32>], vector<16xf32>,
    }
    %scan3A_60 = arith.constant 256 : i32
    %add3A_61 = arith.constant 65536 : i32
    %add3A_62 = arith.addi %mul3A_2, %add3A_61 : i32
    %dma_start3A_63 = tpu.memref_slice %arg2[%add3A_62] : memref<16777216xf32, #tpu.memory_space<hbm>> -> memref<32768xf32, #tpu.memory_space<hbm>>
    %dma_start3A_64 = tpu.memref_slice %arg2[%add3A_62] : memref<16777216xf32, #tpu.memory_space<hbm>> -> memref<32768xf32, #tpu.memory_space<hbm>>
    tpu.enqueue_dma source(%dma_start3A_64 : memref<32768xf32, #tpu.memory_space<hbm>>) target(%arg4 : memref<32768xf32, #tpu.memory_space<vmem>>) target_semaphore(%arg7 : memref<!tpu.dma_semaphore, #tpu.memory_space<semaphore_mem>>)
    %dma_wait3A_65 = tpu.memref_slice %arg2[%add3A_52] : memref<16777216xf32, #tpu.memory_space<hbm>> -> memref<32768xf32, #tpu.memory_space<hbm>>
    %dma_wait3A_66 = tpu.memref_slice %arg2[%add3A_52] : memref<16777216xf32, #tpu.memory_space<hbm>> -> memref<32768xf32, #tpu.memory_space<hbm>>
    tpu.wait_dma2 semaphore(%arg8 : memref<!tpu.dma_semaphore, #tpu.memory_space<semaphore_mem>>) src(%dma_wait3A_66 : memref<32768xf32, #tpu.memory_space<hbm>>) dst(%arg5 : memref<32768xf32, #tpu.memory_space<vmem>>)
    %scan3A_67 = arith.constant 0 : i32
    %scan3A_68 = arith.constant 0 : i32
    %scan3A_69 = arith.constant 256 : i32
    %scan3A_70 = arith.addi %scan3A_68, %scan3A_69 : i32
    %scan3A_71 = arith.constant 1 : i32
    scf.for %scan3A_237 = %scan3A_68 to %scan3A_70 step %scan3A_71  : i32 {
      %mul3A_238 = arith.constant 128 : i32
      %mul3A_239 = arith.muli %scan3A_237, %mul3A_238 : i32
      %add3A_240 = arith.constant 0 : i32
      %add3A_241 = arith.addi %mul3A_239, %add3A_240 : i32
      %get3A = arith.index_cast %add3A_241 : i32 to index
      %get3A_242 = tpu.vector_load %arg5[%get3A] {strides = array<i32>} : memref<32768xf32, #tpu.memory_space<vmem>>, vector<16xf32>,
      %mul3A_243 = arith.constant 2.000000e+01 : f32
      %mul3A_244 = vector.broadcast %mul3A_243 : f32 to vector<16xf32>
      %mul3A_245 = arith.mulf %get3A_242, %mul3A_244 : vector<16xf32>
      %convert_element_type3A = arith.fptosi %mul3A_245 : vector<16xf32> to vector<16xi32>
      %add3A_246 = arith.addi %convert_element_type3A, %mul3A_45 : vector<16xi32>
      tpu.vector_store_idx %arg6[%add3A_246], %broadcast_in_dim3A_47 {add = true} : memref<320xf32, #tpu.memory_space<vmem>>[vector<16xi32>], vector<16xf32>,
      %add3A_247 = arith.constant 16 : i32
      %add3A_248 = arith.addi %mul3A_239, %add3A_247 : i32
      %get3A_249 = arith.index_cast %add3A_248 : i32 to index
      %get3A_250 = tpu.vector_load %arg5[%get3A_249] {strides = array<i32>} : memref<32768xf32, #tpu.memory_space<vmem>>, vector<16xf32>,
      %mul3A_251 = arith.constant 2.000000e+01 : f32
      %mul3A_252 = vector.broadcast %mul3A_251 : f32 to vector<16xf32>
      %mul3A_253 = arith.mulf %get3A_250, %mul3A_252 : vector<16xf32>
      %convert_element_type3A_254 = arith.fptosi %mul3A_253 : vector<16xf32> to vector<16xi32>
      %add3A_255 = arith.addi %convert_element_type3A_254, %mul3A_45 : vector<16xi32>
      tpu.vector_store_idx %arg6[%add3A_255], %broadcast_in_dim3A_47 {add = true} : memref<320xf32, #tpu.memory_space<vmem>>[vector<16xi32>], vector<16xf32>,
      %add3A_256 = arith.constant 32 : i32
      %add3A_257 = arith.addi %mul3A_239, %add3A_256 : i32
      %get3A_258 = arith.index_cast %add3A_257 : i32 to index
      %get3A_259 = tpu.vector_load %arg5[%get3A_258] {strides = array<i32>} : memref<32768xf32, #tpu.memory_space<vmem>>, vector<16xf32>,
      %mul3A_260 = arith.constant 2.000000e+01 : f32
      %mul3A_261 = vector.broadcast %mul3A_260 : f32 to vector<16xf32>
      %mul3A_262 = arith.mulf %get3A_259, %mul3A_261 : vector<16xf32>
      %convert_element_type3A_263 = arith.fptosi %mul3A_262 : vector<16xf32> to vector<16xi32>
      %add3A_264 = arith.addi %convert_element_type3A_263, %mul3A_45 : vector<16xi32>
      tpu.vector_store_idx %arg6[%add3A_264], %broadcast_in_dim3A_47 {add = true} : memref<320xf32, #tpu.memory_space<vmem>>[vector<16xi32>], vector<16xf32>,
      %add3A_265 = arith.constant 48 : i32
      %add3A_266 = arith.addi %mul3A_239, %add3A_265 : i32
      %get3A_267 = arith.index_cast %add3A_266 : i32 to index
      %get3A_268 = tpu.vector_load %arg5[%get3A_267] {strides = array<i32>} : memref<32768xf32, #tpu.memory_space<vmem>>, vector<16xf32>,
      %mul3A_269 = arith.constant 2.000000e+01 : f32
      %mul3A_270 = vector.broadcast %mul3A_269 : f32 to vector<16xf32>
      %mul3A_271 = arith.mulf %get3A_268, %mul3A_270 : vector<16xf32>
      %convert_element_type3A_272 = arith.fptosi %mul3A_271 : vector<16xf32> to vector<16xi32>
      %add3A_273 = arith.addi %convert_element_type3A_272, %mul3A_45 : vector<16xi32>
      tpu.vector_store_idx %arg6[%add3A_273], %broadcast_in_dim3A_47 {add = true} : memref<320xf32, #tpu.memory_space<vmem>>[vector<16xi32>], vector<16xf32>,
      %add3A_274 = arith.constant 64 : i32
      %add3A_275 = arith.addi %mul3A_239, %add3A_274 : i32
      %get3A_276 = arith.index_cast %add3A_275 : i32 to index
      %get3A_277 = tpu.vector_load %arg5[%get3A_276] {strides = array<i32>} : memref<32768xf32, #tpu.memory_space<vmem>>, vector<16xf32>,
      %mul3A_278 = arith.constant 2.000000e+01 : f32
      %mul3A_279 = vector.broadcast %mul3A_278 : f32 to vector<16xf32>
      %mul3A_280 = arith.mulf %get3A_277, %mul3A_279 : vector<16xf32>
      %convert_element_type3A_281 = arith.fptosi %mul3A_280 : vector<16xf32> to vector<16xi32>
      %add3A_282 = arith.addi %convert_element_type3A_281, %mul3A_45 : vector<16xi32>
      tpu.vector_store_idx %arg6[%add3A_282], %broadcast_in_dim3A_47 {add = true} : memref<320xf32, #tpu.memory_space<vmem>>[vector<16xi32>], vector<16xf32>,
      %add3A_283 = arith.constant 80 : i32
      %add3A_284 = arith.addi %mul3A_239, %add3A_283 : i32
      %get3A_285 = arith.index_cast %add3A_284 : i32 to index
      %get3A_286 = tpu.vector_load %arg5[%get3A_285] {strides = array<i32>} : memref<32768xf32, #tpu.memory_space<vmem>>, vector<16xf32>,
      %mul3A_287 = arith.constant 2.000000e+01 : f32
      %mul3A_288 = vector.broadcast %mul3A_287 : f32 to vector<16xf32>
      %mul3A_289 = arith.mulf %get3A_286, %mul3A_288 : vector<16xf32>
      %convert_element_type3A_290 = arith.fptosi %mul3A_289 : vector<16xf32> to vector<16xi32>
      %add3A_291 = arith.addi %convert_element_type3A_290, %mul3A_45 : vector<16xi32>
      tpu.vector_store_idx %arg6[%add3A_291], %broadcast_in_dim3A_47 {add = true} : memref<320xf32, #tpu.memory_space<vmem>>[vector<16xi32>], vector<16xf32>,
      %add3A_292 = arith.constant 96 : i32
      %add3A_293 = arith.addi %mul3A_239, %add3A_292 : i32
      %get3A_294 = arith.index_cast %add3A_293 : i32 to index
      %get3A_295 = tpu.vector_load %arg5[%get3A_294] {strides = array<i32>} : memref<32768xf32, #tpu.memory_space<vmem>>, vector<16xf32>,
      %mul3A_296 = arith.constant 2.000000e+01 : f32
      %mul3A_297 = vector.broadcast %mul3A_296 : f32 to vector<16xf32>
      %mul3A_298 = arith.mulf %get3A_295, %mul3A_297 : vector<16xf32>
      %convert_element_type3A_299 = arith.fptosi %mul3A_298 : vector<16xf32> to vector<16xi32>
      %add3A_300 = arith.addi %convert_element_type3A_299, %mul3A_45 : vector<16xi32>
      tpu.vector_store_idx %arg6[%add3A_300], %broadcast_in_dim3A_47 {add = true} : memref<320xf32, #tpu.memory_space<vmem>>[vector<16xi32>], vector<16xf32>,
      %add3A_301 = arith.constant 112 : i32
      %add3A_302 = arith.addi %mul3A_239, %add3A_301 : i32
      %get3A_303 = arith.index_cast %add3A_302 : i32 to index
      %get3A_304 = tpu.vector_load %arg5[%get3A_303] {strides = array<i32>} : memref<32768xf32, #tpu.memory_space<vmem>>, vector<16xf32>,
      %mul3A_305 = arith.constant 2.000000e+01 : f32
      %mul3A_306 = vector.broadcast %mul3A_305 : f32 to vector<16xf32>
      %mul3A_307 = arith.mulf %get3A_304, %mul3A_306 : vector<16xf32>
      %convert_element_type3A_308 = arith.fptosi %mul3A_307 : vector<16xf32> to vector<16xi32>
      %add3A_309 = arith.addi %convert_element_type3A_308, %mul3A_45 : vector<16xi32>
      tpu.vector_store_idx %arg6[%add3A_309], %broadcast_in_dim3A_47 {add = true} : memref<320xf32, #tpu.memory_space<vmem>>[vector<16xi32>], vector<16xf32>,
    }
    %scan3A_72 = arith.constant 256 : i32
    %add3A_73 = arith.constant 98304 : i32
    %add3A_74 = arith.addi %mul3A_2, %add3A_73 : i32
    %dma_start3A_75 = tpu.memref_slice %arg2[%add3A_74] : memref<16777216xf32, #tpu.memory_space<hbm>> -> memref<32768xf32, #tpu.memory_space<hbm>>
    %dma_start3A_76 = tpu.memref_slice %arg2[%add3A_74] : memref<16777216xf32, #tpu.memory_space<hbm>> -> memref<32768xf32, #tpu.memory_space<hbm>>
    tpu.enqueue_dma source(%dma_start3A_76 : memref<32768xf32, #tpu.memory_space<hbm>>) target(%arg5 : memref<32768xf32, #tpu.memory_space<vmem>>) target_semaphore(%arg8 : memref<!tpu.dma_semaphore, #tpu.memory_space<semaphore_mem>>)
    %dma_wait3A_77 = tpu.memref_slice %arg2[%add3A_62] : memref<16777216xf32, #tpu.memory_space<hbm>> -> memref<32768xf32, #tpu.memory_space<hbm>>
    %dma_wait3A_78 = tpu.memref_slice %arg2[%add3A_62] : memref<16777216xf32, #tpu.memory_space<hbm>> -> memref<32768xf32, #tpu.memory_space<hbm>>
    tpu.wait_dma2 semaphore(%arg7 : memref<!tpu.dma_semaphore, #tpu.memory_space<semaphore_mem>>) src(%dma_wait3A_78 : memref<32768xf32, #tpu.memory_space<hbm>>) dst(%arg4 : memref<32768xf32, #tpu.memory_space<vmem>>)
    %scan3A_79 = arith.constant 0 : i32
    %scan3A_80 = arith.constant 0 : i32
    %scan3A_81 = arith.constant 256 : i32
    %scan3A_82 = arith.addi %scan3A_80, %scan3A_81 : i32
    %scan3A_83 = arith.constant 1 : i32
    scf.for %scan3A_237 = %scan3A_80 to %scan3A_82 step %scan3A_83  : i32 {
      %mul3A_238 = arith.constant 128 : i32
      %mul3A_239 = arith.muli %scan3A_237, %mul3A_238 : i32
      %add3A_240 = arith.constant 0 : i32
      %add3A_241 = arith.addi %mul3A_239, %add3A_240 : i32
      %get3A = arith.index_cast %add3A_241 : i32 to index
      %get3A_242 = tpu.vector_load %arg4[%get3A] {strides = array<i32>} : memref<32768xf32, #tpu.memory_space<vmem>>, vector<16xf32>,
      %mul3A_243 = arith.constant 2.000000e+01 : f32
      %mul3A_244 = vector.broadcast %mul3A_243 : f32 to vector<16xf32>
      %mul3A_245 = arith.mulf %get3A_242, %mul3A_244 : vector<16xf32>
      %convert_element_type3A = arith.fptosi %mul3A_245 : vector<16xf32> to vector<16xi32>
      %add3A_246 = arith.addi %convert_element_type3A, %mul3A_45 : vector<16xi32>
      tpu.vector_store_idx %arg6[%add3A_246], %broadcast_in_dim3A_47 {add = true} : memref<320xf32, #tpu.memory_space<vmem>>[vector<16xi32>], vector<16xf32>,
      %add3A_247 = arith.constant 16 : i32
      %add3A_248 = arith.addi %mul3A_239, %add3A_247 : i32
      %get3A_249 = arith.index_cast %add3A_248 : i32 to index
      %get3A_250 = tpu.vector_load %arg4[%get3A_249] {strides = array<i32>} : memref<32768xf32, #tpu.memory_space<vmem>>, vector<16xf32>,
      %mul3A_251 = arith.constant 2.000000e+01 : f32
      %mul3A_252 = vector.broadcast %mul3A_251 : f32 to vector<16xf32>
      %mul3A_253 = arith.mulf %get3A_250, %mul3A_252 : vector<16xf32>
      %convert_element_type3A_254 = arith.fptosi %mul3A_253 : vector<16xf32> to vector<16xi32>
      %add3A_255 = arith.addi %convert_element_type3A_254, %mul3A_45 : vector<16xi32>
      tpu.vector_store_idx %arg6[%add3A_255], %broadcast_in_dim3A_47 {add = true} : memref<320xf32, #tpu.memory_space<vmem>>[vector<16xi32>], vector<16xf32>,
      %add3A_256 = arith.constant 32 : i32
      %add3A_257 = arith.addi %mul3A_239, %add3A_256 : i32
      %get3A_258 = arith.index_cast %add3A_257 : i32 to index
      %get3A_259 = tpu.vector_load %arg4[%get3A_258] {strides = array<i32>} : memref<32768xf32, #tpu.memory_space<vmem>>, vector<16xf32>,
      %mul3A_260 = arith.constant 2.000000e+01 : f32
      %mul3A_261 = vector.broadcast %mul3A_260 : f32 to vector<16xf32>
      %mul3A_262 = arith.mulf %get3A_259, %mul3A_261 : vector<16xf32>
      %convert_element_type3A_263 = arith.fptosi %mul3A_262 : vector<16xf32> to vector<16xi32>
      %add3A_264 = arith.addi %convert_element_type3A_263, %mul3A_45 : vector<16xi32>
      tpu.vector_store_idx %arg6[%add3A_264], %broadcast_in_dim3A_47 {add = true} : memref<320xf32, #tpu.memory_space<vmem>>[vector<16xi32>], vector<16xf32>,
      %add3A_265 = arith.constant 48 : i32
      %add3A_266 = arith.addi %mul3A_239, %add3A_265 : i32
      %get3A_267 = arith.index_cast %add3A_266 : i32 to index
      %get3A_268 = tpu.vector_load %arg4[%get3A_267] {strides = array<i32>} : memref<32768xf32, #tpu.memory_space<vmem>>, vector<16xf32>,
      %mul3A_269 = arith.constant 2.000000e+01 : f32
      %mul3A_270 = vector.broadcast %mul3A_269 : f32 to vector<16xf32>
      %mul3A_271 = arith.mulf %get3A_268, %mul3A_270 : vector<16xf32>
      %convert_element_type3A_272 = arith.fptosi %mul3A_271 : vector<16xf32> to vector<16xi32>
      %add3A_273 = arith.addi %convert_element_type3A_272, %mul3A_45 : vector<16xi32>
      tpu.vector_store_idx %arg6[%add3A_273], %broadcast_in_dim3A_47 {add = true} : memref<320xf32, #tpu.memory_space<vmem>>[vector<16xi32>], vector<16xf32>,
      %add3A_274 = arith.constant 64 : i32
      %add3A_275 = arith.addi %mul3A_239, %add3A_274 : i32
      %get3A_276 = arith.index_cast %add3A_275 : i32 to index
      %get3A_277 = tpu.vector_load %arg4[%get3A_276] {strides = array<i32>} : memref<32768xf32, #tpu.memory_space<vmem>>, vector<16xf32>,
      %mul3A_278 = arith.constant 2.000000e+01 : f32
      %mul3A_279 = vector.broadcast %mul3A_278 : f32 to vector<16xf32>
      %mul3A_280 = arith.mulf %get3A_277, %mul3A_279 : vector<16xf32>
      %convert_element_type3A_281 = arith.fptosi %mul3A_280 : vector<16xf32> to vector<16xi32>
      %add3A_282 = arith.addi %convert_element_type3A_281, %mul3A_45 : vector<16xi32>
      tpu.vector_store_idx %arg6[%add3A_282], %broadcast_in_dim3A_47 {add = true} : memref<320xf32, #tpu.memory_space<vmem>>[vector<16xi32>], vector<16xf32>,
      %add3A_283 = arith.constant 80 : i32
      %add3A_284 = arith.addi %mul3A_239, %add3A_283 : i32
      %get3A_285 = arith.index_cast %add3A_284 : i32 to index
      %get3A_286 = tpu.vector_load %arg4[%get3A_285] {strides = array<i32>} : memref<32768xf32, #tpu.memory_space<vmem>>, vector<16xf32>,
      %mul3A_287 = arith.constant 2.000000e+01 : f32
      %mul3A_288 = vector.broadcast %mul3A_287 : f32 to vector<16xf32>
      %mul3A_289 = arith.mulf %get3A_286, %mul3A_288 : vector<16xf32>
      %convert_element_type3A_290 = arith.fptosi %mul3A_289 : vector<16xf32> to vector<16xi32>
      %add3A_291 = arith.addi %convert_element_type3A_290, %mul3A_45 : vector<16xi32>
      tpu.vector_store_idx %arg6[%add3A_291], %broadcast_in_dim3A_47 {add = true} : memref<320xf32, #tpu.memory_space<vmem>>[vector<16xi32>], vector<16xf32>,
      %add3A_292 = arith.constant 96 : i32
      %add3A_293 = arith.addi %mul3A_239, %add3A_292 : i32
      %get3A_294 = arith.index_cast %add3A_293 : i32 to index
      %get3A_295 = tpu.vector_load %arg4[%get3A_294] {strides = array<i32>} : memref<32768xf32, #tpu.memory_space<vmem>>, vector<16xf32>,
      %mul3A_296 = arith.constant 2.000000e+01 : f32
      %mul3A_297 = vector.broadcast %mul3A_296 : f32 to vector<16xf32>
      %mul3A_298 = arith.mulf %get3A_295, %mul3A_297 : vector<16xf32>
      %convert_element_type3A_299 = arith.fptosi %mul3A_298 : vector<16xf32> to vector<16xi32>
      %add3A_300 = arith.addi %convert_element_type3A_299, %mul3A_45 : vector<16xi32>
      tpu.vector_store_idx %arg6[%add3A_300], %broadcast_in_dim3A_47 {add = true} : memref<320xf32, #tpu.memory_space<vmem>>[vector<16xi32>], vector<16xf32>,
      %add3A_301 = arith.constant 112 : i32
      %add3A_302 = arith.addi %mul3A_239, %add3A_301 : i32
      %get3A_303 = arith.index_cast %add3A_302 : i32 to index
      %get3A_304 = tpu.vector_load %arg4[%get3A_303] {strides = array<i32>} : memref<32768xf32, #tpu.memory_space<vmem>>, vector<16xf32>,
      %mul3A_305 = arith.constant 2.000000e+01 : f32
      %mul3A_306 = vector.broadcast %mul3A_305 : f32 to vector<16xf32>
      %mul3A_307 = arith.mulf %get3A_304, %mul3A_306 : vector<16xf32>
      %convert_element_type3A_308 = arith.fptosi %mul3A_307 : vector<16xf32> to vector<16xi32>
      %add3A_309 = arith.addi %convert_element_type3A_308, %mul3A_45 : vector<16xi32>
      tpu.vector_store_idx %arg6[%add3A_309], %broadcast_in_dim3A_47 {add = true} : memref<320xf32, #tpu.memory_space<vmem>>[vector<16xi32>], vector<16xf32>,
    }
    %scan3A_84 = arith.constant 256 : i32
    %add3A_85 = arith.constant 131072 : i32
    %add3A_86 = arith.addi %mul3A_2, %add3A_85 : i32
    %dma_start3A_87 = tpu.memref_slice %arg2[%add3A_86] : memref<16777216xf32, #tpu.memory_space<hbm>> -> memref<32768xf32, #tpu.memory_space<hbm>>
    %dma_start3A_88 = tpu.memref_slice %arg2[%add3A_86] : memref<16777216xf32, #tpu.memory_space<hbm>> -> memref<32768xf32, #tpu.memory_space<hbm>>
    tpu.enqueue_dma source(%dma_start3A_88 : memref<32768xf32, #tpu.memory_space<hbm>>) target(%arg4 : memref<32768xf32, #tpu.memory_space<vmem>>) target_semaphore(%arg7 : memref<!tpu.dma_semaphore, #tpu.memory_space<semaphore_mem>>)
    %dma_wait3A_89 = tpu.memref_slice %arg2[%add3A_74] : memref<16777216xf32, #tpu.memory_space<hbm>> -> memref<32768xf32, #tpu.memory_space<hbm>>
    %dma_wait3A_90 = tpu.memref_slice %arg2[%add3A_74] : memref<16777216xf32, #tpu.memory_space<hbm>> -> memref<32768xf32, #tpu.memory_space<hbm>>
    tpu.wait_dma2 semaphore(%arg8 : memref<!tpu.dma_semaphore, #tpu.memory_space<semaphore_mem>>) src(%dma_wait3A_90 : memref<32768xf32, #tpu.memory_space<hbm>>) dst(%arg5 : memref<32768xf32, #tpu.memory_space<vmem>>)
    %scan3A_91 = arith.constant 0 : i32
    %scan3A_92 = arith.constant 0 : i32
    %scan3A_93 = arith.constant 256 : i32
    %scan3A_94 = arith.addi %scan3A_92, %scan3A_93 : i32
    %scan3A_95 = arith.constant 1 : i32
    scf.for %scan3A_237 = %scan3A_92 to %scan3A_94 step %scan3A_95  : i32 {
      %mul3A_238 = arith.constant 128 : i32
      %mul3A_239 = arith.muli %scan3A_237, %mul3A_238 : i32
      %add3A_240 = arith.constant 0 : i32
      %add3A_241 = arith.addi %mul3A_239, %add3A_240 : i32
      %get3A = arith.index_cast %add3A_241 : i32 to index
      %get3A_242 = tpu.vector_load %arg5[%get3A] {strides = array<i32>} : memref<32768xf32, #tpu.memory_space<vmem>>, vector<16xf32>,
      %mul3A_243 = arith.constant 2.000000e+01 : f32
      %mul3A_244 = vector.broadcast %mul3A_243 : f32 to vector<16xf32>
      %mul3A_245 = arith.mulf %get3A_242, %mul3A_244 : vector<16xf32>
      %convert_element_type3A = arith.fptosi %mul3A_245 : vector<16xf32> to vector<16xi32>
      %add3A_246 = arith.addi %convert_element_type3A, %mul3A_45 : vector<16xi32>
      tpu.vector_store_idx %arg6[%add3A_246], %broadcast_in_dim3A_47 {add = true} : memref<320xf32, #tpu.memory_space<vmem>>[vector<16xi32>], vector<16xf32>,
      %add3A_247 = arith.constant 16 : i32
      %add3A_248 = arith.addi %mul3A_239, %add3A_247 : i32
      %get3A_249 = arith.index_cast %add3A_248 : i32 to index
      %get3A_250 = tpu.vector_load %arg5[%get3A_249] {strides = array<i32>} : memref<32768xf32, #tpu.memory_space<vmem>>, vector<16xf32>,
      %mul3A_251 = arith.constant 2.000000e+01 : f32
      %mul3A_252 = vector.broadcast %mul3A_251 : f32 to vector<16xf32>
      %mul3A_253 = arith.mulf %get3A_250, %mul3A_252 : vector<16xf32>
      %convert_element_type3A_254 = arith.fptosi %mul3A_253 : vector<16xf32> to vector<16xi32>
      %add3A_255 = arith.addi %convert_element_type3A_254, %mul3A_45 : vector<16xi32>
      tpu.vector_store_idx %arg6[%add3A_255], %broadcast_in_dim3A_47 {add = true} : memref<320xf32, #tpu.memory_space<vmem>>[vector<16xi32>], vector<16xf32>,
      %add3A_256 = arith.constant 32 : i32
      %add3A_257 = arith.addi %mul3A_239, %add3A_256 : i32
      %get3A_258 = arith.index_cast %add3A_257 : i32 to index
      %get3A_259 = tpu.vector_load %arg5[%get3A_258] {strides = array<i32>} : memref<32768xf32, #tpu.memory_space<vmem>>, vector<16xf32>,
      %mul3A_260 = arith.constant 2.000000e+01 : f32
      %mul3A_261 = vector.broadcast %mul3A_260 : f32 to vector<16xf32>
      %mul3A_262 = arith.mulf %get3A_259, %mul3A_261 : vector<16xf32>
      %convert_element_type3A_263 = arith.fptosi %mul3A_262 : vector<16xf32> to vector<16xi32>
      %add3A_264 = arith.addi %convert_element_type3A_263, %mul3A_45 : vector<16xi32>
      tpu.vector_store_idx %arg6[%add3A_264], %broadcast_in_dim3A_47 {add = true} : memref<320xf32, #tpu.memory_space<vmem>>[vector<16xi32>], vector<16xf32>,
      %add3A_265 = arith.constant 48 : i32
      %add3A_266 = arith.addi %mul3A_239, %add3A_265 : i32
      %get3A_267 = arith.index_cast %add3A_266 : i32 to index
      %get3A_268 = tpu.vector_load %arg5[%get3A_267] {strides = array<i32>} : memref<32768xf32, #tpu.memory_space<vmem>>, vector<16xf32>,
      %mul3A_269 = arith.constant 2.000000e+01 : f32
      %mul3A_270 = vector.broadcast %mul3A_269 : f32 to vector<16xf32>
      %mul3A_271 = arith.mulf %get3A_268, %mul3A_270 : vector<16xf32>
      %convert_element_type3A_272 = arith.fptosi %mul3A_271 : vector<16xf32> to vector<16xi32>
      %add3A_273 = arith.addi %convert_element_type3A_272, %mul3A_45 : vector<16xi32>
      tpu.vector_store_idx %arg6[%add3A_273], %broadcast_in_dim3A_47 {add = true} : memref<320xf32, #tpu.memory_space<vmem>>[vector<16xi32>], vector<16xf32>,
      %add3A_274 = arith.constant 64 : i32
      %add3A_275 = arith.addi %mul3A_239, %add3A_274 : i32
      %get3A_276 = arith.index_cast %add3A_275 : i32 to index
      %get3A_277 = tpu.vector_load %arg5[%get3A_276] {strides = array<i32>} : memref<32768xf32, #tpu.memory_space<vmem>>, vector<16xf32>,
      %mul3A_278 = arith.constant 2.000000e+01 : f32
      %mul3A_279 = vector.broadcast %mul3A_278 : f32 to vector<16xf32>
      %mul3A_280 = arith.mulf %get3A_277, %mul3A_279 : vector<16xf32>
      %convert_element_type3A_281 = arith.fptosi %mul3A_280 : vector<16xf32> to vector<16xi32>
      %add3A_282 = arith.addi %convert_element_type3A_281, %mul3A_45 : vector<16xi32>
      tpu.vector_store_idx %arg6[%add3A_282], %broadcast_in_dim3A_47 {add = true} : memref<320xf32, #tpu.memory_space<vmem>>[vector<16xi32>], vector<16xf32>,
      %add3A_283 = arith.constant 80 : i32
      %add3A_284 = arith.addi %mul3A_239, %add3A_283 : i32
      %get3A_285 = arith.index_cast %add3A_284 : i32 to index
      %get3A_286 = tpu.vector_load %arg5[%get3A_285] {strides = array<i32>} : memref<32768xf32, #tpu.memory_space<vmem>>, vector<16xf32>,
      %mul3A_287 = arith.constant 2.000000e+01 : f32
      %mul3A_288 = vector.broadcast %mul3A_287 : f32 to vector<16xf32>
      %mul3A_289 = arith.mulf %get3A_286, %mul3A_288 : vector<16xf32>
      %convert_element_type3A_290 = arith.fptosi %mul3A_289 : vector<16xf32> to vector<16xi32>
      %add3A_291 = arith.addi %convert_element_type3A_290, %mul3A_45 : vector<16xi32>
      tpu.vector_store_idx %arg6[%add3A_291], %broadcast_in_dim3A_47 {add = true} : memref<320xf32, #tpu.memory_space<vmem>>[vector<16xi32>], vector<16xf32>,
      %add3A_292 = arith.constant 96 : i32
      %add3A_293 = arith.addi %mul3A_239, %add3A_292 : i32
      %get3A_294 = arith.index_cast %add3A_293 : i32 to index
      %get3A_295 = tpu.vector_load %arg5[%get3A_294] {strides = array<i32>} : memref<32768xf32, #tpu.memory_space<vmem>>, vector<16xf32>,
      %mul3A_296 = arith.constant 2.000000e+01 : f32
      %mul3A_297 = vector.broadcast %mul3A_296 : f32 to vector<16xf32>
      %mul3A_298 = arith.mulf %get3A_295, %mul3A_297 : vector<16xf32>
      %convert_element_type3A_299 = arith.fptosi %mul3A_298 : vector<16xf32> to vector<16xi32>
      %add3A_300 = arith.addi %convert_element_type3A_299, %mul3A_45 : vector<16xi32>
      tpu.vector_store_idx %arg6[%add3A_300], %broadcast_in_dim3A_47 {add = true} : memref<320xf32, #tpu.memory_space<vmem>>[vector<16xi32>], vector<16xf32>,
      %add3A_301 = arith.constant 112 : i32
      %add3A_302 = arith.addi %mul3A_239, %add3A_301 : i32
      %get3A_303 = arith.index_cast %add3A_302 : i32 to index
      %get3A_304 = tpu.vector_load %arg5[%get3A_303] {strides = array<i32>} : memref<32768xf32, #tpu.memory_space<vmem>>, vector<16xf32>,
      %mul3A_305 = arith.constant 2.000000e+01 : f32
      %mul3A_306 = vector.broadcast %mul3A_305 : f32 to vector<16xf32>
      %mul3A_307 = arith.mulf %get3A_304, %mul3A_306 : vector<16xf32>
      %convert_element_type3A_308 = arith.fptosi %mul3A_307 : vector<16xf32> to vector<16xi32>
      %add3A_309 = arith.addi %convert_element_type3A_308, %mul3A_45 : vector<16xi32>
      tpu.vector_store_idx %arg6[%add3A_309], %broadcast_in_dim3A_47 {add = true} : memref<320xf32, #tpu.memory_space<vmem>>[vector<16xi32>], vector<16xf32>,
    }
    %scan3A_96 = arith.constant 256 : i32
    %add3A_97 = arith.constant 163840 : i32
    %add3A_98 = arith.addi %mul3A_2, %add3A_97 : i32
    %dma_start3A_99 = tpu.memref_slice %arg2[%add3A_98] : memref<16777216xf32, #tpu.memory_space<hbm>> -> memref<32768xf32, #tpu.memory_space<hbm>>
    %dma_start3A_100 = tpu.memref_slice %arg2[%add3A_98] : memref<16777216xf32, #tpu.memory_space<hbm>> -> memref<32768xf32, #tpu.memory_space<hbm>>
    tpu.enqueue_dma source(%dma_start3A_100 : memref<32768xf32, #tpu.memory_space<hbm>>) target(%arg5 : memref<32768xf32, #tpu.memory_space<vmem>>) target_semaphore(%arg8 : memref<!tpu.dma_semaphore, #tpu.memory_space<semaphore_mem>>)
    %dma_wait3A_101 = tpu.memref_slice %arg2[%add3A_86] : memref<16777216xf32, #tpu.memory_space<hbm>> -> memref<32768xf32, #tpu.memory_space<hbm>>
    %dma_wait3A_102 = tpu.memref_slice %arg2[%add3A_86] : memref<16777216xf32, #tpu.memory_space<hbm>> -> memref<32768xf32, #tpu.memory_space<hbm>>
    tpu.wait_dma2 semaphore(%arg7 : memref<!tpu.dma_semaphore, #tpu.memory_space<semaphore_mem>>) src(%dma_wait3A_102 : memref<32768xf32, #tpu.memory_space<hbm>>) dst(%arg4 : memref<32768xf32, #tpu.memory_space<vmem>>)
    %scan3A_103 = arith.constant 0 : i32
    %scan3A_104 = arith.constant 0 : i32
    %scan3A_105 = arith.constant 256 : i32
    %scan3A_106 = arith.addi %scan3A_104, %scan3A_105 : i32
    %scan3A_107 = arith.constant 1 : i32
    scf.for %scan3A_237 = %scan3A_104 to %scan3A_106 step %scan3A_107  : i32 {
      %mul3A_238 = arith.constant 128 : i32
      %mul3A_239 = arith.muli %scan3A_237, %mul3A_238 : i32
      %add3A_240 = arith.constant 0 : i32
      %add3A_241 = arith.addi %mul3A_239, %add3A_240 : i32
      %get3A = arith.index_cast %add3A_241 : i32 to index
      %get3A_242 = tpu.vector_load %arg4[%get3A] {strides = array<i32>} : memref<32768xf32, #tpu.memory_space<vmem>>, vector<16xf32>,
      %mul3A_243 = arith.constant 2.000000e+01 : f32
      %mul3A_244 = vector.broadcast %mul3A_243 : f32 to vector<16xf32>
      %mul3A_245 = arith.mulf %get3A_242, %mul3A_244 : vector<16xf32>
      %convert_element_type3A = arith.fptosi %mul3A_245 : vector<16xf32> to vector<16xi32>
      %add3A_246 = arith.addi %convert_element_type3A, %mul3A_45 : vector<16xi32>
      tpu.vector_store_idx %arg6[%add3A_246], %broadcast_in_dim3A_47 {add = true} : memref<320xf32, #tpu.memory_space<vmem>>[vector<16xi32>], vector<16xf32>,
      %add3A_247 = arith.constant 16 : i32
      %add3A_248 = arith.addi %mul3A_239, %add3A_247 : i32
      %get3A_249 = arith.index_cast %add3A_248 : i32 to index
      %get3A_250 = tpu.vector_load %arg4[%get3A_249] {strides = array<i32>} : memref<32768xf32, #tpu.memory_space<vmem>>, vector<16xf32>,
      %mul3A_251 = arith.constant 2.000000e+01 : f32
      %mul3A_252 = vector.broadcast %mul3A_251 : f32 to vector<16xf32>
      %mul3A_253 = arith.mulf %get3A_250, %mul3A_252 : vector<16xf32>
      %convert_element_type3A_254 = arith.fptosi %mul3A_253 : vector<16xf32> to vector<16xi32>
      %add3A_255 = arith.addi %convert_element_type3A_254, %mul3A_45 : vector<16xi32>
      tpu.vector_store_idx %arg6[%add3A_255], %broadcast_in_dim3A_47 {add = true} : memref<320xf32, #tpu.memory_space<vmem>>[vector<16xi32>], vector<16xf32>,
      %add3A_256 = arith.constant 32 : i32
      %add3A_257 = arith.addi %mul3A_239, %add3A_256 : i32
      %get3A_258 = arith.index_cast %add3A_257 : i32 to index
      %get3A_259 = tpu.vector_load %arg4[%get3A_258] {strides = array<i32>} : memref<32768xf32, #tpu.memory_space<vmem>>, vector<16xf32>,
      %mul3A_260 = arith.constant 2.000000e+01 : f32
      %mul3A_261 = vector.broadcast %mul3A_260 : f32 to vector<16xf32>
      %mul3A_262 = arith.mulf %get3A_259, %mul3A_261 : vector<16xf32>
      %convert_element_type3A_263 = arith.fptosi %mul3A_262 : vector<16xf32> to vector<16xi32>
      %add3A_264 = arith.addi %convert_element_type3A_263, %mul3A_45 : vector<16xi32>
      tpu.vector_store_idx %arg6[%add3A_264], %broadcast_in_dim3A_47 {add = true} : memref<320xf32, #tpu.memory_space<vmem>>[vector<16xi32>], vector<16xf32>,
      %add3A_265 = arith.constant 48 : i32
      %add3A_266 = arith.addi %mul3A_239, %add3A_265 : i32
      %get3A_267 = arith.index_cast %add3A_266 : i32 to index
      %get3A_268 = tpu.vector_load %arg4[%get3A_267] {strides = array<i32>} : memref<32768xf32, #tpu.memory_space<vmem>>, vector<16xf32>,
      %mul3A_269 = arith.constant 2.000000e+01 : f32
      %mul3A_270 = vector.broadcast %mul3A_269 : f32 to vector<16xf32>
      %mul3A_271 = arith.mulf %get3A_268, %mul3A_270 : vector<16xf32>
      %convert_element_type3A_272 = arith.fptosi %mul3A_271 : vector<16xf32> to vector<16xi32>
      %add3A_273 = arith.addi %convert_element_type3A_272, %mul3A_45 : vector<16xi32>
      tpu.vector_store_idx %arg6[%add3A_273], %broadcast_in_dim3A_47 {add = true} : memref<320xf32, #tpu.memory_space<vmem>>[vector<16xi32>], vector<16xf32>,
      %add3A_274 = arith.constant 64 : i32
      %add3A_275 = arith.addi %mul3A_239, %add3A_274 : i32
      %get3A_276 = arith.index_cast %add3A_275 : i32 to index
      %get3A_277 = tpu.vector_load %arg4[%get3A_276] {strides = array<i32>} : memref<32768xf32, #tpu.memory_space<vmem>>, vector<16xf32>,
      %mul3A_278 = arith.constant 2.000000e+01 : f32
      %mul3A_279 = vector.broadcast %mul3A_278 : f32 to vector<16xf32>
      %mul3A_280 = arith.mulf %get3A_277, %mul3A_279 : vector<16xf32>
      %convert_element_type3A_281 = arith.fptosi %mul3A_280 : vector<16xf32> to vector<16xi32>
      %add3A_282 = arith.addi %convert_element_type3A_281, %mul3A_45 : vector<16xi32>
      tpu.vector_store_idx %arg6[%add3A_282], %broadcast_in_dim3A_47 {add = true} : memref<320xf32, #tpu.memory_space<vmem>>[vector<16xi32>], vector<16xf32>,
      %add3A_283 = arith.constant 80 : i32
      %add3A_284 = arith.addi %mul3A_239, %add3A_283 : i32
      %get3A_285 = arith.index_cast %add3A_284 : i32 to index
      %get3A_286 = tpu.vector_load %arg4[%get3A_285] {strides = array<i32>} : memref<32768xf32, #tpu.memory_space<vmem>>, vector<16xf32>,
      %mul3A_287 = arith.constant 2.000000e+01 : f32
      %mul3A_288 = vector.broadcast %mul3A_287 : f32 to vector<16xf32>
      %mul3A_289 = arith.mulf %get3A_286, %mul3A_288 : vector<16xf32>
      %convert_element_type3A_290 = arith.fptosi %mul3A_289 : vector<16xf32> to vector<16xi32>
      %add3A_291 = arith.addi %convert_element_type3A_290, %mul3A_45 : vector<16xi32>
      tpu.vector_store_idx %arg6[%add3A_291], %broadcast_in_dim3A_47 {add = true} : memref<320xf32, #tpu.memory_space<vmem>>[vector<16xi32>], vector<16xf32>,
      %add3A_292 = arith.constant 96 : i32
      %add3A_293 = arith.addi %mul3A_239, %add3A_292 : i32
      %get3A_294 = arith.index_cast %add3A_293 : i32 to index
      %get3A_295 = tpu.vector_load %arg4[%get3A_294] {strides = array<i32>} : memref<32768xf32, #tpu.memory_space<vmem>>, vector<16xf32>,
      %mul3A_296 = arith.constant 2.000000e+01 : f32
      %mul3A_297 = vector.broadcast %mul3A_296 : f32 to vector<16xf32>
      %mul3A_298 = arith.mulf %get3A_295, %mul3A_297 : vector<16xf32>
      %convert_element_type3A_299 = arith.fptosi %mul3A_298 : vector<16xf32> to vector<16xi32>
      %add3A_300 = arith.addi %convert_element_type3A_299, %mul3A_45 : vector<16xi32>
      tpu.vector_store_idx %arg6[%add3A_300], %broadcast_in_dim3A_47 {add = true} : memref<320xf32, #tpu.memory_space<vmem>>[vector<16xi32>], vector<16xf32>,
      %add3A_301 = arith.constant 112 : i32
      %add3A_302 = arith.addi %mul3A_239, %add3A_301 : i32
      %get3A_303 = arith.index_cast %add3A_302 : i32 to index
      %get3A_304 = tpu.vector_load %arg4[%get3A_303] {strides = array<i32>} : memref<32768xf32, #tpu.memory_space<vmem>>, vector<16xf32>,
      %mul3A_305 = arith.constant 2.000000e+01 : f32
      %mul3A_306 = vector.broadcast %mul3A_305 : f32 to vector<16xf32>
      %mul3A_307 = arith.mulf %get3A_304, %mul3A_306 : vector<16xf32>
      %convert_element_type3A_308 = arith.fptosi %mul3A_307 : vector<16xf32> to vector<16xi32>
      %add3A_309 = arith.addi %convert_element_type3A_308, %mul3A_45 : vector<16xi32>
      tpu.vector_store_idx %arg6[%add3A_309], %broadcast_in_dim3A_47 {add = true} : memref<320xf32, #tpu.memory_space<vmem>>[vector<16xi32>], vector<16xf32>,
    }
    %scan3A_108 = arith.constant 256 : i32
    %add3A_109 = arith.constant 196608 : i32
    %add3A_110 = arith.addi %mul3A_2, %add3A_109 : i32
    %dma_start3A_111 = tpu.memref_slice %arg2[%add3A_110] : memref<16777216xf32, #tpu.memory_space<hbm>> -> memref<32768xf32, #tpu.memory_space<hbm>>
    %dma_start3A_112 = tpu.memref_slice %arg2[%add3A_110] : memref<16777216xf32, #tpu.memory_space<hbm>> -> memref<32768xf32, #tpu.memory_space<hbm>>
    tpu.enqueue_dma source(%dma_start3A_112 : memref<32768xf32, #tpu.memory_space<hbm>>) target(%arg4 : memref<32768xf32, #tpu.memory_space<vmem>>) target_semaphore(%arg7 : memref<!tpu.dma_semaphore, #tpu.memory_space<semaphore_mem>>)
    %dma_wait3A_113 = tpu.memref_slice %arg2[%add3A_98] : memref<16777216xf32, #tpu.memory_space<hbm>> -> memref<32768xf32, #tpu.memory_space<hbm>>
    %dma_wait3A_114 = tpu.memref_slice %arg2[%add3A_98] : memref<16777216xf32, #tpu.memory_space<hbm>> -> memref<32768xf32, #tpu.memory_space<hbm>>
    tpu.wait_dma2 semaphore(%arg8 : memref<!tpu.dma_semaphore, #tpu.memory_space<semaphore_mem>>) src(%dma_wait3A_114 : memref<32768xf32, #tpu.memory_space<hbm>>) dst(%arg5 : memref<32768xf32, #tpu.memory_space<vmem>>)
    %scan3A_115 = arith.constant 0 : i32
    %scan3A_116 = arith.constant 0 : i32
    %scan3A_117 = arith.constant 256 : i32
    %scan3A_118 = arith.addi %scan3A_116, %scan3A_117 : i32
    %scan3A_119 = arith.constant 1 : i32
    scf.for %scan3A_237 = %scan3A_116 to %scan3A_118 step %scan3A_119  : i32 {
      %mul3A_238 = arith.constant 128 : i32
      %mul3A_239 = arith.muli %scan3A_237, %mul3A_238 : i32
      %add3A_240 = arith.constant 0 : i32
      %add3A_241 = arith.addi %mul3A_239, %add3A_240 : i32
      %get3A = arith.index_cast %add3A_241 : i32 to index
      %get3A_242 = tpu.vector_load %arg5[%get3A] {strides = array<i32>} : memref<32768xf32, #tpu.memory_space<vmem>>, vector<16xf32>,
      %mul3A_243 = arith.constant 2.000000e+01 : f32
      %mul3A_244 = vector.broadcast %mul3A_243 : f32 to vector<16xf32>
      %mul3A_245 = arith.mulf %get3A_242, %mul3A_244 : vector<16xf32>
      %convert_element_type3A = arith.fptosi %mul3A_245 : vector<16xf32> to vector<16xi32>
      %add3A_246 = arith.addi %convert_element_type3A, %mul3A_45 : vector<16xi32>
      tpu.vector_store_idx %arg6[%add3A_246], %broadcast_in_dim3A_47 {add = true} : memref<320xf32, #tpu.memory_space<vmem>>[vector<16xi32>], vector<16xf32>,
      %add3A_247 = arith.constant 16 : i32
      %add3A_248 = arith.addi %mul3A_239, %add3A_247 : i32
      %get3A_249 = arith.index_cast %add3A_248 : i32 to index
      %get3A_250 = tpu.vector_load %arg5[%get3A_249] {strides = array<i32>} : memref<32768xf32, #tpu.memory_space<vmem>>, vector<16xf32>,
      %mul3A_251 = arith.constant 2.000000e+01 : f32
      %mul3A_252 = vector.broadcast %mul3A_251 : f32 to vector<16xf32>
      %mul3A_253 = arith.mulf %get3A_250, %mul3A_252 : vector<16xf32>
      %convert_element_type3A_254 = arith.fptosi %mul3A_253 : vector<16xf32> to vector<16xi32>
      %add3A_255 = arith.addi %convert_element_type3A_254, %mul3A_45 : vector<16xi32>
      tpu.vector_store_idx %arg6[%add3A_255], %broadcast_in_dim3A_47 {add = true} : memref<320xf32, #tpu.memory_space<vmem>>[vector<16xi32>], vector<16xf32>,
      %add3A_256 = arith.constant 32 : i32
      %add3A_257 = arith.addi %mul3A_239, %add3A_256 : i32
      %get3A_258 = arith.index_cast %add3A_257 : i32 to index
      %get3A_259 = tpu.vector_load %arg5[%get3A_258] {strides = array<i32>} : memref<32768xf32, #tpu.memory_space<vmem>>, vector<16xf32>,
      %mul3A_260 = arith.constant 2.000000e+01 : f32
      %mul3A_261 = vector.broadcast %mul3A_260 : f32 to vector<16xf32>
      %mul3A_262 = arith.mulf %get3A_259, %mul3A_261 : vector<16xf32>
      %convert_element_type3A_263 = arith.fptosi %mul3A_262 : vector<16xf32> to vector<16xi32>
      %add3A_264 = arith.addi %convert_element_type3A_263, %mul3A_45 : vector<16xi32>
      tpu.vector_store_idx %arg6[%add3A_264], %broadcast_in_dim3A_47 {add = true} : memref<320xf32, #tpu.memory_space<vmem>>[vector<16xi32>], vector<16xf32>,
      %add3A_265 = arith.constant 48 : i32
      %add3A_266 = arith.addi %mul3A_239, %add3A_265 : i32
      %get3A_267 = arith.index_cast %add3A_266 : i32 to index
      %get3A_268 = tpu.vector_load %arg5[%get3A_267] {strides = array<i32>} : memref<32768xf32, #tpu.memory_space<vmem>>, vector<16xf32>,
      %mul3A_269 = arith.constant 2.000000e+01 : f32
      %mul3A_270 = vector.broadcast %mul3A_269 : f32 to vector<16xf32>
      %mul3A_271 = arith.mulf %get3A_268, %mul3A_270 : vector<16xf32>
      %convert_element_type3A_272 = arith.fptosi %mul3A_271 : vector<16xf32> to vector<16xi32>
      %add3A_273 = arith.addi %convert_element_type3A_272, %mul3A_45 : vector<16xi32>
      tpu.vector_store_idx %arg6[%add3A_273], %broadcast_in_dim3A_47 {add = true} : memref<320xf32, #tpu.memory_space<vmem>>[vector<16xi32>], vector<16xf32>,
      %add3A_274 = arith.constant 64 : i32
      %add3A_275 = arith.addi %mul3A_239, %add3A_274 : i32
      %get3A_276 = arith.index_cast %add3A_275 : i32 to index
      %get3A_277 = tpu.vector_load %arg5[%get3A_276] {strides = array<i32>} : memref<32768xf32, #tpu.memory_space<vmem>>, vector<16xf32>,
      %mul3A_278 = arith.constant 2.000000e+01 : f32
      %mul3A_279 = vector.broadcast %mul3A_278 : f32 to vector<16xf32>
      %mul3A_280 = arith.mulf %get3A_277, %mul3A_279 : vector<16xf32>
      %convert_element_type3A_281 = arith.fptosi %mul3A_280 : vector<16xf32> to vector<16xi32>
      %add3A_282 = arith.addi %convert_element_type3A_281, %mul3A_45 : vector<16xi32>
      tpu.vector_store_idx %arg6[%add3A_282], %broadcast_in_dim3A_47 {add = true} : memref<320xf32, #tpu.memory_space<vmem>>[vector<16xi32>], vector<16xf32>,
      %add3A_283 = arith.constant 80 : i32
      %add3A_284 = arith.addi %mul3A_239, %add3A_283 : i32
      %get3A_285 = arith.index_cast %add3A_284 : i32 to index
      %get3A_286 = tpu.vector_load %arg5[%get3A_285] {strides = array<i32>} : memref<32768xf32, #tpu.memory_space<vmem>>, vector<16xf32>,
      %mul3A_287 = arith.constant 2.000000e+01 : f32
      %mul3A_288 = vector.broadcast %mul3A_287 : f32 to vector<16xf32>
      %mul3A_289 = arith.mulf %get3A_286, %mul3A_288 : vector<16xf32>
      %convert_element_type3A_290 = arith.fptosi %mul3A_289 : vector<16xf32> to vector<16xi32>
      %add3A_291 = arith.addi %convert_element_type3A_290, %mul3A_45 : vector<16xi32>
      tpu.vector_store_idx %arg6[%add3A_291], %broadcast_in_dim3A_47 {add = true} : memref<320xf32, #tpu.memory_space<vmem>>[vector<16xi32>], vector<16xf32>,
      %add3A_292 = arith.constant 96 : i32
      %add3A_293 = arith.addi %mul3A_239, %add3A_292 : i32
      %get3A_294 = arith.index_cast %add3A_293 : i32 to index
      %get3A_295 = tpu.vector_load %arg5[%get3A_294] {strides = array<i32>} : memref<32768xf32, #tpu.memory_space<vmem>>, vector<16xf32>,
      %mul3A_296 = arith.constant 2.000000e+01 : f32
      %mul3A_297 = vector.broadcast %mul3A_296 : f32 to vector<16xf32>
      %mul3A_298 = arith.mulf %get3A_295, %mul3A_297 : vector<16xf32>
      %convert_element_type3A_299 = arith.fptosi %mul3A_298 : vector<16xf32> to vector<16xi32>
      %add3A_300 = arith.addi %convert_element_type3A_299, %mul3A_45 : vector<16xi32>
      tpu.vector_store_idx %arg6[%add3A_300], %broadcast_in_dim3A_47 {add = true} : memref<320xf32, #tpu.memory_space<vmem>>[vector<16xi32>], vector<16xf32>,
      %add3A_301 = arith.constant 112 : i32
      %add3A_302 = arith.addi %mul3A_239, %add3A_301 : i32
      %get3A_303 = arith.index_cast %add3A_302 : i32 to index
      %get3A_304 = tpu.vector_load %arg5[%get3A_303] {strides = array<i32>} : memref<32768xf32, #tpu.memory_space<vmem>>, vector<16xf32>,
      %mul3A_305 = arith.constant 2.000000e+01 : f32
      %mul3A_306 = vector.broadcast %mul3A_305 : f32 to vector<16xf32>
      %mul3A_307 = arith.mulf %get3A_304, %mul3A_306 : vector<16xf32>
      %convert_element_type3A_308 = arith.fptosi %mul3A_307 : vector<16xf32> to vector<16xi32>
      %add3A_309 = arith.addi %convert_element_type3A_308, %mul3A_45 : vector<16xi32>
      tpu.vector_store_idx %arg6[%add3A_309], %broadcast_in_dim3A_47 {add = true} : memref<320xf32, #tpu.memory_space<vmem>>[vector<16xi32>], vector<16xf32>,
    }
    %scan3A_120 = arith.constant 256 : i32
    %add3A_121 = arith.constant 229376 : i32
    %add3A_122 = arith.addi %mul3A_2, %add3A_121 : i32
    %dma_start3A_123 = tpu.memref_slice %arg2[%add3A_122] : memref<16777216xf32, #tpu.memory_space<hbm>> -> memref<32768xf32, #tpu.memory_space<hbm>>
    %dma_start3A_124 = tpu.memref_slice %arg2[%add3A_122] : memref<16777216xf32, #tpu.memory_space<hbm>> -> memref<32768xf32, #tpu.memory_space<hbm>>
    tpu.enqueue_dma source(%dma_start3A_124 : memref<32768xf32, #tpu.memory_space<hbm>>) target(%arg5 : memref<32768xf32, #tpu.memory_space<vmem>>) target_semaphore(%arg8 : memref<!tpu.dma_semaphore, #tpu.memory_space<semaphore_mem>>)
    %dma_wait3A_125 = tpu.memref_slice %arg2[%add3A_110] : memref<16777216xf32, #tpu.memory_space<hbm>> -> memref<32768xf32, #tpu.memory_space<hbm>>
    %dma_wait3A_126 = tpu.memref_slice %arg2[%add3A_110] : memref<16777216xf32, #tpu.memory_space<hbm>> -> memref<32768xf32, #tpu.memory_space<hbm>>
    tpu.wait_dma2 semaphore(%arg7 : memref<!tpu.dma_semaphore, #tpu.memory_space<semaphore_mem>>) src(%dma_wait3A_126 : memref<32768xf32, #tpu.memory_space<hbm>>) dst(%arg4 : memref<32768xf32, #tpu.memory_space<vmem>>)
    %scan3A_127 = arith.constant 0 : i32
    %scan3A_128 = arith.constant 0 : i32
    %scan3A_129 = arith.constant 256 : i32
    %scan3A_130 = arith.addi %scan3A_128, %scan3A_129 : i32
    %scan3A_131 = arith.constant 1 : i32
    scf.for %scan3A_237 = %scan3A_128 to %scan3A_130 step %scan3A_131  : i32 {
      %mul3A_238 = arith.constant 128 : i32
      %mul3A_239 = arith.muli %scan3A_237, %mul3A_238 : i32
      %add3A_240 = arith.constant 0 : i32
      %add3A_241 = arith.addi %mul3A_239, %add3A_240 : i32
      %get3A = arith.index_cast %add3A_241 : i32 to index
      %get3A_242 = tpu.vector_load %arg4[%get3A] {strides = array<i32>} : memref<32768xf32, #tpu.memory_space<vmem>>, vector<16xf32>,
      %mul3A_243 = arith.constant 2.000000e+01 : f32
      %mul3A_244 = vector.broadcast %mul3A_243 : f32 to vector<16xf32>
      %mul3A_245 = arith.mulf %get3A_242, %mul3A_244 : vector<16xf32>
      %convert_element_type3A = arith.fptosi %mul3A_245 : vector<16xf32> to vector<16xi32>
      %add3A_246 = arith.addi %convert_element_type3A, %mul3A_45 : vector<16xi32>
      tpu.vector_store_idx %arg6[%add3A_246], %broadcast_in_dim3A_47 {add = true} : memref<320xf32, #tpu.memory_space<vmem>>[vector<16xi32>], vector<16xf32>,
      %add3A_247 = arith.constant 16 : i32
      %add3A_248 = arith.addi %mul3A_239, %add3A_247 : i32
      %get3A_249 = arith.index_cast %add3A_248 : i32 to index
      %get3A_250 = tpu.vector_load %arg4[%get3A_249] {strides = array<i32>} : memref<32768xf32, #tpu.memory_space<vmem>>, vector<16xf32>,
      %mul3A_251 = arith.constant 2.000000e+01 : f32
      %mul3A_252 = vector.broadcast %mul3A_251 : f32 to vector<16xf32>
      %mul3A_253 = arith.mulf %get3A_250, %mul3A_252 : vector<16xf32>
      %convert_element_type3A_254 = arith.fptosi %mul3A_253 : vector<16xf32> to vector<16xi32>
      %add3A_255 = arith.addi %convert_element_type3A_254, %mul3A_45 : vector<16xi32>
      tpu.vector_store_idx %arg6[%add3A_255], %broadcast_in_dim3A_47 {add = true} : memref<320xf32, #tpu.memory_space<vmem>>[vector<16xi32>], vector<16xf32>,
      %add3A_256 = arith.constant 32 : i32
      %add3A_257 = arith.addi %mul3A_239, %add3A_256 : i32
      %get3A_258 = arith.index_cast %add3A_257 : i32 to index
      %get3A_259 = tpu.vector_load %arg4[%get3A_258] {strides = array<i32>} : memref<32768xf32, #tpu.memory_space<vmem>>, vector<16xf32>,
      %mul3A_260 = arith.constant 2.000000e+01 : f32
      %mul3A_261 = vector.broadcast %mul3A_260 : f32 to vector<16xf32>
      %mul3A_262 = arith.mulf %get3A_259, %mul3A_261 : vector<16xf32>
      %convert_element_type3A_263 = arith.fptosi %mul3A_262 : vector<16xf32> to vector<16xi32>
      %add3A_264 = arith.addi %convert_element_type3A_263, %mul3A_45 : vector<16xi32>
      tpu.vector_store_idx %arg6[%add3A_264], %broadcast_in_dim3A_47 {add = true} : memref<320xf32, #tpu.memory_space<vmem>>[vector<16xi32>], vector<16xf32>,
      %add3A_265 = arith.constant 48 : i32
      %add3A_266 = arith.addi %mul3A_239, %add3A_265 : i32
      %get3A_267 = arith.index_cast %add3A_266 : i32 to index
      %get3A_268 = tpu.vector_load %arg4[%get3A_267] {strides = array<i32>} : memref<32768xf32, #tpu.memory_space<vmem>>, vector<16xf32>,
      %mul3A_269 = arith.constant 2.000000e+01 : f32
      %mul3A_270 = vector.broadcast %mul3A_269 : f32 to vector<16xf32>
      %mul3A_271 = arith.mulf %get3A_268, %mul3A_270 : vector<16xf32>
      %convert_element_type3A_272 = arith.fptosi %mul3A_271 : vector<16xf32> to vector<16xi32>
      %add3A_273 = arith.addi %convert_element_type3A_272, %mul3A_45 : vector<16xi32>
      tpu.vector_store_idx %arg6[%add3A_273], %broadcast_in_dim3A_47 {add = true} : memref<320xf32, #tpu.memory_space<vmem>>[vector<16xi32>], vector<16xf32>,
      %add3A_274 = arith.constant 64 : i32
      %add3A_275 = arith.addi %mul3A_239, %add3A_274 : i32
      %get3A_276 = arith.index_cast %add3A_275 : i32 to index
      %get3A_277 = tpu.vector_load %arg4[%get3A_276] {strides = array<i32>} : memref<32768xf32, #tpu.memory_space<vmem>>, vector<16xf32>,
      %mul3A_278 = arith.constant 2.000000e+01 : f32
      %mul3A_279 = vector.broadcast %mul3A_278 : f32 to vector<16xf32>
      %mul3A_280 = arith.mulf %get3A_277, %mul3A_279 : vector<16xf32>
      %convert_element_type3A_281 = arith.fptosi %mul3A_280 : vector<16xf32> to vector<16xi32>
      %add3A_282 = arith.addi %convert_element_type3A_281, %mul3A_45 : vector<16xi32>
      tpu.vector_store_idx %arg6[%add3A_282], %broadcast_in_dim3A_47 {add = true} : memref<320xf32, #tpu.memory_space<vmem>>[vector<16xi32>], vector<16xf32>,
      %add3A_283 = arith.constant 80 : i32
      %add3A_284 = arith.addi %mul3A_239, %add3A_283 : i32
      %get3A_285 = arith.index_cast %add3A_284 : i32 to index
      %get3A_286 = tpu.vector_load %arg4[%get3A_285] {strides = array<i32>} : memref<32768xf32, #tpu.memory_space<vmem>>, vector<16xf32>,
      %mul3A_287 = arith.constant 2.000000e+01 : f32
      %mul3A_288 = vector.broadcast %mul3A_287 : f32 to vector<16xf32>
      %mul3A_289 = arith.mulf %get3A_286, %mul3A_288 : vector<16xf32>
      %convert_element_type3A_290 = arith.fptosi %mul3A_289 : vector<16xf32> to vector<16xi32>
      %add3A_291 = arith.addi %convert_element_type3A_290, %mul3A_45 : vector<16xi32>
      tpu.vector_store_idx %arg6[%add3A_291], %broadcast_in_dim3A_47 {add = true} : memref<320xf32, #tpu.memory_space<vmem>>[vector<16xi32>], vector<16xf32>,
      %add3A_292 = arith.constant 96 : i32
      %add3A_293 = arith.addi %mul3A_239, %add3A_292 : i32
      %get3A_294 = arith.index_cast %add3A_293 : i32 to index
      %get3A_295 = tpu.vector_load %arg4[%get3A_294] {strides = array<i32>} : memref<32768xf32, #tpu.memory_space<vmem>>, vector<16xf32>,
      %mul3A_296 = arith.constant 2.000000e+01 : f32
      %mul3A_297 = vector.broadcast %mul3A_296 : f32 to vector<16xf32>
      %mul3A_298 = arith.mulf %get3A_295, %mul3A_297 : vector<16xf32>
      %convert_element_type3A_299 = arith.fptosi %mul3A_298 : vector<16xf32> to vector<16xi32>
      %add3A_300 = arith.addi %convert_element_type3A_299, %mul3A_45 : vector<16xi32>
      tpu.vector_store_idx %arg6[%add3A_300], %broadcast_in_dim3A_47 {add = true} : memref<320xf32, #tpu.memory_space<vmem>>[vector<16xi32>], vector<16xf32>,
      %add3A_301 = arith.constant 112 : i32
      %add3A_302 = arith.addi %mul3A_239, %add3A_301 : i32
      %get3A_303 = arith.index_cast %add3A_302 : i32 to index
      %get3A_304 = tpu.vector_load %arg4[%get3A_303] {strides = array<i32>} : memref<32768xf32, #tpu.memory_space<vmem>>, vector<16xf32>,
      %mul3A_305 = arith.constant 2.000000e+01 : f32
      %mul3A_306 = vector.broadcast %mul3A_305 : f32 to vector<16xf32>
      %mul3A_307 = arith.mulf %get3A_304, %mul3A_306 : vector<16xf32>
      %convert_element_type3A_308 = arith.fptosi %mul3A_307 : vector<16xf32> to vector<16xi32>
      %add3A_309 = arith.addi %convert_element_type3A_308, %mul3A_45 : vector<16xi32>
      tpu.vector_store_idx %arg6[%add3A_309], %broadcast_in_dim3A_47 {add = true} : memref<320xf32, #tpu.memory_space<vmem>>[vector<16xi32>], vector<16xf32>,
    }
    %scan3A_132 = arith.constant 256 : i32
    %add3A_133 = arith.constant 262144 : i32
    %add3A_134 = arith.addi %mul3A_2, %add3A_133 : i32
    %dma_start3A_135 = tpu.memref_slice %arg2[%add3A_134] : memref<16777216xf32, #tpu.memory_space<hbm>> -> memref<32768xf32, #tpu.memory_space<hbm>>
    %dma_start3A_136 = tpu.memref_slice %arg2[%add3A_134] : memref<16777216xf32, #tpu.memory_space<hbm>> -> memref<32768xf32, #tpu.memory_space<hbm>>
    tpu.enqueue_dma source(%dma_start3A_136 : memref<32768xf32, #tpu.memory_space<hbm>>) target(%arg4 : memref<32768xf32, #tpu.memory_space<vmem>>) target_semaphore(%arg7 : memref<!tpu.dma_semaphore, #tpu.memory_space<semaphore_mem>>)
    %dma_wait3A_137 = tpu.memref_slice %arg2[%add3A_122] : memref<16777216xf32, #tpu.memory_space<hbm>> -> memref<32768xf32, #tpu.memory_space<hbm>>
    %dma_wait3A_138 = tpu.memref_slice %arg2[%add3A_122] : memref<16777216xf32, #tpu.memory_space<hbm>> -> memref<32768xf32, #tpu.memory_space<hbm>>
    tpu.wait_dma2 semaphore(%arg8 : memref<!tpu.dma_semaphore, #tpu.memory_space<semaphore_mem>>) src(%dma_wait3A_138 : memref<32768xf32, #tpu.memory_space<hbm>>) dst(%arg5 : memref<32768xf32, #tpu.memory_space<vmem>>)
    %scan3A_139 = arith.constant 0 : i32
    %scan3A_140 = arith.constant 0 : i32
    %scan3A_141 = arith.constant 256 : i32
    %scan3A_142 = arith.addi %scan3A_140, %scan3A_141 : i32
    %scan3A_143 = arith.constant 1 : i32
    scf.for %scan3A_237 = %scan3A_140 to %scan3A_142 step %scan3A_143  : i32 {
      %mul3A_238 = arith.constant 128 : i32
      %mul3A_239 = arith.muli %scan3A_237, %mul3A_238 : i32
      %add3A_240 = arith.constant 0 : i32
      %add3A_241 = arith.addi %mul3A_239, %add3A_240 : i32
      %get3A = arith.index_cast %add3A_241 : i32 to index
      %get3A_242 = tpu.vector_load %arg5[%get3A] {strides = array<i32>} : memref<32768xf32, #tpu.memory_space<vmem>>, vector<16xf32>,
      %mul3A_243 = arith.constant 2.000000e+01 : f32
      %mul3A_244 = vector.broadcast %mul3A_243 : f32 to vector<16xf32>
      %mul3A_245 = arith.mulf %get3A_242, %mul3A_244 : vector<16xf32>
      %convert_element_type3A = arith.fptosi %mul3A_245 : vector<16xf32> to vector<16xi32>
      %add3A_246 = arith.addi %convert_element_type3A, %mul3A_45 : vector<16xi32>
      tpu.vector_store_idx %arg6[%add3A_246], %broadcast_in_dim3A_47 {add = true} : memref<320xf32, #tpu.memory_space<vmem>>[vector<16xi32>], vector<16xf32>,
      %add3A_247 = arith.constant 16 : i32
      %add3A_248 = arith.addi %mul3A_239, %add3A_247 : i32
      %get3A_249 = arith.index_cast %add3A_248 : i32 to index
      %get3A_250 = tpu.vector_load %arg5[%get3A_249] {strides = array<i32>} : memref<32768xf32, #tpu.memory_space<vmem>>, vector<16xf32>,
      %mul3A_251 = arith.constant 2.000000e+01 : f32
      %mul3A_252 = vector.broadcast %mul3A_251 : f32 to vector<16xf32>
      %mul3A_253 = arith.mulf %get3A_250, %mul3A_252 : vector<16xf32>
      %convert_element_type3A_254 = arith.fptosi %mul3A_253 : vector<16xf32> to vector<16xi32>
      %add3A_255 = arith.addi %convert_element_type3A_254, %mul3A_45 : vector<16xi32>
      tpu.vector_store_idx %arg6[%add3A_255], %broadcast_in_dim3A_47 {add = true} : memref<320xf32, #tpu.memory_space<vmem>>[vector<16xi32>], vector<16xf32>,
      %add3A_256 = arith.constant 32 : i32
      %add3A_257 = arith.addi %mul3A_239, %add3A_256 : i32
      %get3A_258 = arith.index_cast %add3A_257 : i32 to index
      %get3A_259 = tpu.vector_load %arg5[%get3A_258] {strides = array<i32>} : memref<32768xf32, #tpu.memory_space<vmem>>, vector<16xf32>,
      %mul3A_260 = arith.constant 2.000000e+01 : f32
      %mul3A_261 = vector.broadcast %mul3A_260 : f32 to vector<16xf32>
      %mul3A_262 = arith.mulf %get3A_259, %mul3A_261 : vector<16xf32>
      %convert_element_type3A_263 = arith.fptosi %mul3A_262 : vector<16xf32> to vector<16xi32>
      %add3A_264 = arith.addi %convert_element_type3A_263, %mul3A_45 : vector<16xi32>
      tpu.vector_store_idx %arg6[%add3A_264], %broadcast_in_dim3A_47 {add = true} : memref<320xf32, #tpu.memory_space<vmem>>[vector<16xi32>], vector<16xf32>,
      %add3A_265 = arith.constant 48 : i32
      %add3A_266 = arith.addi %mul3A_239, %add3A_265 : i32
      %get3A_267 = arith.index_cast %add3A_266 : i32 to index
      %get3A_268 = tpu.vector_load %arg5[%get3A_267] {strides = array<i32>} : memref<32768xf32, #tpu.memory_space<vmem>>, vector<16xf32>,
      %mul3A_269 = arith.constant 2.000000e+01 : f32
      %mul3A_270 = vector.broadcast %mul3A_269 : f32 to vector<16xf32>
      %mul3A_271 = arith.mulf %get3A_268, %mul3A_270 : vector<16xf32>
      %convert_element_type3A_272 = arith.fptosi %mul3A_271 : vector<16xf32> to vector<16xi32>
      %add3A_273 = arith.addi %convert_element_type3A_272, %mul3A_45 : vector<16xi32>
      tpu.vector_store_idx %arg6[%add3A_273], %broadcast_in_dim3A_47 {add = true} : memref<320xf32, #tpu.memory_space<vmem>>[vector<16xi32>], vector<16xf32>,
      %add3A_274 = arith.constant 64 : i32
      %add3A_275 = arith.addi %mul3A_239, %add3A_274 : i32
      %get3A_276 = arith.index_cast %add3A_275 : i32 to index
      %get3A_277 = tpu.vector_load %arg5[%get3A_276] {strides = array<i32>} : memref<32768xf32, #tpu.memory_space<vmem>>, vector<16xf32>,
      %mul3A_278 = arith.constant 2.000000e+01 : f32
      %mul3A_279 = vector.broadcast %mul3A_278 : f32 to vector<16xf32>
      %mul3A_280 = arith.mulf %get3A_277, %mul3A_279 : vector<16xf32>
      %convert_element_type3A_281 = arith.fptosi %mul3A_280 : vector<16xf32> to vector<16xi32>
      %add3A_282 = arith.addi %convert_element_type3A_281, %mul3A_45 : vector<16xi32>
      tpu.vector_store_idx %arg6[%add3A_282], %broadcast_in_dim3A_47 {add = true} : memref<320xf32, #tpu.memory_space<vmem>>[vector<16xi32>], vector<16xf32>,
      %add3A_283 = arith.constant 80 : i32
      %add3A_284 = arith.addi %mul3A_239, %add3A_283 : i32
      %get3A_285 = arith.index_cast %add3A_284 : i32 to index
      %get3A_286 = tpu.vector_load %arg5[%get3A_285] {strides = array<i32>} : memref<32768xf32, #tpu.memory_space<vmem>>, vector<16xf32>,
      %mul3A_287 = arith.constant 2.000000e+01 : f32
      %mul3A_288 = vector.broadcast %mul3A_287 : f32 to vector<16xf32>
      %mul3A_289 = arith.mulf %get3A_286, %mul3A_288 : vector<16xf32>
      %convert_element_type3A_290 = arith.fptosi %mul3A_289 : vector<16xf32> to vector<16xi32>
      %add3A_291 = arith.addi %convert_element_type3A_290, %mul3A_45 : vector<16xi32>
      tpu.vector_store_idx %arg6[%add3A_291], %broadcast_in_dim3A_47 {add = true} : memref<320xf32, #tpu.memory_space<vmem>>[vector<16xi32>], vector<16xf32>,
      %add3A_292 = arith.constant 96 : i32
      %add3A_293 = arith.addi %mul3A_239, %add3A_292 : i32
      %get3A_294 = arith.index_cast %add3A_293 : i32 to index
      %get3A_295 = tpu.vector_load %arg5[%get3A_294] {strides = array<i32>} : memref<32768xf32, #tpu.memory_space<vmem>>, vector<16xf32>,
      %mul3A_296 = arith.constant 2.000000e+01 : f32
      %mul3A_297 = vector.broadcast %mul3A_296 : f32 to vector<16xf32>
      %mul3A_298 = arith.mulf %get3A_295, %mul3A_297 : vector<16xf32>
      %convert_element_type3A_299 = arith.fptosi %mul3A_298 : vector<16xf32> to vector<16xi32>
      %add3A_300 = arith.addi %convert_element_type3A_299, %mul3A_45 : vector<16xi32>
      tpu.vector_store_idx %arg6[%add3A_300], %broadcast_in_dim3A_47 {add = true} : memref<320xf32, #tpu.memory_space<vmem>>[vector<16xi32>], vector<16xf32>,
      %add3A_301 = arith.constant 112 : i32
      %add3A_302 = arith.addi %mul3A_239, %add3A_301 : i32
      %get3A_303 = arith.index_cast %add3A_302 : i32 to index
      %get3A_304 = tpu.vector_load %arg5[%get3A_303] {strides = array<i32>} : memref<32768xf32, #tpu.memory_space<vmem>>, vector<16xf32>,
      %mul3A_305 = arith.constant 2.000000e+01 : f32
      %mul3A_306 = vector.broadcast %mul3A_305 : f32 to vector<16xf32>
      %mul3A_307 = arith.mulf %get3A_304, %mul3A_306 : vector<16xf32>
      %convert_element_type3A_308 = arith.fptosi %mul3A_307 : vector<16xf32> to vector<16xi32>
      %add3A_309 = arith.addi %convert_element_type3A_308, %mul3A_45 : vector<16xi32>
      tpu.vector_store_idx %arg6[%add3A_309], %broadcast_in_dim3A_47 {add = true} : memref<320xf32, #tpu.memory_space<vmem>>[vector<16xi32>], vector<16xf32>,
    }
    %scan3A_144 = arith.constant 256 : i32
    %add3A_145 = arith.constant 294912 : i32
    %add3A_146 = arith.addi %mul3A_2, %add3A_145 : i32
    %dma_start3A_147 = tpu.memref_slice %arg2[%add3A_146] : memref<16777216xf32, #tpu.memory_space<hbm>> -> memref<32768xf32, #tpu.memory_space<hbm>>
    %dma_start3A_148 = tpu.memref_slice %arg2[%add3A_146] : memref<16777216xf32, #tpu.memory_space<hbm>> -> memref<32768xf32, #tpu.memory_space<hbm>>
    tpu.enqueue_dma source(%dma_start3A_148 : memref<32768xf32, #tpu.memory_space<hbm>>) target(%arg5 : memref<32768xf32, #tpu.memory_space<vmem>>) target_semaphore(%arg8 : memref<!tpu.dma_semaphore, #tpu.memory_space<semaphore_mem>>)
    %dma_wait3A_149 = tpu.memref_slice %arg2[%add3A_134] : memref<16777216xf32, #tpu.memory_space<hbm>> -> memref<32768xf32, #tpu.memory_space<hbm>>
    %dma_wait3A_150 = tpu.memref_slice %arg2[%add3A_134] : memref<16777216xf32, #tpu.memory_space<hbm>> -> memref<32768xf32, #tpu.memory_space<hbm>>
    tpu.wait_dma2 semaphore(%arg7 : memref<!tpu.dma_semaphore, #tpu.memory_space<semaphore_mem>>) src(%dma_wait3A_150 : memref<32768xf32, #tpu.memory_space<hbm>>) dst(%arg4 : memref<32768xf32, #tpu.memory_space<vmem>>)
    %scan3A_151 = arith.constant 0 : i32
    %scan3A_152 = arith.constant 0 : i32
    %scan3A_153 = arith.constant 256 : i32
    %scan3A_154 = arith.addi %scan3A_152, %scan3A_153 : i32
    %scan3A_155 = arith.constant 1 : i32
    scf.for %scan3A_237 = %scan3A_152 to %scan3A_154 step %scan3A_155  : i32 {
      %mul3A_238 = arith.constant 128 : i32
      %mul3A_239 = arith.muli %scan3A_237, %mul3A_238 : i32
      %add3A_240 = arith.constant 0 : i32
      %add3A_241 = arith.addi %mul3A_239, %add3A_240 : i32
      %get3A = arith.index_cast %add3A_241 : i32 to index
      %get3A_242 = tpu.vector_load %arg4[%get3A] {strides = array<i32>} : memref<32768xf32, #tpu.memory_space<vmem>>, vector<16xf32>,
      %mul3A_243 = arith.constant 2.000000e+01 : f32
      %mul3A_244 = vector.broadcast %mul3A_243 : f32 to vector<16xf32>
      %mul3A_245 = arith.mulf %get3A_242, %mul3A_244 : vector<16xf32>
      %convert_element_type3A = arith.fptosi %mul3A_245 : vector<16xf32> to vector<16xi32>
      %add3A_246 = arith.addi %convert_element_type3A, %mul3A_45 : vector<16xi32>
      tpu.vector_store_idx %arg6[%add3A_246], %broadcast_in_dim3A_47 {add = true} : memref<320xf32, #tpu.memory_space<vmem>>[vector<16xi32>], vector<16xf32>,
      %add3A_247 = arith.constant 16 : i32
      %add3A_248 = arith.addi %mul3A_239, %add3A_247 : i32
      %get3A_249 = arith.index_cast %add3A_248 : i32 to index
      %get3A_250 = tpu.vector_load %arg4[%get3A_249] {strides = array<i32>} : memref<32768xf32, #tpu.memory_space<vmem>>, vector<16xf32>,
      %mul3A_251 = arith.constant 2.000000e+01 : f32
      %mul3A_252 = vector.broadcast %mul3A_251 : f32 to vector<16xf32>
      %mul3A_253 = arith.mulf %get3A_250, %mul3A_252 : vector<16xf32>
      %convert_element_type3A_254 = arith.fptosi %mul3A_253 : vector<16xf32> to vector<16xi32>
      %add3A_255 = arith.addi %convert_element_type3A_254, %mul3A_45 : vector<16xi32>
      tpu.vector_store_idx %arg6[%add3A_255], %broadcast_in_dim3A_47 {add = true} : memref<320xf32, #tpu.memory_space<vmem>>[vector<16xi32>], vector<16xf32>,
      %add3A_256 = arith.constant 32 : i32
      %add3A_257 = arith.addi %mul3A_239, %add3A_256 : i32
      %get3A_258 = arith.index_cast %add3A_257 : i32 to index
      %get3A_259 = tpu.vector_load %arg4[%get3A_258] {strides = array<i32>} : memref<32768xf32, #tpu.memory_space<vmem>>, vector<16xf32>,
      %mul3A_260 = arith.constant 2.000000e+01 : f32
      %mul3A_261 = vector.broadcast %mul3A_260 : f32 to vector<16xf32>
      %mul3A_262 = arith.mulf %get3A_259, %mul3A_261 : vector<16xf32>
      %convert_element_type3A_263 = arith.fptosi %mul3A_262 : vector<16xf32> to vector<16xi32>
      %add3A_264 = arith.addi %convert_element_type3A_263, %mul3A_45 : vector<16xi32>
      tpu.vector_store_idx %arg6[%add3A_264], %broadcast_in_dim3A_47 {add = true} : memref<320xf32, #tpu.memory_space<vmem>>[vector<16xi32>], vector<16xf32>,
      %add3A_265 = arith.constant 48 : i32
      %add3A_266 = arith.addi %mul3A_239, %add3A_265 : i32
      %get3A_267 = arith.index_cast %add3A_266 : i32 to index
      %get3A_268 = tpu.vector_load %arg4[%get3A_267] {strides = array<i32>} : memref<32768xf32, #tpu.memory_space<vmem>>, vector<16xf32>,
      %mul3A_269 = arith.constant 2.000000e+01 : f32
      %mul3A_270 = vector.broadcast %mul3A_269 : f32 to vector<16xf32>
      %mul3A_271 = arith.mulf %get3A_268, %mul3A_270 : vector<16xf32>
      %convert_element_type3A_272 = arith.fptosi %mul3A_271 : vector<16xf32> to vector<16xi32>
      %add3A_273 = arith.addi %convert_element_type3A_272, %mul3A_45 : vector<16xi32>
      tpu.vector_store_idx %arg6[%add3A_273], %broadcast_in_dim3A_47 {add = true} : memref<320xf32, #tpu.memory_space<vmem>>[vector<16xi32>], vector<16xf32>,
      %add3A_274 = arith.constant 64 : i32
      %add3A_275 = arith.addi %mul3A_239, %add3A_274 : i32
      %get3A_276 = arith.index_cast %add3A_275 : i32 to index
      %get3A_277 = tpu.vector_load %arg4[%get3A_276] {strides = array<i32>} : memref<32768xf32, #tpu.memory_space<vmem>>, vector<16xf32>,
      %mul3A_278 = arith.constant 2.000000e+01 : f32
      %mul3A_279 = vector.broadcast %mul3A_278 : f32 to vector<16xf32>
      %mul3A_280 = arith.mulf %get3A_277, %mul3A_279 : vector<16xf32>
      %convert_element_type3A_281 = arith.fptosi %mul3A_280 : vector<16xf32> to vector<16xi32>
      %add3A_282 = arith.addi %convert_element_type3A_281, %mul3A_45 : vector<16xi32>
      tpu.vector_store_idx %arg6[%add3A_282], %broadcast_in_dim3A_47 {add = true} : memref<320xf32, #tpu.memory_space<vmem>>[vector<16xi32>], vector<16xf32>,
      %add3A_283 = arith.constant 80 : i32
      %add3A_284 = arith.addi %mul3A_239, %add3A_283 : i32
      %get3A_285 = arith.index_cast %add3A_284 : i32 to index
      %get3A_286 = tpu.vector_load %arg4[%get3A_285] {strides = array<i32>} : memref<32768xf32, #tpu.memory_space<vmem>>, vector<16xf32>,
      %mul3A_287 = arith.constant 2.000000e+01 : f32
      %mul3A_288 = vector.broadcast %mul3A_287 : f32 to vector<16xf32>
      %mul3A_289 = arith.mulf %get3A_286, %mul3A_288 : vector<16xf32>
      %convert_element_type3A_290 = arith.fptosi %mul3A_289 : vector<16xf32> to vector<16xi32>
      %add3A_291 = arith.addi %convert_element_type3A_290, %mul3A_45 : vector<16xi32>
      tpu.vector_store_idx %arg6[%add3A_291], %broadcast_in_dim3A_47 {add = true} : memref<320xf32, #tpu.memory_space<vmem>>[vector<16xi32>], vector<16xf32>,
      %add3A_292 = arith.constant 96 : i32
      %add3A_293 = arith.addi %mul3A_239, %add3A_292 : i32
      %get3A_294 = arith.index_cast %add3A_293 : i32 to index
      %get3A_295 = tpu.vector_load %arg4[%get3A_294] {strides = array<i32>} : memref<32768xf32, #tpu.memory_space<vmem>>, vector<16xf32>,
      %mul3A_296 = arith.constant 2.000000e+01 : f32
      %mul3A_297 = vector.broadcast %mul3A_296 : f32 to vector<16xf32>
      %mul3A_298 = arith.mulf %get3A_295, %mul3A_297 : vector<16xf32>
      %convert_element_type3A_299 = arith.fptosi %mul3A_298 : vector<16xf32> to vector<16xi32>
      %add3A_300 = arith.addi %convert_element_type3A_299, %mul3A_45 : vector<16xi32>
      tpu.vector_store_idx %arg6[%add3A_300], %broadcast_in_dim3A_47 {add = true} : memref<320xf32, #tpu.memory_space<vmem>>[vector<16xi32>], vector<16xf32>,
      %add3A_301 = arith.constant 112 : i32
      %add3A_302 = arith.addi %mul3A_239, %add3A_301 : i32
      %get3A_303 = arith.index_cast %add3A_302 : i32 to index
      %get3A_304 = tpu.vector_load %arg4[%get3A_303] {strides = array<i32>} : memref<32768xf32, #tpu.memory_space<vmem>>, vector<16xf32>,
      %mul3A_305 = arith.constant 2.000000e+01 : f32
      %mul3A_306 = vector.broadcast %mul3A_305 : f32 to vector<16xf32>
      %mul3A_307 = arith.mulf %get3A_304, %mul3A_306 : vector<16xf32>
      %convert_element_type3A_308 = arith.fptosi %mul3A_307 : vector<16xf32> to vector<16xi32>
      %add3A_309 = arith.addi %convert_element_type3A_308, %mul3A_45 : vector<16xi32>
      tpu.vector_store_idx %arg6[%add3A_309], %broadcast_in_dim3A_47 {add = true} : memref<320xf32, #tpu.memory_space<vmem>>[vector<16xi32>], vector<16xf32>,
    }
    %scan3A_156 = arith.constant 256 : i32
    %add3A_157 = arith.constant 327680 : i32
    %add3A_158 = arith.addi %mul3A_2, %add3A_157 : i32
    %dma_start3A_159 = tpu.memref_slice %arg2[%add3A_158] : memref<16777216xf32, #tpu.memory_space<hbm>> -> memref<32768xf32, #tpu.memory_space<hbm>>
    %dma_start3A_160 = tpu.memref_slice %arg2[%add3A_158] : memref<16777216xf32, #tpu.memory_space<hbm>> -> memref<32768xf32, #tpu.memory_space<hbm>>
    tpu.enqueue_dma source(%dma_start3A_160 : memref<32768xf32, #tpu.memory_space<hbm>>) target(%arg4 : memref<32768xf32, #tpu.memory_space<vmem>>) target_semaphore(%arg7 : memref<!tpu.dma_semaphore, #tpu.memory_space<semaphore_mem>>)
    %dma_wait3A_161 = tpu.memref_slice %arg2[%add3A_146] : memref<16777216xf32, #tpu.memory_space<hbm>> -> memref<32768xf32, #tpu.memory_space<hbm>>
    %dma_wait3A_162 = tpu.memref_slice %arg2[%add3A_146] : memref<16777216xf32, #tpu.memory_space<hbm>> -> memref<32768xf32, #tpu.memory_space<hbm>>
    tpu.wait_dma2 semaphore(%arg8 : memref<!tpu.dma_semaphore, #tpu.memory_space<semaphore_mem>>) src(%dma_wait3A_162 : memref<32768xf32, #tpu.memory_space<hbm>>) dst(%arg5 : memref<32768xf32, #tpu.memory_space<vmem>>)
    %scan3A_163 = arith.constant 0 : i32
    %scan3A_164 = arith.constant 0 : i32
    %scan3A_165 = arith.constant 256 : i32
    %scan3A_166 = arith.addi %scan3A_164, %scan3A_165 : i32
    %scan3A_167 = arith.constant 1 : i32
    scf.for %scan3A_237 = %scan3A_164 to %scan3A_166 step %scan3A_167  : i32 {
      %mul3A_238 = arith.constant 128 : i32
      %mul3A_239 = arith.muli %scan3A_237, %mul3A_238 : i32
      %add3A_240 = arith.constant 0 : i32
      %add3A_241 = arith.addi %mul3A_239, %add3A_240 : i32
      %get3A = arith.index_cast %add3A_241 : i32 to index
      %get3A_242 = tpu.vector_load %arg5[%get3A] {strides = array<i32>} : memref<32768xf32, #tpu.memory_space<vmem>>, vector<16xf32>,
      %mul3A_243 = arith.constant 2.000000e+01 : f32
      %mul3A_244 = vector.broadcast %mul3A_243 : f32 to vector<16xf32>
      %mul3A_245 = arith.mulf %get3A_242, %mul3A_244 : vector<16xf32>
      %convert_element_type3A = arith.fptosi %mul3A_245 : vector<16xf32> to vector<16xi32>
      %add3A_246 = arith.addi %convert_element_type3A, %mul3A_45 : vector<16xi32>
      tpu.vector_store_idx %arg6[%add3A_246], %broadcast_in_dim3A_47 {add = true} : memref<320xf32, #tpu.memory_space<vmem>>[vector<16xi32>], vector<16xf32>,
      %add3A_247 = arith.constant 16 : i32
      %add3A_248 = arith.addi %mul3A_239, %add3A_247 : i32
      %get3A_249 = arith.index_cast %add3A_248 : i32 to index
      %get3A_250 = tpu.vector_load %arg5[%get3A_249] {strides = array<i32>} : memref<32768xf32, #tpu.memory_space<vmem>>, vector<16xf32>,
      %mul3A_251 = arith.constant 2.000000e+01 : f32
      %mul3A_252 = vector.broadcast %mul3A_251 : f32 to vector<16xf32>
      %mul3A_253 = arith.mulf %get3A_250, %mul3A_252 : vector<16xf32>
      %convert_element_type3A_254 = arith.fptosi %mul3A_253 : vector<16xf32> to vector<16xi32>
      %add3A_255 = arith.addi %convert_element_type3A_254, %mul3A_45 : vector<16xi32>
      tpu.vector_store_idx %arg6[%add3A_255], %broadcast_in_dim3A_47 {add = true} : memref<320xf32, #tpu.memory_space<vmem>>[vector<16xi32>], vector<16xf32>,
      %add3A_256 = arith.constant 32 : i32
      %add3A_257 = arith.addi %mul3A_239, %add3A_256 : i32
      %get3A_258 = arith.index_cast %add3A_257 : i32 to index
      %get3A_259 = tpu.vector_load %arg5[%get3A_258] {strides = array<i32>} : memref<32768xf32, #tpu.memory_space<vmem>>, vector<16xf32>,
      %mul3A_260 = arith.constant 2.000000e+01 : f32
      %mul3A_261 = vector.broadcast %mul3A_260 : f32 to vector<16xf32>
      %mul3A_262 = arith.mulf %get3A_259, %mul3A_261 : vector<16xf32>
      %convert_element_type3A_263 = arith.fptosi %mul3A_262 : vector<16xf32> to vector<16xi32>
      %add3A_264 = arith.addi %convert_element_type3A_263, %mul3A_45 : vector<16xi32>
      tpu.vector_store_idx %arg6[%add3A_264], %broadcast_in_dim3A_47 {add = true} : memref<320xf32, #tpu.memory_space<vmem>>[vector<16xi32>], vector<16xf32>,
      %add3A_265 = arith.constant 48 : i32
      %add3A_266 = arith.addi %mul3A_239, %add3A_265 : i32
      %get3A_267 = arith.index_cast %add3A_266 : i32 to index
      %get3A_268 = tpu.vector_load %arg5[%get3A_267] {strides = array<i32>} : memref<32768xf32, #tpu.memory_space<vmem>>, vector<16xf32>,
      %mul3A_269 = arith.constant 2.000000e+01 : f32
      %mul3A_270 = vector.broadcast %mul3A_269 : f32 to vector<16xf32>
      %mul3A_271 = arith.mulf %get3A_268, %mul3A_270 : vector<16xf32>
      %convert_element_type3A_272 = arith.fptosi %mul3A_271 : vector<16xf32> to vector<16xi32>
      %add3A_273 = arith.addi %convert_element_type3A_272, %mul3A_45 : vector<16xi32>
      tpu.vector_store_idx %arg6[%add3A_273], %broadcast_in_dim3A_47 {add = true} : memref<320xf32, #tpu.memory_space<vmem>>[vector<16xi32>], vector<16xf32>,
      %add3A_274 = arith.constant 64 : i32
      %add3A_275 = arith.addi %mul3A_239, %add3A_274 : i32
      %get3A_276 = arith.index_cast %add3A_275 : i32 to index
      %get3A_277 = tpu.vector_load %arg5[%get3A_276] {strides = array<i32>} : memref<32768xf32, #tpu.memory_space<vmem>>, vector<16xf32>,
      %mul3A_278 = arith.constant 2.000000e+01 : f32
      %mul3A_279 = vector.broadcast %mul3A_278 : f32 to vector<16xf32>
      %mul3A_280 = arith.mulf %get3A_277, %mul3A_279 : vector<16xf32>
      %convert_element_type3A_281 = arith.fptosi %mul3A_280 : vector<16xf32> to vector<16xi32>
      %add3A_282 = arith.addi %convert_element_type3A_281, %mul3A_45 : vector<16xi32>
      tpu.vector_store_idx %arg6[%add3A_282], %broadcast_in_dim3A_47 {add = true} : memref<320xf32, #tpu.memory_space<vmem>>[vector<16xi32>], vector<16xf32>,
      %add3A_283 = arith.constant 80 : i32
      %add3A_284 = arith.addi %mul3A_239, %add3A_283 : i32
      %get3A_285 = arith.index_cast %add3A_284 : i32 to index
      %get3A_286 = tpu.vector_load %arg5[%get3A_285] {strides = array<i32>} : memref<32768xf32, #tpu.memory_space<vmem>>, vector<16xf32>,
      %mul3A_287 = arith.constant 2.000000e+01 : f32
      %mul3A_288 = vector.broadcast %mul3A_287 : f32 to vector<16xf32>
      %mul3A_289 = arith.mulf %get3A_286, %mul3A_288 : vector<16xf32>
      %convert_element_type3A_290 = arith.fptosi %mul3A_289 : vector<16xf32> to vector<16xi32>
      %add3A_291 = arith.addi %convert_element_type3A_290, %mul3A_45 : vector<16xi32>
      tpu.vector_store_idx %arg6[%add3A_291], %broadcast_in_dim3A_47 {add = true} : memref<320xf32, #tpu.memory_space<vmem>>[vector<16xi32>], vector<16xf32>,
      %add3A_292 = arith.constant 96 : i32
      %add3A_293 = arith.addi %mul3A_239, %add3A_292 : i32
      %get3A_294 = arith.index_cast %add3A_293 : i32 to index
      %get3A_295 = tpu.vector_load %arg5[%get3A_294] {strides = array<i32>} : memref<32768xf32, #tpu.memory_space<vmem>>, vector<16xf32>,
      %mul3A_296 = arith.constant 2.000000e+01 : f32
      %mul3A_297 = vector.broadcast %mul3A_296 : f32 to vector<16xf32>
      %mul3A_298 = arith.mulf %get3A_295, %mul3A_297 : vector<16xf32>
      %convert_element_type3A_299 = arith.fptosi %mul3A_298 : vector<16xf32> to vector<16xi32>
      %add3A_300 = arith.addi %convert_element_type3A_299, %mul3A_45 : vector<16xi32>
      tpu.vector_store_idx %arg6[%add3A_300], %broadcast_in_dim3A_47 {add = true} : memref<320xf32, #tpu.memory_space<vmem>>[vector<16xi32>], vector<16xf32>,
      %add3A_301 = arith.constant 112 : i32
      %add3A_302 = arith.addi %mul3A_239, %add3A_301 : i32
      %get3A_303 = arith.index_cast %add3A_302 : i32 to index
      %get3A_304 = tpu.vector_load %arg5[%get3A_303] {strides = array<i32>} : memref<32768xf32, #tpu.memory_space<vmem>>, vector<16xf32>,
      %mul3A_305 = arith.constant 2.000000e+01 : f32
      %mul3A_306 = vector.broadcast %mul3A_305 : f32 to vector<16xf32>
      %mul3A_307 = arith.mulf %get3A_304, %mul3A_306 : vector<16xf32>
      %convert_element_type3A_308 = arith.fptosi %mul3A_307 : vector<16xf32> to vector<16xi32>
      %add3A_309 = arith.addi %convert_element_type3A_308, %mul3A_45 : vector<16xi32>
      tpu.vector_store_idx %arg6[%add3A_309], %broadcast_in_dim3A_47 {add = true} : memref<320xf32, #tpu.memory_space<vmem>>[vector<16xi32>], vector<16xf32>,
    }
    %scan3A_168 = arith.constant 256 : i32
    %add3A_169 = arith.constant 360448 : i32
    %add3A_170 = arith.addi %mul3A_2, %add3A_169 : i32
    %dma_start3A_171 = tpu.memref_slice %arg2[%add3A_170] : memref<16777216xf32, #tpu.memory_space<hbm>> -> memref<32768xf32, #tpu.memory_space<hbm>>
    %dma_start3A_172 = tpu.memref_slice %arg2[%add3A_170] : memref<16777216xf32, #tpu.memory_space<hbm>> -> memref<32768xf32, #tpu.memory_space<hbm>>
    tpu.enqueue_dma source(%dma_start3A_172 : memref<32768xf32, #tpu.memory_space<hbm>>) target(%arg5 : memref<32768xf32, #tpu.memory_space<vmem>>) target_semaphore(%arg8 : memref<!tpu.dma_semaphore, #tpu.memory_space<semaphore_mem>>)
    %dma_wait3A_173 = tpu.memref_slice %arg2[%add3A_158] : memref<16777216xf32, #tpu.memory_space<hbm>> -> memref<32768xf32, #tpu.memory_space<hbm>>
    %dma_wait3A_174 = tpu.memref_slice %arg2[%add3A_158] : memref<16777216xf32, #tpu.memory_space<hbm>> -> memref<32768xf32, #tpu.memory_space<hbm>>
    tpu.wait_dma2 semaphore(%arg7 : memref<!tpu.dma_semaphore, #tpu.memory_space<semaphore_mem>>) src(%dma_wait3A_174 : memref<32768xf32, #tpu.memory_space<hbm>>) dst(%arg4 : memref<32768xf32, #tpu.memory_space<vmem>>)
    %scan3A_175 = arith.constant 0 : i32
    %scan3A_176 = arith.constant 0 : i32
    %scan3A_177 = arith.constant 256 : i32
    %scan3A_178 = arith.addi %scan3A_176, %scan3A_177 : i32
    %scan3A_179 = arith.constant 1 : i32
    scf.for %scan3A_237 = %scan3A_176 to %scan3A_178 step %scan3A_179  : i32 {
      %mul3A_238 = arith.constant 128 : i32
      %mul3A_239 = arith.muli %scan3A_237, %mul3A_238 : i32
      %add3A_240 = arith.constant 0 : i32
      %add3A_241 = arith.addi %mul3A_239, %add3A_240 : i32
      %get3A = arith.index_cast %add3A_241 : i32 to index
      %get3A_242 = tpu.vector_load %arg4[%get3A] {strides = array<i32>} : memref<32768xf32, #tpu.memory_space<vmem>>, vector<16xf32>,
      %mul3A_243 = arith.constant 2.000000e+01 : f32
      %mul3A_244 = vector.broadcast %mul3A_243 : f32 to vector<16xf32>
      %mul3A_245 = arith.mulf %get3A_242, %mul3A_244 : vector<16xf32>
      %convert_element_type3A = arith.fptosi %mul3A_245 : vector<16xf32> to vector<16xi32>
      %add3A_246 = arith.addi %convert_element_type3A, %mul3A_45 : vector<16xi32>
      tpu.vector_store_idx %arg6[%add3A_246], %broadcast_in_dim3A_47 {add = true} : memref<320xf32, #tpu.memory_space<vmem>>[vector<16xi32>], vector<16xf32>,
      %add3A_247 = arith.constant 16 : i32
      %add3A_248 = arith.addi %mul3A_239, %add3A_247 : i32
      %get3A_249 = arith.index_cast %add3A_248 : i32 to index
      %get3A_250 = tpu.vector_load %arg4[%get3A_249] {strides = array<i32>} : memref<32768xf32, #tpu.memory_space<vmem>>, vector<16xf32>,
      %mul3A_251 = arith.constant 2.000000e+01 : f32
      %mul3A_252 = vector.broadcast %mul3A_251 : f32 to vector<16xf32>
      %mul3A_253 = arith.mulf %get3A_250, %mul3A_252 : vector<16xf32>
      %convert_element_type3A_254 = arith.fptosi %mul3A_253 : vector<16xf32> to vector<16xi32>
      %add3A_255 = arith.addi %convert_element_type3A_254, %mul3A_45 : vector<16xi32>
      tpu.vector_store_idx %arg6[%add3A_255], %broadcast_in_dim3A_47 {add = true} : memref<320xf32, #tpu.memory_space<vmem>>[vector<16xi32>], vector<16xf32>,
      %add3A_256 = arith.constant 32 : i32
      %add3A_257 = arith.addi %mul3A_239, %add3A_256 : i32
      %get3A_258 = arith.index_cast %add3A_257 : i32 to index
      %get3A_259 = tpu.vector_load %arg4[%get3A_258] {strides = array<i32>} : memref<32768xf32, #tpu.memory_space<vmem>>, vector<16xf32>,
      %mul3A_260 = arith.constant 2.000000e+01 : f32
      %mul3A_261 = vector.broadcast %mul3A_260 : f32 to vector<16xf32>
      %mul3A_262 = arith.mulf %get3A_259, %mul3A_261 : vector<16xf32>
      %convert_element_type3A_263 = arith.fptosi %mul3A_262 : vector<16xf32> to vector<16xi32>
      %add3A_264 = arith.addi %convert_element_type3A_263, %mul3A_45 : vector<16xi32>
      tpu.vector_store_idx %arg6[%add3A_264], %broadcast_in_dim3A_47 {add = true} : memref<320xf32, #tpu.memory_space<vmem>>[vector<16xi32>], vector<16xf32>,
      %add3A_265 = arith.constant 48 : i32
      %add3A_266 = arith.addi %mul3A_239, %add3A_265 : i32
      %get3A_267 = arith.index_cast %add3A_266 : i32 to index
      %get3A_268 = tpu.vector_load %arg4[%get3A_267] {strides = array<i32>} : memref<32768xf32, #tpu.memory_space<vmem>>, vector<16xf32>,
      %mul3A_269 = arith.constant 2.000000e+01 : f32
      %mul3A_270 = vector.broadcast %mul3A_269 : f32 to vector<16xf32>
      %mul3A_271 = arith.mulf %get3A_268, %mul3A_270 : vector<16xf32>
      %convert_element_type3A_272 = arith.fptosi %mul3A_271 : vector<16xf32> to vector<16xi32>
      %add3A_273 = arith.addi %convert_element_type3A_272, %mul3A_45 : vector<16xi32>
      tpu.vector_store_idx %arg6[%add3A_273], %broadcast_in_dim3A_47 {add = true} : memref<320xf32, #tpu.memory_space<vmem>>[vector<16xi32>], vector<16xf32>,
      %add3A_274 = arith.constant 64 : i32
      %add3A_275 = arith.addi %mul3A_239, %add3A_274 : i32
      %get3A_276 = arith.index_cast %add3A_275 : i32 to index
      %get3A_277 = tpu.vector_load %arg4[%get3A_276] {strides = array<i32>} : memref<32768xf32, #tpu.memory_space<vmem>>, vector<16xf32>,
      %mul3A_278 = arith.constant 2.000000e+01 : f32
      %mul3A_279 = vector.broadcast %mul3A_278 : f32 to vector<16xf32>
      %mul3A_280 = arith.mulf %get3A_277, %mul3A_279 : vector<16xf32>
      %convert_element_type3A_281 = arith.fptosi %mul3A_280 : vector<16xf32> to vector<16xi32>
      %add3A_282 = arith.addi %convert_element_type3A_281, %mul3A_45 : vector<16xi32>
      tpu.vector_store_idx %arg6[%add3A_282], %broadcast_in_dim3A_47 {add = true} : memref<320xf32, #tpu.memory_space<vmem>>[vector<16xi32>], vector<16xf32>,
      %add3A_283 = arith.constant 80 : i32
      %add3A_284 = arith.addi %mul3A_239, %add3A_283 : i32
      %get3A_285 = arith.index_cast %add3A_284 : i32 to index
      %get3A_286 = tpu.vector_load %arg4[%get3A_285] {strides = array<i32>} : memref<32768xf32, #tpu.memory_space<vmem>>, vector<16xf32>,
      %mul3A_287 = arith.constant 2.000000e+01 : f32
      %mul3A_288 = vector.broadcast %mul3A_287 : f32 to vector<16xf32>
      %mul3A_289 = arith.mulf %get3A_286, %mul3A_288 : vector<16xf32>
      %convert_element_type3A_290 = arith.fptosi %mul3A_289 : vector<16xf32> to vector<16xi32>
      %add3A_291 = arith.addi %convert_element_type3A_290, %mul3A_45 : vector<16xi32>
      tpu.vector_store_idx %arg6[%add3A_291], %broadcast_in_dim3A_47 {add = true} : memref<320xf32, #tpu.memory_space<vmem>>[vector<16xi32>], vector<16xf32>,
      %add3A_292 = arith.constant 96 : i32
      %add3A_293 = arith.addi %mul3A_239, %add3A_292 : i32
      %get3A_294 = arith.index_cast %add3A_293 : i32 to index
      %get3A_295 = tpu.vector_load %arg4[%get3A_294] {strides = array<i32>} : memref<32768xf32, #tpu.memory_space<vmem>>, vector<16xf32>,
      %mul3A_296 = arith.constant 2.000000e+01 : f32
      %mul3A_297 = vector.broadcast %mul3A_296 : f32 to vector<16xf32>
      %mul3A_298 = arith.mulf %get3A_295, %mul3A_297 : vector<16xf32>
      %convert_element_type3A_299 = arith.fptosi %mul3A_298 : vector<16xf32> to vector<16xi32>
      %add3A_300 = arith.addi %convert_element_type3A_299, %mul3A_45 : vector<16xi32>
      tpu.vector_store_idx %arg6[%add3A_300], %broadcast_in_dim3A_47 {add = true} : memref<320xf32, #tpu.memory_space<vmem>>[vector<16xi32>], vector<16xf32>,
      %add3A_301 = arith.constant 112 : i32
      %add3A_302 = arith.addi %mul3A_239, %add3A_301 : i32
      %get3A_303 = arith.index_cast %add3A_302 : i32 to index
      %get3A_304 = tpu.vector_load %arg4[%get3A_303] {strides = array<i32>} : memref<32768xf32, #tpu.memory_space<vmem>>, vector<16xf32>,
      %mul3A_305 = arith.constant 2.000000e+01 : f32
      %mul3A_306 = vector.broadcast %mul3A_305 : f32 to vector<16xf32>
      %mul3A_307 = arith.mulf %get3A_304, %mul3A_306 : vector<16xf32>
      %convert_element_type3A_308 = arith.fptosi %mul3A_307 : vector<16xf32> to vector<16xi32>
      %add3A_309 = arith.addi %convert_element_type3A_308, %mul3A_45 : vector<16xi32>
      tpu.vector_store_idx %arg6[%add3A_309], %broadcast_in_dim3A_47 {add = true} : memref<320xf32, #tpu.memory_space<vmem>>[vector<16xi32>], vector<16xf32>,
    }
    %scan3A_180 = arith.constant 256 : i32
    %add3A_181 = arith.constant 393216 : i32
    %add3A_182 = arith.addi %mul3A_2, %add3A_181 : i32
    %dma_start3A_183 = tpu.memref_slice %arg2[%add3A_182] : memref<16777216xf32, #tpu.memory_space<hbm>> -> memref<32768xf32, #tpu.memory_space<hbm>>
    %dma_start3A_184 = tpu.memref_slice %arg2[%add3A_182] : memref<16777216xf32, #tpu.memory_space<hbm>> -> memref<32768xf32, #tpu.memory_space<hbm>>
    tpu.enqueue_dma source(%dma_start3A_184 : memref<32768xf32, #tpu.memory_space<hbm>>) target(%arg4 : memref<32768xf32, #tpu.memory_space<vmem>>) target_semaphore(%arg7 : memref<!tpu.dma_semaphore, #tpu.memory_space<semaphore_mem>>)
    %dma_wait3A_185 = tpu.memref_slice %arg2[%add3A_170] : memref<16777216xf32, #tpu.memory_space<hbm>> -> memref<32768xf32, #tpu.memory_space<hbm>>
    %dma_wait3A_186 = tpu.memref_slice %arg2[%add3A_170] : memref<16777216xf32, #tpu.memory_space<hbm>> -> memref<32768xf32, #tpu.memory_space<hbm>>
    tpu.wait_dma2 semaphore(%arg8 : memref<!tpu.dma_semaphore, #tpu.memory_space<semaphore_mem>>) src(%dma_wait3A_186 : memref<32768xf32, #tpu.memory_space<hbm>>) dst(%arg5 : memref<32768xf32, #tpu.memory_space<vmem>>)
    %scan3A_187 = arith.constant 0 : i32
    %scan3A_188 = arith.constant 0 : i32
    %scan3A_189 = arith.constant 256 : i32
    %scan3A_190 = arith.addi %scan3A_188, %scan3A_189 : i32
    %scan3A_191 = arith.constant 1 : i32
    scf.for %scan3A_237 = %scan3A_188 to %scan3A_190 step %scan3A_191  : i32 {
      %mul3A_238 = arith.constant 128 : i32
      %mul3A_239 = arith.muli %scan3A_237, %mul3A_238 : i32
      %add3A_240 = arith.constant 0 : i32
      %add3A_241 = arith.addi %mul3A_239, %add3A_240 : i32
      %get3A = arith.index_cast %add3A_241 : i32 to index
      %get3A_242 = tpu.vector_load %arg5[%get3A] {strides = array<i32>} : memref<32768xf32, #tpu.memory_space<vmem>>, vector<16xf32>,
      %mul3A_243 = arith.constant 2.000000e+01 : f32
      %mul3A_244 = vector.broadcast %mul3A_243 : f32 to vector<16xf32>
      %mul3A_245 = arith.mulf %get3A_242, %mul3A_244 : vector<16xf32>
      %convert_element_type3A = arith.fptosi %mul3A_245 : vector<16xf32> to vector<16xi32>
      %add3A_246 = arith.addi %convert_element_type3A, %mul3A_45 : vector<16xi32>
      tpu.vector_store_idx %arg6[%add3A_246], %broadcast_in_dim3A_47 {add = true} : memref<320xf32, #tpu.memory_space<vmem>>[vector<16xi32>], vector<16xf32>,
      %add3A_247 = arith.constant 16 : i32
      %add3A_248 = arith.addi %mul3A_239, %add3A_247 : i32
      %get3A_249 = arith.index_cast %add3A_248 : i32 to index
      %get3A_250 = tpu.vector_load %arg5[%get3A_249] {strides = array<i32>} : memref<32768xf32, #tpu.memory_space<vmem>>, vector<16xf32>,
      %mul3A_251 = arith.constant 2.000000e+01 : f32
      %mul3A_252 = vector.broadcast %mul3A_251 : f32 to vector<16xf32>
      %mul3A_253 = arith.mulf %get3A_250, %mul3A_252 : vector<16xf32>
      %convert_element_type3A_254 = arith.fptosi %mul3A_253 : vector<16xf32> to vector<16xi32>
      %add3A_255 = arith.addi %convert_element_type3A_254, %mul3A_45 : vector<16xi32>
      tpu.vector_store_idx %arg6[%add3A_255], %broadcast_in_dim3A_47 {add = true} : memref<320xf32, #tpu.memory_space<vmem>>[vector<16xi32>], vector<16xf32>,
      %add3A_256 = arith.constant 32 : i32
      %add3A_257 = arith.addi %mul3A_239, %add3A_256 : i32
      %get3A_258 = arith.index_cast %add3A_257 : i32 to index
      %get3A_259 = tpu.vector_load %arg5[%get3A_258] {strides = array<i32>} : memref<32768xf32, #tpu.memory_space<vmem>>, vector<16xf32>,
      %mul3A_260 = arith.constant 2.000000e+01 : f32
      %mul3A_261 = vector.broadcast %mul3A_260 : f32 to vector<16xf32>
      %mul3A_262 = arith.mulf %get3A_259, %mul3A_261 : vector<16xf32>
      %convert_element_type3A_263 = arith.fptosi %mul3A_262 : vector<16xf32> to vector<16xi32>
      %add3A_264 = arith.addi %convert_element_type3A_263, %mul3A_45 : vector<16xi32>
      tpu.vector_store_idx %arg6[%add3A_264], %broadcast_in_dim3A_47 {add = true} : memref<320xf32, #tpu.memory_space<vmem>>[vector<16xi32>], vector<16xf32>,
      %add3A_265 = arith.constant 48 : i32
      %add3A_266 = arith.addi %mul3A_239, %add3A_265 : i32
      %get3A_267 = arith.index_cast %add3A_266 : i32 to index
      %get3A_268 = tpu.vector_load %arg5[%get3A_267] {strides = array<i32>} : memref<32768xf32, #tpu.memory_space<vmem>>, vector<16xf32>,
      %mul3A_269 = arith.constant 2.000000e+01 : f32
      %mul3A_270 = vector.broadcast %mul3A_269 : f32 to vector<16xf32>
      %mul3A_271 = arith.mulf %get3A_268, %mul3A_270 : vector<16xf32>
      %convert_element_type3A_272 = arith.fptosi %mul3A_271 : vector<16xf32> to vector<16xi32>
      %add3A_273 = arith.addi %convert_element_type3A_272, %mul3A_45 : vector<16xi32>
      tpu.vector_store_idx %arg6[%add3A_273], %broadcast_in_dim3A_47 {add = true} : memref<320xf32, #tpu.memory_space<vmem>>[vector<16xi32>], vector<16xf32>,
      %add3A_274 = arith.constant 64 : i32
      %add3A_275 = arith.addi %mul3A_239, %add3A_274 : i32
      %get3A_276 = arith.index_cast %add3A_275 : i32 to index
      %get3A_277 = tpu.vector_load %arg5[%get3A_276] {strides = array<i32>} : memref<32768xf32, #tpu.memory_space<vmem>>, vector<16xf32>,
      %mul3A_278 = arith.constant 2.000000e+01 : f32
      %mul3A_279 = vector.broadcast %mul3A_278 : f32 to vector<16xf32>
      %mul3A_280 = arith.mulf %get3A_277, %mul3A_279 : vector<16xf32>
      %convert_element_type3A_281 = arith.fptosi %mul3A_280 : vector<16xf32> to vector<16xi32>
      %add3A_282 = arith.addi %convert_element_type3A_281, %mul3A_45 : vector<16xi32>
      tpu.vector_store_idx %arg6[%add3A_282], %broadcast_in_dim3A_47 {add = true} : memref<320xf32, #tpu.memory_space<vmem>>[vector<16xi32>], vector<16xf32>,
      %add3A_283 = arith.constant 80 : i32
      %add3A_284 = arith.addi %mul3A_239, %add3A_283 : i32
      %get3A_285 = arith.index_cast %add3A_284 : i32 to index
      %get3A_286 = tpu.vector_load %arg5[%get3A_285] {strides = array<i32>} : memref<32768xf32, #tpu.memory_space<vmem>>, vector<16xf32>,
      %mul3A_287 = arith.constant 2.000000e+01 : f32
      %mul3A_288 = vector.broadcast %mul3A_287 : f32 to vector<16xf32>
      %mul3A_289 = arith.mulf %get3A_286, %mul3A_288 : vector<16xf32>
      %convert_element_type3A_290 = arith.fptosi %mul3A_289 : vector<16xf32> to vector<16xi32>
      %add3A_291 = arith.addi %convert_element_type3A_290, %mul3A_45 : vector<16xi32>
      tpu.vector_store_idx %arg6[%add3A_291], %broadcast_in_dim3A_47 {add = true} : memref<320xf32, #tpu.memory_space<vmem>>[vector<16xi32>], vector<16xf32>,
      %add3A_292 = arith.constant 96 : i32
      %add3A_293 = arith.addi %mul3A_239, %add3A_292 : i32
      %get3A_294 = arith.index_cast %add3A_293 : i32 to index
      %get3A_295 = tpu.vector_load %arg5[%get3A_294] {strides = array<i32>} : memref<32768xf32, #tpu.memory_space<vmem>>, vector<16xf32>,
      %mul3A_296 = arith.constant 2.000000e+01 : f32
      %mul3A_297 = vector.broadcast %mul3A_296 : f32 to vector<16xf32>
      %mul3A_298 = arith.mulf %get3A_295, %mul3A_297 : vector<16xf32>
      %convert_element_type3A_299 = arith.fptosi %mul3A_298 : vector<16xf32> to vector<16xi32>
      %add3A_300 = arith.addi %convert_element_type3A_299, %mul3A_45 : vector<16xi32>
      tpu.vector_store_idx %arg6[%add3A_300], %broadcast_in_dim3A_47 {add = true} : memref<320xf32, #tpu.memory_space<vmem>>[vector<16xi32>], vector<16xf32>,
      %add3A_301 = arith.constant 112 : i32
      %add3A_302 = arith.addi %mul3A_239, %add3A_301 : i32
      %get3A_303 = arith.index_cast %add3A_302 : i32 to index
      %get3A_304 = tpu.vector_load %arg5[%get3A_303] {strides = array<i32>} : memref<32768xf32, #tpu.memory_space<vmem>>, vector<16xf32>,
      %mul3A_305 = arith.constant 2.000000e+01 : f32
      %mul3A_306 = vector.broadcast %mul3A_305 : f32 to vector<16xf32>
      %mul3A_307 = arith.mulf %get3A_304, %mul3A_306 : vector<16xf32>
      %convert_element_type3A_308 = arith.fptosi %mul3A_307 : vector<16xf32> to vector<16xi32>
      %add3A_309 = arith.addi %convert_element_type3A_308, %mul3A_45 : vector<16xi32>
      tpu.vector_store_idx %arg6[%add3A_309], %broadcast_in_dim3A_47 {add = true} : memref<320xf32, #tpu.memory_space<vmem>>[vector<16xi32>], vector<16xf32>,
    }
    %scan3A_192 = arith.constant 256 : i32
    %add3A_193 = arith.constant 425984 : i32
    %add3A_194 = arith.addi %mul3A_2, %add3A_193 : i32
    %dma_start3A_195 = tpu.memref_slice %arg2[%add3A_194] : memref<16777216xf32, #tpu.memory_space<hbm>> -> memref<32768xf32, #tpu.memory_space<hbm>>
    %dma_start3A_196 = tpu.memref_slice %arg2[%add3A_194] : memref<16777216xf32, #tpu.memory_space<hbm>> -> memref<32768xf32, #tpu.memory_space<hbm>>
    tpu.enqueue_dma source(%dma_start3A_196 : memref<32768xf32, #tpu.memory_space<hbm>>) target(%arg5 : memref<32768xf32, #tpu.memory_space<vmem>>) target_semaphore(%arg8 : memref<!tpu.dma_semaphore, #tpu.memory_space<semaphore_mem>>)
    %dma_wait3A_197 = tpu.memref_slice %arg2[%add3A_182] : memref<16777216xf32, #tpu.memory_space<hbm>> -> memref<32768xf32, #tpu.memory_space<hbm>>
    %dma_wait3A_198 = tpu.memref_slice %arg2[%add3A_182] : memref<16777216xf32, #tpu.memory_space<hbm>> -> memref<32768xf32, #tpu.memory_space<hbm>>
    tpu.wait_dma2 semaphore(%arg7 : memref<!tpu.dma_semaphore, #tpu.memory_space<semaphore_mem>>) src(%dma_wait3A_198 : memref<32768xf32, #tpu.memory_space<hbm>>) dst(%arg4 : memref<32768xf32, #tpu.memory_space<vmem>>)
    %scan3A_199 = arith.constant 0 : i32
    %scan3A_200 = arith.constant 0 : i32
    %scan3A_201 = arith.constant 256 : i32
    %scan3A_202 = arith.addi %scan3A_200, %scan3A_201 : i32
    %scan3A_203 = arith.constant 1 : i32
    scf.for %scan3A_237 = %scan3A_200 to %scan3A_202 step %scan3A_203  : i32 {
      %mul3A_238 = arith.constant 128 : i32
      %mul3A_239 = arith.muli %scan3A_237, %mul3A_238 : i32
      %add3A_240 = arith.constant 0 : i32
      %add3A_241 = arith.addi %mul3A_239, %add3A_240 : i32
      %get3A = arith.index_cast %add3A_241 : i32 to index
      %get3A_242 = tpu.vector_load %arg4[%get3A] {strides = array<i32>} : memref<32768xf32, #tpu.memory_space<vmem>>, vector<16xf32>,
      %mul3A_243 = arith.constant 2.000000e+01 : f32
      %mul3A_244 = vector.broadcast %mul3A_243 : f32 to vector<16xf32>
      %mul3A_245 = arith.mulf %get3A_242, %mul3A_244 : vector<16xf32>
      %convert_element_type3A = arith.fptosi %mul3A_245 : vector<16xf32> to vector<16xi32>
      %add3A_246 = arith.addi %convert_element_type3A, %mul3A_45 : vector<16xi32>
      tpu.vector_store_idx %arg6[%add3A_246], %broadcast_in_dim3A_47 {add = true} : memref<320xf32, #tpu.memory_space<vmem>>[vector<16xi32>], vector<16xf32>,
      %add3A_247 = arith.constant 16 : i32
      %add3A_248 = arith.addi %mul3A_239, %add3A_247 : i32
      %get3A_249 = arith.index_cast %add3A_248 : i32 to index
      %get3A_250 = tpu.vector_load %arg4[%get3A_249] {strides = array<i32>} : memref<32768xf32, #tpu.memory_space<vmem>>, vector<16xf32>,
      %mul3A_251 = arith.constant 2.000000e+01 : f32
      %mul3A_252 = vector.broadcast %mul3A_251 : f32 to vector<16xf32>
      %mul3A_253 = arith.mulf %get3A_250, %mul3A_252 : vector<16xf32>
      %convert_element_type3A_254 = arith.fptosi %mul3A_253 : vector<16xf32> to vector<16xi32>
      %add3A_255 = arith.addi %convert_element_type3A_254, %mul3A_45 : vector<16xi32>
      tpu.vector_store_idx %arg6[%add3A_255], %broadcast_in_dim3A_47 {add = true} : memref<320xf32, #tpu.memory_space<vmem>>[vector<16xi32>], vector<16xf32>,
      %add3A_256 = arith.constant 32 : i32
      %add3A_257 = arith.addi %mul3A_239, %add3A_256 : i32
      %get3A_258 = arith.index_cast %add3A_257 : i32 to index
      %get3A_259 = tpu.vector_load %arg4[%get3A_258] {strides = array<i32>} : memref<32768xf32, #tpu.memory_space<vmem>>, vector<16xf32>,
      %mul3A_260 = arith.constant 2.000000e+01 : f32
      %mul3A_261 = vector.broadcast %mul3A_260 : f32 to vector<16xf32>
      %mul3A_262 = arith.mulf %get3A_259, %mul3A_261 : vector<16xf32>
      %convert_element_type3A_263 = arith.fptosi %mul3A_262 : vector<16xf32> to vector<16xi32>
      %add3A_264 = arith.addi %convert_element_type3A_263, %mul3A_45 : vector<16xi32>
      tpu.vector_store_idx %arg6[%add3A_264], %broadcast_in_dim3A_47 {add = true} : memref<320xf32, #tpu.memory_space<vmem>>[vector<16xi32>], vector<16xf32>,
      %add3A_265 = arith.constant 48 : i32
      %add3A_266 = arith.addi %mul3A_239, %add3A_265 : i32
      %get3A_267 = arith.index_cast %add3A_266 : i32 to index
      %get3A_268 = tpu.vector_load %arg4[%get3A_267] {strides = array<i32>} : memref<32768xf32, #tpu.memory_space<vmem>>, vector<16xf32>,
      %mul3A_269 = arith.constant 2.000000e+01 : f32
      %mul3A_270 = vector.broadcast %mul3A_269 : f32 to vector<16xf32>
      %mul3A_271 = arith.mulf %get3A_268, %mul3A_270 : vector<16xf32>
      %convert_element_type3A_272 = arith.fptosi %mul3A_271 : vector<16xf32> to vector<16xi32>
      %add3A_273 = arith.addi %convert_element_type3A_272, %mul3A_45 : vector<16xi32>
      tpu.vector_store_idx %arg6[%add3A_273], %broadcast_in_dim3A_47 {add = true} : memref<320xf32, #tpu.memory_space<vmem>>[vector<16xi32>], vector<16xf32>,
      %add3A_274 = arith.constant 64 : i32
      %add3A_275 = arith.addi %mul3A_239, %add3A_274 : i32
      %get3A_276 = arith.index_cast %add3A_275 : i32 to index
      %get3A_277 = tpu.vector_load %arg4[%get3A_276] {strides = array<i32>} : memref<32768xf32, #tpu.memory_space<vmem>>, vector<16xf32>,
      %mul3A_278 = arith.constant 2.000000e+01 : f32
      %mul3A_279 = vector.broadcast %mul3A_278 : f32 to vector<16xf32>
      %mul3A_280 = arith.mulf %get3A_277, %mul3A_279 : vector<16xf32>
      %convert_element_type3A_281 = arith.fptosi %mul3A_280 : vector<16xf32> to vector<16xi32>
      %add3A_282 = arith.addi %convert_element_type3A_281, %mul3A_45 : vector<16xi32>
      tpu.vector_store_idx %arg6[%add3A_282], %broadcast_in_dim3A_47 {add = true} : memref<320xf32, #tpu.memory_space<vmem>>[vector<16xi32>], vector<16xf32>,
      %add3A_283 = arith.constant 80 : i32
      %add3A_284 = arith.addi %mul3A_239, %add3A_283 : i32
      %get3A_285 = arith.index_cast %add3A_284 : i32 to index
      %get3A_286 = tpu.vector_load %arg4[%get3A_285] {strides = array<i32>} : memref<32768xf32, #tpu.memory_space<vmem>>, vector<16xf32>,
      %mul3A_287 = arith.constant 2.000000e+01 : f32
      %mul3A_288 = vector.broadcast %mul3A_287 : f32 to vector<16xf32>
      %mul3A_289 = arith.mulf %get3A_286, %mul3A_288 : vector<16xf32>
      %convert_element_type3A_290 = arith.fptosi %mul3A_289 : vector<16xf32> to vector<16xi32>
      %add3A_291 = arith.addi %convert_element_type3A_290, %mul3A_45 : vector<16xi32>
      tpu.vector_store_idx %arg6[%add3A_291], %broadcast_in_dim3A_47 {add = true} : memref<320xf32, #tpu.memory_space<vmem>>[vector<16xi32>], vector<16xf32>,
      %add3A_292 = arith.constant 96 : i32
      %add3A_293 = arith.addi %mul3A_239, %add3A_292 : i32
      %get3A_294 = arith.index_cast %add3A_293 : i32 to index
      %get3A_295 = tpu.vector_load %arg4[%get3A_294] {strides = array<i32>} : memref<32768xf32, #tpu.memory_space<vmem>>, vector<16xf32>,
      %mul3A_296 = arith.constant 2.000000e+01 : f32
      %mul3A_297 = vector.broadcast %mul3A_296 : f32 to vector<16xf32>
      %mul3A_298 = arith.mulf %get3A_295, %mul3A_297 : vector<16xf32>
      %convert_element_type3A_299 = arith.fptosi %mul3A_298 : vector<16xf32> to vector<16xi32>
      %add3A_300 = arith.addi %convert_element_type3A_299, %mul3A_45 : vector<16xi32>
      tpu.vector_store_idx %arg6[%add3A_300], %broadcast_in_dim3A_47 {add = true} : memref<320xf32, #tpu.memory_space<vmem>>[vector<16xi32>], vector<16xf32>,
      %add3A_301 = arith.constant 112 : i32
      %add3A_302 = arith.addi %mul3A_239, %add3A_301 : i32
      %get3A_303 = arith.index_cast %add3A_302 : i32 to index
      %get3A_304 = tpu.vector_load %arg4[%get3A_303] {strides = array<i32>} : memref<32768xf32, #tpu.memory_space<vmem>>, vector<16xf32>,
      %mul3A_305 = arith.constant 2.000000e+01 : f32
      %mul3A_306 = vector.broadcast %mul3A_305 : f32 to vector<16xf32>
      %mul3A_307 = arith.mulf %get3A_304, %mul3A_306 : vector<16xf32>
      %convert_element_type3A_308 = arith.fptosi %mul3A_307 : vector<16xf32> to vector<16xi32>
      %add3A_309 = arith.addi %convert_element_type3A_308, %mul3A_45 : vector<16xi32>
      tpu.vector_store_idx %arg6[%add3A_309], %broadcast_in_dim3A_47 {add = true} : memref<320xf32, #tpu.memory_space<vmem>>[vector<16xi32>], vector<16xf32>,
    }
    %scan3A_204 = arith.constant 256 : i32
    %add3A_205 = arith.constant 458752 : i32
    %add3A_206 = arith.addi %mul3A_2, %add3A_205 : i32
    %dma_start3A_207 = tpu.memref_slice %arg2[%add3A_206] : memref<16777216xf32, #tpu.memory_space<hbm>> -> memref<32768xf32, #tpu.memory_space<hbm>>
    %dma_start3A_208 = tpu.memref_slice %arg2[%add3A_206] : memref<16777216xf32, #tpu.memory_space<hbm>> -> memref<32768xf32, #tpu.memory_space<hbm>>
    tpu.enqueue_dma source(%dma_start3A_208 : memref<32768xf32, #tpu.memory_space<hbm>>) target(%arg4 : memref<32768xf32, #tpu.memory_space<vmem>>) target_semaphore(%arg7 : memref<!tpu.dma_semaphore, #tpu.memory_space<semaphore_mem>>)
    %dma_wait3A_209 = tpu.memref_slice %arg2[%add3A_194] : memref<16777216xf32, #tpu.memory_space<hbm>> -> memref<32768xf32, #tpu.memory_space<hbm>>
    %dma_wait3A_210 = tpu.memref_slice %arg2[%add3A_194] : memref<16777216xf32, #tpu.memory_space<hbm>> -> memref<32768xf32, #tpu.memory_space<hbm>>
    tpu.wait_dma2 semaphore(%arg8 : memref<!tpu.dma_semaphore, #tpu.memory_space<semaphore_mem>>) src(%dma_wait3A_210 : memref<32768xf32, #tpu.memory_space<hbm>>) dst(%arg5 : memref<32768xf32, #tpu.memory_space<vmem>>)
    %scan3A_211 = arith.constant 0 : i32
    %scan3A_212 = arith.constant 0 : i32
    %scan3A_213 = arith.constant 256 : i32
    %scan3A_214 = arith.addi %scan3A_212, %scan3A_213 : i32
    %scan3A_215 = arith.constant 1 : i32
    scf.for %scan3A_237 = %scan3A_212 to %scan3A_214 step %scan3A_215  : i32 {
      %mul3A_238 = arith.constant 128 : i32
      %mul3A_239 = arith.muli %scan3A_237, %mul3A_238 : i32
      %add3A_240 = arith.constant 0 : i32
      %add3A_241 = arith.addi %mul3A_239, %add3A_240 : i32
      %get3A = arith.index_cast %add3A_241 : i32 to index
      %get3A_242 = tpu.vector_load %arg5[%get3A] {strides = array<i32>} : memref<32768xf32, #tpu.memory_space<vmem>>, vector<16xf32>,
      %mul3A_243 = arith.constant 2.000000e+01 : f32
      %mul3A_244 = vector.broadcast %mul3A_243 : f32 to vector<16xf32>
      %mul3A_245 = arith.mulf %get3A_242, %mul3A_244 : vector<16xf32>
      %convert_element_type3A = arith.fptosi %mul3A_245 : vector<16xf32> to vector<16xi32>
      %add3A_246 = arith.addi %convert_element_type3A, %mul3A_45 : vector<16xi32>
      tpu.vector_store_idx %arg6[%add3A_246], %broadcast_in_dim3A_47 {add = true} : memref<320xf32, #tpu.memory_space<vmem>>[vector<16xi32>], vector<16xf32>,
      %add3A_247 = arith.constant 16 : i32
      %add3A_248 = arith.addi %mul3A_239, %add3A_247 : i32
      %get3A_249 = arith.index_cast %add3A_248 : i32 to index
      %get3A_250 = tpu.vector_load %arg5[%get3A_249] {strides = array<i32>} : memref<32768xf32, #tpu.memory_space<vmem>>, vector<16xf32>,
      %mul3A_251 = arith.constant 2.000000e+01 : f32
      %mul3A_252 = vector.broadcast %mul3A_251 : f32 to vector<16xf32>
      %mul3A_253 = arith.mulf %get3A_250, %mul3A_252 : vector<16xf32>
      %convert_element_type3A_254 = arith.fptosi %mul3A_253 : vector<16xf32> to vector<16xi32>
      %add3A_255 = arith.addi %convert_element_type3A_254, %mul3A_45 : vector<16xi32>
      tpu.vector_store_idx %arg6[%add3A_255], %broadcast_in_dim3A_47 {add = true} : memref<320xf32, #tpu.memory_space<vmem>>[vector<16xi32>], vector<16xf32>,
      %add3A_256 = arith.constant 32 : i32
      %add3A_257 = arith.addi %mul3A_239, %add3A_256 : i32
      %get3A_258 = arith.index_cast %add3A_257 : i32 to index
      %get3A_259 = tpu.vector_load %arg5[%get3A_258] {strides = array<i32>} : memref<32768xf32, #tpu.memory_space<vmem>>, vector<16xf32>,
      %mul3A_260 = arith.constant 2.000000e+01 : f32
      %mul3A_261 = vector.broadcast %mul3A_260 : f32 to vector<16xf32>
      %mul3A_262 = arith.mulf %get3A_259, %mul3A_261 : vector<16xf32>
      %convert_element_type3A_263 = arith.fptosi %mul3A_262 : vector<16xf32> to vector<16xi32>
      %add3A_264 = arith.addi %convert_element_type3A_263, %mul3A_45 : vector<16xi32>
      tpu.vector_store_idx %arg6[%add3A_264], %broadcast_in_dim3A_47 {add = true} : memref<320xf32, #tpu.memory_space<vmem>>[vector<16xi32>], vector<16xf32>,
      %add3A_265 = arith.constant 48 : i32
      %add3A_266 = arith.addi %mul3A_239, %add3A_265 : i32
      %get3A_267 = arith.index_cast %add3A_266 : i32 to index
      %get3A_268 = tpu.vector_load %arg5[%get3A_267] {strides = array<i32>} : memref<32768xf32, #tpu.memory_space<vmem>>, vector<16xf32>,
      %mul3A_269 = arith.constant 2.000000e+01 : f32
      %mul3A_270 = vector.broadcast %mul3A_269 : f32 to vector<16xf32>
      %mul3A_271 = arith.mulf %get3A_268, %mul3A_270 : vector<16xf32>
      %convert_element_type3A_272 = arith.fptosi %mul3A_271 : vector<16xf32> to vector<16xi32>
      %add3A_273 = arith.addi %convert_element_type3A_272, %mul3A_45 : vector<16xi32>
      tpu.vector_store_idx %arg6[%add3A_273], %broadcast_in_dim3A_47 {add = true} : memref<320xf32, #tpu.memory_space<vmem>>[vector<16xi32>], vector<16xf32>,
      %add3A_274 = arith.constant 64 : i32
      %add3A_275 = arith.addi %mul3A_239, %add3A_274 : i32
      %get3A_276 = arith.index_cast %add3A_275 : i32 to index
      %get3A_277 = tpu.vector_load %arg5[%get3A_276] {strides = array<i32>} : memref<32768xf32, #tpu.memory_space<vmem>>, vector<16xf32>,
      %mul3A_278 = arith.constant 2.000000e+01 : f32
      %mul3A_279 = vector.broadcast %mul3A_278 : f32 to vector<16xf32>
      %mul3A_280 = arith.mulf %get3A_277, %mul3A_279 : vector<16xf32>
      %convert_element_type3A_281 = arith.fptosi %mul3A_280 : vector<16xf32> to vector<16xi32>
      %add3A_282 = arith.addi %convert_element_type3A_281, %mul3A_45 : vector<16xi32>
      tpu.vector_store_idx %arg6[%add3A_282], %broadcast_in_dim3A_47 {add = true} : memref<320xf32, #tpu.memory_space<vmem>>[vector<16xi32>], vector<16xf32>,
      %add3A_283 = arith.constant 80 : i32
      %add3A_284 = arith.addi %mul3A_239, %add3A_283 : i32
      %get3A_285 = arith.index_cast %add3A_284 : i32 to index
      %get3A_286 = tpu.vector_load %arg5[%get3A_285] {strides = array<i32>} : memref<32768xf32, #tpu.memory_space<vmem>>, vector<16xf32>,
      %mul3A_287 = arith.constant 2.000000e+01 : f32
      %mul3A_288 = vector.broadcast %mul3A_287 : f32 to vector<16xf32>
      %mul3A_289 = arith.mulf %get3A_286, %mul3A_288 : vector<16xf32>
      %convert_element_type3A_290 = arith.fptosi %mul3A_289 : vector<16xf32> to vector<16xi32>
      %add3A_291 = arith.addi %convert_element_type3A_290, %mul3A_45 : vector<16xi32>
      tpu.vector_store_idx %arg6[%add3A_291], %broadcast_in_dim3A_47 {add = true} : memref<320xf32, #tpu.memory_space<vmem>>[vector<16xi32>], vector<16xf32>,
      %add3A_292 = arith.constant 96 : i32
      %add3A_293 = arith.addi %mul3A_239, %add3A_292 : i32
      %get3A_294 = arith.index_cast %add3A_293 : i32 to index
      %get3A_295 = tpu.vector_load %arg5[%get3A_294] {strides = array<i32>} : memref<32768xf32, #tpu.memory_space<vmem>>, vector<16xf32>,
      %mul3A_296 = arith.constant 2.000000e+01 : f32
      %mul3A_297 = vector.broadcast %mul3A_296 : f32 to vector<16xf32>
      %mul3A_298 = arith.mulf %get3A_295, %mul3A_297 : vector<16xf32>
      %convert_element_type3A_299 = arith.fptosi %mul3A_298 : vector<16xf32> to vector<16xi32>
      %add3A_300 = arith.addi %convert_element_type3A_299, %mul3A_45 : vector<16xi32>
      tpu.vector_store_idx %arg6[%add3A_300], %broadcast_in_dim3A_47 {add = true} : memref<320xf32, #tpu.memory_space<vmem>>[vector<16xi32>], vector<16xf32>,
      %add3A_301 = arith.constant 112 : i32
      %add3A_302 = arith.addi %mul3A_239, %add3A_301 : i32
      %get3A_303 = arith.index_cast %add3A_302 : i32 to index
      %get3A_304 = tpu.vector_load %arg5[%get3A_303] {strides = array<i32>} : memref<32768xf32, #tpu.memory_space<vmem>>, vector<16xf32>,
      %mul3A_305 = arith.constant 2.000000e+01 : f32
      %mul3A_306 = vector.broadcast %mul3A_305 : f32 to vector<16xf32>
      %mul3A_307 = arith.mulf %get3A_304, %mul3A_306 : vector<16xf32>
      %convert_element_type3A_308 = arith.fptosi %mul3A_307 : vector<16xf32> to vector<16xi32>
      %add3A_309 = arith.addi %convert_element_type3A_308, %mul3A_45 : vector<16xi32>
      tpu.vector_store_idx %arg6[%add3A_309], %broadcast_in_dim3A_47 {add = true} : memref<320xf32, #tpu.memory_space<vmem>>[vector<16xi32>], vector<16xf32>,
    }
    %scan3A_216 = arith.constant 256 : i32
    %add3A_217 = arith.constant 491520 : i32
    %add3A_218 = arith.addi %mul3A_2, %add3A_217 : i32
    %dma_start3A_219 = tpu.memref_slice %arg2[%add3A_218] : memref<16777216xf32, #tpu.memory_space<hbm>> -> memref<32768xf32, #tpu.memory_space<hbm>>
    %dma_start3A_220 = tpu.memref_slice %arg2[%add3A_218] : memref<16777216xf32, #tpu.memory_space<hbm>> -> memref<32768xf32, #tpu.memory_space<hbm>>
    tpu.enqueue_dma source(%dma_start3A_220 : memref<32768xf32, #tpu.memory_space<hbm>>) target(%arg5 : memref<32768xf32, #tpu.memory_space<vmem>>) target_semaphore(%arg8 : memref<!tpu.dma_semaphore, #tpu.memory_space<semaphore_mem>>)
    %dma_wait3A_221 = tpu.memref_slice %arg2[%add3A_206] : memref<16777216xf32, #tpu.memory_space<hbm>> -> memref<32768xf32, #tpu.memory_space<hbm>>
    %dma_wait3A_222 = tpu.memref_slice %arg2[%add3A_206] : memref<16777216xf32, #tpu.memory_space<hbm>> -> memref<32768xf32, #tpu.memory_space<hbm>>
    tpu.wait_dma2 semaphore(%arg7 : memref<!tpu.dma_semaphore, #tpu.memory_space<semaphore_mem>>) src(%dma_wait3A_222 : memref<32768xf32, #tpu.memory_space<hbm>>) dst(%arg4 : memref<32768xf32, #tpu.memory_space<vmem>>)
    %scan3A_223 = arith.constant 0 : i32
    %scan3A_224 = arith.constant 0 : i32
    %scan3A_225 = arith.constant 256 : i32
    %scan3A_226 = arith.addi %scan3A_224, %scan3A_225 : i32
    %scan3A_227 = arith.constant 1 : i32
    scf.for %scan3A_237 = %scan3A_224 to %scan3A_226 step %scan3A_227  : i32 {
      %mul3A_238 = arith.constant 128 : i32
      %mul3A_239 = arith.muli %scan3A_237, %mul3A_238 : i32
      %add3A_240 = arith.constant 0 : i32
      %add3A_241 = arith.addi %mul3A_239, %add3A_240 : i32
      %get3A = arith.index_cast %add3A_241 : i32 to index
      %get3A_242 = tpu.vector_load %arg4[%get3A] {strides = array<i32>} : memref<32768xf32, #tpu.memory_space<vmem>>, vector<16xf32>,
      %mul3A_243 = arith.constant 2.000000e+01 : f32
      %mul3A_244 = vector.broadcast %mul3A_243 : f32 to vector<16xf32>
      %mul3A_245 = arith.mulf %get3A_242, %mul3A_244 : vector<16xf32>
      %convert_element_type3A = arith.fptosi %mul3A_245 : vector<16xf32> to vector<16xi32>
      %add3A_246 = arith.addi %convert_element_type3A, %mul3A_45 : vector<16xi32>
      tpu.vector_store_idx %arg6[%add3A_246], %broadcast_in_dim3A_47 {add = true} : memref<320xf32, #tpu.memory_space<vmem>>[vector<16xi32>], vector<16xf32>,
      %add3A_247 = arith.constant 16 : i32
      %add3A_248 = arith.addi %mul3A_239, %add3A_247 : i32
      %get3A_249 = arith.index_cast %add3A_248 : i32 to index
      %get3A_250 = tpu.vector_load %arg4[%get3A_249] {strides = array<i32>} : memref<32768xf32, #tpu.memory_space<vmem>>, vector<16xf32>,
      %mul3A_251 = arith.constant 2.000000e+01 : f32
      %mul3A_252 = vector.broadcast %mul3A_251 : f32 to vector<16xf32>
      %mul3A_253 = arith.mulf %get3A_250, %mul3A_252 : vector<16xf32>
      %convert_element_type3A_254 = arith.fptosi %mul3A_253 : vector<16xf32> to vector<16xi32>
      %add3A_255 = arith.addi %convert_element_type3A_254, %mul3A_45 : vector<16xi32>
      tpu.vector_store_idx %arg6[%add3A_255], %broadcast_in_dim3A_47 {add = true} : memref<320xf32, #tpu.memory_space<vmem>>[vector<16xi32>], vector<16xf32>,
      %add3A_256 = arith.constant 32 : i32
      %add3A_257 = arith.addi %mul3A_239, %add3A_256 : i32
      %get3A_258 = arith.index_cast %add3A_257 : i32 to index
      %get3A_259 = tpu.vector_load %arg4[%get3A_258] {strides = array<i32>} : memref<32768xf32, #tpu.memory_space<vmem>>, vector<16xf32>,
      %mul3A_260 = arith.constant 2.000000e+01 : f32
      %mul3A_261 = vector.broadcast %mul3A_260 : f32 to vector<16xf32>
      %mul3A_262 = arith.mulf %get3A_259, %mul3A_261 : vector<16xf32>
      %convert_element_type3A_263 = arith.fptosi %mul3A_262 : vector<16xf32> to vector<16xi32>
      %add3A_264 = arith.addi %convert_element_type3A_263, %mul3A_45 : vector<16xi32>
      tpu.vector_store_idx %arg6[%add3A_264], %broadcast_in_dim3A_47 {add = true} : memref<320xf32, #tpu.memory_space<vmem>>[vector<16xi32>], vector<16xf32>,
      %add3A_265 = arith.constant 48 : i32
      %add3A_266 = arith.addi %mul3A_239, %add3A_265 : i32
      %get3A_267 = arith.index_cast %add3A_266 : i32 to index
      %get3A_268 = tpu.vector_load %arg4[%get3A_267] {strides = array<i32>} : memref<32768xf32, #tpu.memory_space<vmem>>, vector<16xf32>,
      %mul3A_269 = arith.constant 2.000000e+01 : f32
      %mul3A_270 = vector.broadcast %mul3A_269 : f32 to vector<16xf32>
      %mul3A_271 = arith.mulf %get3A_268, %mul3A_270 : vector<16xf32>
      %convert_element_type3A_272 = arith.fptosi %mul3A_271 : vector<16xf32> to vector<16xi32>
      %add3A_273 = arith.addi %convert_element_type3A_272, %mul3A_45 : vector<16xi32>
      tpu.vector_store_idx %arg6[%add3A_273], %broadcast_in_dim3A_47 {add = true} : memref<320xf32, #tpu.memory_space<vmem>>[vector<16xi32>], vector<16xf32>,
      %add3A_274 = arith.constant 64 : i32
      %add3A_275 = arith.addi %mul3A_239, %add3A_274 : i32
      %get3A_276 = arith.index_cast %add3A_275 : i32 to index
      %get3A_277 = tpu.vector_load %arg4[%get3A_276] {strides = array<i32>} : memref<32768xf32, #tpu.memory_space<vmem>>, vector<16xf32>,
      %mul3A_278 = arith.constant 2.000000e+01 : f32
      %mul3A_279 = vector.broadcast %mul3A_278 : f32 to vector<16xf32>
      %mul3A_280 = arith.mulf %get3A_277, %mul3A_279 : vector<16xf32>
      %convert_element_type3A_281 = arith.fptosi %mul3A_280 : vector<16xf32> to vector<16xi32>
      %add3A_282 = arith.addi %convert_element_type3A_281, %mul3A_45 : vector<16xi32>
      tpu.vector_store_idx %arg6[%add3A_282], %broadcast_in_dim3A_47 {add = true} : memref<320xf32, #tpu.memory_space<vmem>>[vector<16xi32>], vector<16xf32>,
      %add3A_283 = arith.constant 80 : i32
      %add3A_284 = arith.addi %mul3A_239, %add3A_283 : i32
      %get3A_285 = arith.index_cast %add3A_284 : i32 to index
      %get3A_286 = tpu.vector_load %arg4[%get3A_285] {strides = array<i32>} : memref<32768xf32, #tpu.memory_space<vmem>>, vector<16xf32>,
      %mul3A_287 = arith.constant 2.000000e+01 : f32
      %mul3A_288 = vector.broadcast %mul3A_287 : f32 to vector<16xf32>
      %mul3A_289 = arith.mulf %get3A_286, %mul3A_288 : vector<16xf32>
      %convert_element_type3A_290 = arith.fptosi %mul3A_289 : vector<16xf32> to vector<16xi32>
      %add3A_291 = arith.addi %convert_element_type3A_290, %mul3A_45 : vector<16xi32>
      tpu.vector_store_idx %arg6[%add3A_291], %broadcast_in_dim3A_47 {add = true} : memref<320xf32, #tpu.memory_space<vmem>>[vector<16xi32>], vector<16xf32>,
      %add3A_292 = arith.constant 96 : i32
      %add3A_293 = arith.addi %mul3A_239, %add3A_292 : i32
      %get3A_294 = arith.index_cast %add3A_293 : i32 to index
      %get3A_295 = tpu.vector_load %arg4[%get3A_294] {strides = array<i32>} : memref<32768xf32, #tpu.memory_space<vmem>>, vector<16xf32>,
      %mul3A_296 = arith.constant 2.000000e+01 : f32
      %mul3A_297 = vector.broadcast %mul3A_296 : f32 to vector<16xf32>
      %mul3A_298 = arith.mulf %get3A_295, %mul3A_297 : vector<16xf32>
      %convert_element_type3A_299 = arith.fptosi %mul3A_298 : vector<16xf32> to vector<16xi32>
      %add3A_300 = arith.addi %convert_element_type3A_299, %mul3A_45 : vector<16xi32>
      tpu.vector_store_idx %arg6[%add3A_300], %broadcast_in_dim3A_47 {add = true} : memref<320xf32, #tpu.memory_space<vmem>>[vector<16xi32>], vector<16xf32>,
      %add3A_301 = arith.constant 112 : i32
      %add3A_302 = arith.addi %mul3A_239, %add3A_301 : i32
      %get3A_303 = arith.index_cast %add3A_302 : i32 to index
      %get3A_304 = tpu.vector_load %arg4[%get3A_303] {strides = array<i32>} : memref<32768xf32, #tpu.memory_space<vmem>>, vector<16xf32>,
      %mul3A_305 = arith.constant 2.000000e+01 : f32
      %mul3A_306 = vector.broadcast %mul3A_305 : f32 to vector<16xf32>
      %mul3A_307 = arith.mulf %get3A_304, %mul3A_306 : vector<16xf32>
      %convert_element_type3A_308 = arith.fptosi %mul3A_307 : vector<16xf32> to vector<16xi32>
      %add3A_309 = arith.addi %convert_element_type3A_308, %mul3A_45 : vector<16xi32>
      tpu.vector_store_idx %arg6[%add3A_309], %broadcast_in_dim3A_47 {add = true} : memref<320xf32, #tpu.memory_space<vmem>>[vector<16xi32>], vector<16xf32>,
    }
    %scan3A_228 = arith.constant 256 : i32
    %dma_wait3A_229 = tpu.memref_slice %arg2[%add3A_218] : memref<16777216xf32, #tpu.memory_space<hbm>> -> memref<32768xf32, #tpu.memory_space<hbm>>
    %dma_wait3A_230 = tpu.memref_slice %arg2[%add3A_218] : memref<16777216xf32, #tpu.memory_space<hbm>> -> memref<32768xf32, #tpu.memory_space<hbm>>
    tpu.wait_dma2 semaphore(%arg8 : memref<!tpu.dma_semaphore, #tpu.memory_space<semaphore_mem>>) src(%dma_wait3A_230 : memref<32768xf32, #tpu.memory_space<hbm>>) dst(%arg5 : memref<32768xf32, #tpu.memory_space<vmem>>)
    %scan3A_231 = arith.constant 0 : i32
    %scan3A_232 = arith.constant 0 : i32
    %scan3A_233 = arith.constant 256 : i32
    %scan3A_234 = arith.addi %scan3A_232, %scan3A_233 : i32
    %scan3A_235 = arith.constant 1 : i32
    scf.for %scan3A_237 = %scan3A_232 to %scan3A_234 step %scan3A_235  : i32 {
      %mul3A_238 = arith.constant 128 : i32
      %mul3A_239 = arith.muli %scan3A_237, %mul3A_238 : i32
      %add3A_240 = arith.constant 0 : i32
      %add3A_241 = arith.addi %mul3A_239, %add3A_240 : i32
      %get3A = arith.index_cast %add3A_241 : i32 to index
      %get3A_242 = tpu.vector_load %arg5[%get3A] {strides = array<i32>} : memref<32768xf32, #tpu.memory_space<vmem>>, vector<16xf32>,
      %mul3A_243 = arith.constant 2.000000e+01 : f32
      %mul3A_244 = vector.broadcast %mul3A_243 : f32 to vector<16xf32>
      %mul3A_245 = arith.mulf %get3A_242, %mul3A_244 : vector<16xf32>
      %convert_element_type3A = arith.fptosi %mul3A_245 : vector<16xf32> to vector<16xi32>
      %add3A_246 = arith.addi %convert_element_type3A, %mul3A_45 : vector<16xi32>
      tpu.vector_store_idx %arg6[%add3A_246], %broadcast_in_dim3A_47 {add = true} : memref<320xf32, #tpu.memory_space<vmem>>[vector<16xi32>], vector<16xf32>,
      %add3A_247 = arith.constant 16 : i32
      %add3A_248 = arith.addi %mul3A_239, %add3A_247 : i32
      %get3A_249 = arith.index_cast %add3A_248 : i32 to index
      %get3A_250 = tpu.vector_load %arg5[%get3A_249] {strides = array<i32>} : memref<32768xf32, #tpu.memory_space<vmem>>, vector<16xf32>,
      %mul3A_251 = arith.constant 2.000000e+01 : f32
      %mul3A_252 = vector.broadcast %mul3A_251 : f32 to vector<16xf32>
      %mul3A_253 = arith.mulf %get3A_250, %mul3A_252 : vector<16xf32>
      %convert_element_type3A_254 = arith.fptosi %mul3A_253 : vector<16xf32> to vector<16xi32>
      %add3A_255 = arith.addi %convert_element_type3A_254, %mul3A_45 : vector<16xi32>
      tpu.vector_store_idx %arg6[%add3A_255], %broadcast_in_dim3A_47 {add = true} : memref<320xf32, #tpu.memory_space<vmem>>[vector<16xi32>], vector<16xf32>,
      %add3A_256 = arith.constant 32 : i32
      %add3A_257 = arith.addi %mul3A_239, %add3A_256 : i32
      %get3A_258 = arith.index_cast %add3A_257 : i32 to index
      %get3A_259 = tpu.vector_load %arg5[%get3A_258] {strides = array<i32>} : memref<32768xf32, #tpu.memory_space<vmem>>, vector<16xf32>,
      %mul3A_260 = arith.constant 2.000000e+01 : f32
      %mul3A_261 = vector.broadcast %mul3A_260 : f32 to vector<16xf32>
      %mul3A_262 = arith.mulf %get3A_259, %mul3A_261 : vector<16xf32>
      %convert_element_type3A_263 = arith.fptosi %mul3A_262 : vector<16xf32> to vector<16xi32>
      %add3A_264 = arith.addi %convert_element_type3A_263, %mul3A_45 : vector<16xi32>
      tpu.vector_store_idx %arg6[%add3A_264], %broadcast_in_dim3A_47 {add = true} : memref<320xf32, #tpu.memory_space<vmem>>[vector<16xi32>], vector<16xf32>,
      %add3A_265 = arith.constant 48 : i32
      %add3A_266 = arith.addi %mul3A_239, %add3A_265 : i32
      %get3A_267 = arith.index_cast %add3A_266 : i32 to index
      %get3A_268 = tpu.vector_load %arg5[%get3A_267] {strides = array<i32>} : memref<32768xf32, #tpu.memory_space<vmem>>, vector<16xf32>,
      %mul3A_269 = arith.constant 2.000000e+01 : f32
      %mul3A_270 = vector.broadcast %mul3A_269 : f32 to vector<16xf32>
      %mul3A_271 = arith.mulf %get3A_268, %mul3A_270 : vector<16xf32>
      %convert_element_type3A_272 = arith.fptosi %mul3A_271 : vector<16xf32> to vector<16xi32>
      %add3A_273 = arith.addi %convert_element_type3A_272, %mul3A_45 : vector<16xi32>
      tpu.vector_store_idx %arg6[%add3A_273], %broadcast_in_dim3A_47 {add = true} : memref<320xf32, #tpu.memory_space<vmem>>[vector<16xi32>], vector<16xf32>,
      %add3A_274 = arith.constant 64 : i32
      %add3A_275 = arith.addi %mul3A_239, %add3A_274 : i32
      %get3A_276 = arith.index_cast %add3A_275 : i32 to index
      %get3A_277 = tpu.vector_load %arg5[%get3A_276] {strides = array<i32>} : memref<32768xf32, #tpu.memory_space<vmem>>, vector<16xf32>,
      %mul3A_278 = arith.constant 2.000000e+01 : f32
      %mul3A_279 = vector.broadcast %mul3A_278 : f32 to vector<16xf32>
      %mul3A_280 = arith.mulf %get3A_277, %mul3A_279 : vector<16xf32>
      %convert_element_type3A_281 = arith.fptosi %mul3A_280 : vector<16xf32> to vector<16xi32>
      %add3A_282 = arith.addi %convert_element_type3A_281, %mul3A_45 : vector<16xi32>
      tpu.vector_store_idx %arg6[%add3A_282], %broadcast_in_dim3A_47 {add = true} : memref<320xf32, #tpu.memory_space<vmem>>[vector<16xi32>], vector<16xf32>,
      %add3A_283 = arith.constant 80 : i32
      %add3A_284 = arith.addi %mul3A_239, %add3A_283 : i32
      %get3A_285 = arith.index_cast %add3A_284 : i32 to index
      %get3A_286 = tpu.vector_load %arg5[%get3A_285] {strides = array<i32>} : memref<32768xf32, #tpu.memory_space<vmem>>, vector<16xf32>,
      %mul3A_287 = arith.constant 2.000000e+01 : f32
      %mul3A_288 = vector.broadcast %mul3A_287 : f32 to vector<16xf32>
      %mul3A_289 = arith.mulf %get3A_286, %mul3A_288 : vector<16xf32>
      %convert_element_type3A_290 = arith.fptosi %mul3A_289 : vector<16xf32> to vector<16xi32>
      %add3A_291 = arith.addi %convert_element_type3A_290, %mul3A_45 : vector<16xi32>
      tpu.vector_store_idx %arg6[%add3A_291], %broadcast_in_dim3A_47 {add = true} : memref<320xf32, #tpu.memory_space<vmem>>[vector<16xi32>], vector<16xf32>,
      %add3A_292 = arith.constant 96 : i32
      %add3A_293 = arith.addi %mul3A_239, %add3A_292 : i32
      %get3A_294 = arith.index_cast %add3A_293 : i32 to index
      %get3A_295 = tpu.vector_load %arg5[%get3A_294] {strides = array<i32>} : memref<32768xf32, #tpu.memory_space<vmem>>, vector<16xf32>,
      %mul3A_296 = arith.constant 2.000000e+01 : f32
      %mul3A_297 = vector.broadcast %mul3A_296 : f32 to vector<16xf32>
      %mul3A_298 = arith.mulf %get3A_295, %mul3A_297 : vector<16xf32>
      %convert_element_type3A_299 = arith.fptosi %mul3A_298 : vector<16xf32> to vector<16xi32>
      %add3A_300 = arith.addi %convert_element_type3A_299, %mul3A_45 : vector<16xi32>
      tpu.vector_store_idx %arg6[%add3A_300], %broadcast_in_dim3A_47 {add = true} : memref<320xf32, #tpu.memory_space<vmem>>[vector<16xi32>], vector<16xf32>,
      %add3A_301 = arith.constant 112 : i32
      %add3A_302 = arith.addi %mul3A_239, %add3A_301 : i32
      %get3A_303 = arith.index_cast %add3A_302 : i32 to index
      %get3A_304 = tpu.vector_load %arg5[%get3A_303] {strides = array<i32>} : memref<32768xf32, #tpu.memory_space<vmem>>, vector<16xf32>,
      %mul3A_305 = arith.constant 2.000000e+01 : f32
      %mul3A_306 = vector.broadcast %mul3A_305 : f32 to vector<16xf32>
      %mul3A_307 = arith.mulf %get3A_304, %mul3A_306 : vector<16xf32>
      %convert_element_type3A_308 = arith.fptosi %mul3A_307 : vector<16xf32> to vector<16xi32>
      %add3A_309 = arith.addi %convert_element_type3A_308, %mul3A_45 : vector<16xi32>
      tpu.vector_store_idx %arg6[%add3A_309], %broadcast_in_dim3A_47 {add = true} : memref<320xf32, #tpu.memory_space<vmem>>[vector<16xi32>], vector<16xf32>,
    }
    %scan3A_236 = arith.constant 256 : i32
    "tpu.region"() ({
      %run_scoped3A = tpu.sem_alloc : memref<!tpu.dma_semaphore, #tpu.memory_space<semaphore_mem>>
      %dma_start3A_237 = arith.constant 0 : i32
      %dma_start3A_238 = tpu.memref_slice %arg3[%add3A, %dma_start3A_237] : memref<32x320xf32, #tpu.memory_space<hbm>> -> memref<1x320xf32, #tpu.memory_space<hbm>>
      %dma_start3A_239 = tpu.memref_squeeze %dma_start3A_238 : memref<1x320xf32, #tpu.memory_space<hbm>> -> memref<320xf32, #tpu.memory_space<hbm>>
      %dma_start3A_240 = arith.constant 0 : i32
      %dma_start3A_241 = tpu.memref_slice %arg3[%add3A, %dma_start3A_240] : memref<32x320xf32, #tpu.memory_space<hbm>> -> memref<1x320xf32, #tpu.memory_space<hbm>>
      %dma_start3A_242 = tpu.memref_squeeze %dma_start3A_241 : memref<1x320xf32, #tpu.memory_space<hbm>> -> memref<320xf32, #tpu.memory_space<hbm>>
      tpu.enqueue_dma source(%arg6 : memref<320xf32, #tpu.memory_space<vmem>>) target(%dma_start3A_242 : memref<320xf32, #tpu.memory_space<hbm>>) target_semaphore(%run_scoped3A : memref<!tpu.dma_semaphore, #tpu.memory_space<semaphore_mem>>)
      %dma_wait3A_243 = arith.constant 0 : i32
      %dma_wait3A_244 = tpu.memref_slice %arg3[%add3A, %dma_wait3A_243] : memref<32x320xf32, #tpu.memory_space<hbm>> -> memref<1x320xf32, #tpu.memory_space<hbm>>
      %dma_wait3A_245 = tpu.memref_squeeze %dma_wait3A_244 : memref<1x320xf32, #tpu.memory_space<hbm>> -> memref<320xf32, #tpu.memory_space<hbm>>
      %dma_wait3A_246 = arith.constant 0 : i32
      %dma_wait3A_247 = tpu.memref_slice %arg3[%add3A, %dma_wait3A_246] : memref<32x320xf32, #tpu.memory_space<hbm>> -> memref<1x320xf32, #tpu.memory_space<hbm>>
      %dma_wait3A_248 = tpu.memref_squeeze %dma_wait3A_247 : memref<1x320xf32, #tpu.memory_space<hbm>> -> memref<320xf32, #tpu.memory_space<hbm>>
      tpu.wait_dma2 semaphore(%run_scoped3A : memref<!tpu.dma_semaphore, #tpu.memory_space<semaphore_mem>>) src(%arg6 : memref<320xf32, #tpu.memory_space<vmem>>) dst(%dma_wait3A_248 : memref<320xf32, #tpu.memory_space<hbm>>)
      tpu.yield
    }) : () -> ()
    return
  }
}

module attributes {stable_mosaic.version = 14 : i64} {
  func.func @_kl_body(%arg0: memref<512x20xf32, #tpu.memory_space<vmem>>, %arg1: memref<1x20xf32, #tpu.memory_space<vmem>>, %arg2: memref<1x1xf32, #tpu.memory_space<vmem>>) attributes {dimension_semantics = [], scalar_prefetch = 0 : i64, scratch_operands = 0 : i64, tpu.core_type = #tpu.core_type<tc>} {
    %get3A = arith.constant 0 : index
    %get3A_0 = arith.constant 0 : index
    %get3A_1 = vector.load %arg0[%get3A, %get3A_0] : memref<512x20xf32, #tpu.memory_space<vmem>>, vector<512x20xf32>
    %reduce_sum3A = arith.constant dense<0.000000e+00> : vector<20xf32>
    %reduce_sum3A_2 = vector.multi_reduction <add>, %get3A_1, %reduce_sum3A [0] : vector<512x20xf32> to vector<20xf32>
    %broadcast_in_dim3A = vector.shape_cast %reduce_sum3A_2 : vector<20xf32> to vector<1x20xf32>
    %reduce_sum3A_3 = vector.shape_cast %broadcast_in_dim3A : vector<1x20xf32> to vector<1x1x20xf32>
    %reduce_sum3A_4 = arith.constant dense<0.000000e+00> : vector<1xf32>
    %reduce_sum3A_5 = vector.multi_reduction <add>, %reduce_sum3A_3, %reduce_sum3A_4 [1, 2] : vector<1x1x20xf32> to vector<1xf32>
    %reduce_sum3A_6 = vector.shape_cast %reduce_sum3A_5 : vector<1xf32> to vector<1x1x1xf32>
    %reduce_sum3A_7 = vector.extract %reduce_sum3A_6[0, 0, 0] : f32 from vector<1x1x1xf32>
    %add3A = arith.constant 1.000000e-10 : f32
    %add3A_8 = arith.addf %reduce_sum3A_7, %add3A : f32
    %div3A = vector.broadcast %add3A_8 : f32 to vector<1x20xf32>
    %div3A_9 = arith.divf %broadcast_in_dim3A, %div3A : vector<1x20xf32>
    %mul3A = arith.constant 0.899999976 : f32
    %mul3A_10 = vector.broadcast %mul3A : f32 to vector<1x20xf32>
    %mul3A_11 = arith.mulf %div3A_9, %mul3A_10 : vector<1x20xf32>
    %add3A_12 = arith.constant 5.000000e-03 : f32
    %add3A_13 = vector.broadcast %add3A_12 : f32 to vector<1x20xf32>
    %add3A_14 = arith.addf %mul3A_11, %add3A_13 : vector<1x20xf32>
    %get3A_15 = arith.constant 0 : index
    %get3A_16 = arith.constant 0 : index
    %get3A_17 = vector.load %arg1[%get3A_15, %get3A_16] : memref<1x20xf32, #tpu.memory_space<vmem>>, vector<1x20xf32>
    %mul3A_18 = arith.constant 0.899999976 : f32
    %mul3A_19 = vector.broadcast %mul3A_18 : f32 to vector<1x20xf32>
    %mul3A_20 = arith.mulf %get3A_17, %mul3A_19 : vector<1x20xf32>
    %add3A_21 = arith.constant 5.000000e-03 : f32
    %add3A_22 = vector.broadcast %add3A_21 : f32 to vector<1x20xf32>
    %add3A_23 = arith.addf %mul3A_20, %add3A_22 : vector<1x20xf32>
    %log3A = math.log %add3A_23 : vector<1x20xf32>
    %log3A_24 = math.log %add3A_14 : vector<1x20xf32>
    %sub3A = arith.subf %log3A, %log3A_24 : vector<1x20xf32>
    %mul3A_25 = arith.mulf %add3A_23, %sub3A : vector<1x20xf32>
    %reduce_sum3A_26 = vector.shape_cast %mul3A_25 : vector<1x20xf32> to vector<1x1x20xf32>
    %reduce_sum3A_27 = arith.constant dense<0.000000e+00> : vector<1xf32>
    %reduce_sum3A_28 = vector.multi_reduction <add>, %reduce_sum3A_26, %reduce_sum3A_27 [1, 2] : vector<1x1x20xf32> to vector<1xf32>
    %reduce_sum3A_29 = vector.shape_cast %reduce_sum3A_28 : vector<1xf32> to vector<1x1x1xf32>
    %reduce_sum3A_30 = vector.extract %reduce_sum3A_29[0, 0, 0] : f32 from vector<1x1x1xf32>
    %broadcast_in_dim3A_31 = vector.broadcast %reduce_sum3A_30 : f32 to vector<1x1xf32>
    %swap3A = arith.constant 0 : index
    %swap3A_32 = arith.constant 0 : index
    %swap3A_33 = vector.load %arg2[%swap3A, %swap3A_32] : memref<1x1xf32, #tpu.memory_space<vmem>>, vector<1x1xf32>
    tpu.vector_store %arg2[%swap3A, %swap3A_32], %broadcast_in_dim3A_31 {strides = array<i32>} : memref<1x1xf32, #tpu.memory_space<vmem>>, vector<1x1xf32>,
    return
  }
}

</mosaic_0001>

<sc_bundles>
// kernel: kernel.4.cloned.1.call-start
scs
__scs_entry_jumppad:
0x0: {  	(pc) =	sbr.rel $0x88, $3  }
0x1: {  	(tag) =	ssettag $0x0;
	lr =	simm.s32 $0x1  }
0x2: {  	[smem:$0x3F9F] =	sst lr;
	_ =	strace $0xD0000000  }
0x3: {  	_ = 	snop  }
0x4: {  	_ = 	snop  }
0x5: {  	_ = 	snop  }
0x6: {  	_ = 	snop  }
0x7: {  	_ = 	snop  }
__scs_overlays_trampoline_lowered:
0x8: {  	[smem:$0x3FAE] =	sst s0  }
0x9: {  	[smem:$0x3FAF] =	sst s1  }
0xa: {  	[smem:$0x3FB0] =	sst s2  }
0xb: {  	[smem:$0x3FB1] =	sst s3  }
0xc: {  	[smem:$0x3FB2] =	sst s4  }
0xd: {  	[smem:$0x3FB3] =	sst s5  }
0xe: {  	[smem:$0x3FB4] =	sst s6  }
0xf: {  	[smem:$0x3FB5] =	sst s7  }
0x10: {  	[smem:$0x3FB6] =	sst s8  }
0x11: {  	[smem:$0x3FB7] =	sst s9;
	s0 =	simm.s32 @!p0 $0x0  }
0x12: {  	s1 =	sld [smem:$0x3F9D];
	s0 =	simm.s32 @p0 $0x1  }
0x13: {  	[smem:$0x3FB8] =	sst s0;
	s0 =	simm.s32 @!p1 $0x0  }
0x14: {  	s2 =	sld [smem:$0x3F9C];
	s0 =	simm.s32 @p1 $0x1  }
0x15: {  	[smem:$0x3FB9] =	sst s0;
	s0 =	simm.s32 @!p2 $0x0  }
0x16: {  	s3 =	sld [smem:$0x3FDB];
	s0 =	simm.s32 @p2 $0x1  }
0x17: {  	s4 =	simm.s32 $0x1BF5;
	[smem:$0x3FBB] =	sst s0  }
0x18: {  	s0 =	sld [smem:$0x3F9E];
	_ =	swait.ge [sflag:s4], $0x0  }
0x19: {  	s7 =	sld [smem:$0x3F9F]  }
0x1a: {  	s8 =	sadd.s32 $0xFFFFE003, lr  }
0x1b: {  	s9 =	sadd.s32 $0xFFFFFEF7, lr;
	s5 =	simm.s32 $0xFFFFFFFF;
	p2 =	slt.u32 s8, $0xFFFFF086  }
0x1c: {  	p1 =	slt.u32 s9, $0xF7A;
	s5 =	simm.s32 @!p2 $0x0  }
0x1d: {  	s5 =	simm.s32 @p1 $0x1;
	p0 =	seq.s32 s7, s2  }
0x1e: {  	s7 =	smul.u32 @!p0 $0xF7A, s2;
	p2 =	seq.s32 @!p0 s5, $0x0  }
0x1f: {  	s9 =	smul.u32 $0xF7A, s1;
	s8 =	simm.s32 @!p0 $0x1BF5;
	p2 =	por !p2, p0  }
0x20: {  	[sflag:s8] =	ssyncset.s32 @!p0 $0xFFFFF086;
	s6 =	sadd.s32 @!p0 s3, s7;
	s7 =	simm.s32 @!p0 $0x108  }
0x21: {  	s3 =	sadd.s32 s3, s9;
	s6 =	sadd.s32 @!p0 $0x88, s6;
	s7 =	simm.s32 @p2 $0x1082  }
0x22: {  	[simem:s7], [sflag:s8] =	dma.local @!p0 [hbm:s6], $0xF7A  }
0x23: {  	s9 =	sor.u32 $0xD0000000, s2;
	s6 =	simm.s32 $0x108;
	_ =	swait.ge @!p0 [sflag:s8], $0x0  }
0x24: {  	s3 =	sadd.s32 $0x88, s3;
	s6 =	simm.s32 @!p1 $0x1082;
	[sflag:s4] =	ssyncset.s32 $0xFFFFF086  }
0x25: {  	[simem:s6], [sflag:s4] =	dma.local [hbm:s3], $0xF7A  }
0x26: {  	[smem:$0x3F9F] =	sst s1;
	(tag) =	ssettag s2;
	_ =	strace s9  }
0x27: {  	s1 =	sld [smem:$0x3FAF]  }
0x28: {  	s2 =	sld [smem:$0x3FB0]  }
0x29: {  	s4 =	sld [smem:$0x3FB2]  }
0x2a: {  	p0 =	seq.s32 s5, $0x0;
	s5 =	sld [smem:$0x3FB3]  }
0x2b: {  	s6 =	sld [smem:$0x3FB4]  }
0x2c: {  	s7 =	sld [smem:$0x3FB5]  }
0x2d: {  	s3 =	simm.s32 $0x108;
	s8 =	sld [smem:$0x3FB6]  }
0x2e: {  	s3 =	simm.s32 @!p0 $0x1082;
	s9 =	sld [smem:$0x3FB7]  }
0x2f: {  	lr =	sadd.s32 s0, s3;
	s0 =	sld [smem:$0x3FAE]  }
0x30: {  	s3 =	sld [smem:$0x3FB1]  }
0x31: {  	[smem:$0x3FBA] =	sst s10  }
0x32: {  	s10 =	sld [smem:$0x3FB8];
	_ =	sdelay $0x3  }
0x33: {  	p0 =	seq.s32 s10, $0x1;
	s10 =	sld [smem:$0x3FBA];
	_ =	sdelay $0x3  }
0x34: {  	[smem:$0x3FBA] =	sst s10  }
0x35: {  	s10 =	sld [smem:$0x3FB9];
	_ =	sdelay $0x3  }
0x36: {  	p1 =	seq.s32 s10, $0x1;
	s10 =	sld [smem:$0x3FBA];
	_ =	sdelay $0x3  }
0x37: {  	[smem:$0x3FBA] =	sst s10  }
0x38: {  	s10 =	sld [smem:$0x3FBB]  }
0x39: {  	_ = 	snop;
	(pc) =	sbr.ind lr, $3  }
0x3a: {  	_ = 	snop  }
0x3b: {  	_ = 	snop  }
0x3c: {  	p2 =	seq.s32 s10, $0x1;
	s10 =	sld [smem:$0x3FBA]  }
0x3d: {  	_ =	shalt  }
0x3e: {  	_ =	shalt  }
0x3f: {  	_ =	shalt  }
0x40: {  	_ =	shalt  }
0x41: {  	_ =	shalt  }
0x42: {  	_ =	shalt  }
0x43: {  	_ =	shalt  }
0x44: {  	_ =	shalt  }
0x45: {  	_ =	shalt  }
0x46: {  	_ =	shalt  }
0x47: {  	_ =	shalt  }
0x48: {  	_ =	shalt  }
0x49: {  	_ =	shalt  }
0x4a: {  	_ =	shalt  }
0x4b: {  	_ =	shalt  }
0x4c: {  	_ =	shalt  }
0x4d: {  	_ =	shalt  }
0x4e: {  	_ =	shalt  }
0x4f: {  	_ =	shalt  }
0x50: {  	_ =	shalt  }
0x51: {  	_ =	shalt  }
0x52: {  	_ =	shalt  }
0x53: {  	_ =	shalt  }
0x54: {  	_ =	shalt  }
0x55: {  	_ =	shalt  }
0x56: {  	_ =	shalt  }
0x57: {  	_ =	shalt  }
0x58: {  	_ =	shalt  }
0x59: {  	_ =	shalt  }
0x5a: {  	_ =	shalt  }
0x5b: {  	_ =	shalt  }
0x5c: {  	_ =	shalt  }
0x5d: {  	_ =	shalt  }
0x5e: {  	_ =	shalt  }
0x5f: {  	_ =	shalt  }
0x60: {  	_ =	shalt  }
0x61: {  	_ =	shalt  }
0x62: {  	_ =	shalt  }
0x63: {  	_ =	shalt  }
0x64: {  	_ =	shalt  }
0x65: {  	_ =	shalt  }
0x66: {  	_ =	shalt  }
0x67: {  	_ =	shalt  }
0x68: {  	_ =	shalt  }
0x69: {  	_ =	shalt  }
0x6a: {  	_ =	shalt  }
0x6b: {  	_ =	shalt  }
0x6c: {  	_ =	shalt  }
0x6d: {  	_ =	shalt  }
0x6e: {  	_ =	shalt  }
0x6f: {  	_ =	shalt  }
0x70: {  	_ =	shalt  }
0x71: {  	_ =	shalt  }
0x72: {  	_ =	shalt  }
0x73: {  	_ =	shalt  }
0x74: {  	_ =	shalt  }
0x75: {  	_ =	shalt  }
0x76: {  	_ =	shalt  }
0x77: {  	_ =	shalt  }
0x78: {  	_ =	shalt  }
0x79: {  	_ =	shalt  }
0x7a: {  	_ =	shalt  }
0x7b: {  	_ =	shalt  }
0x7c: {  	_ =	shalt  }
0x7d: {  	_ =	shalt  }
0x7e: {  	_ =	shalt  }
0x7f: {  	_ =	shalt  }
0x80: {  	_ =	shalt  }
0x81: {  	_ =	shalt  }
0x82: {  	_ =	shalt  }
0x83: {  	_ =	shalt  }
0x84: {  	_ =	shalt  }
0x85: {  	_ =	shalt  }
0x86: {  	_ =	shalt  }
0x87: {  	_ =	shalt  }
.Lfunc_end0:
.L_simem_size_0:
called_computation_lowered:
.L_overlay_start_0:
0x88: {  	s2 =	sld [smem:$0x3FD9]  }
0x89: {  	s3 =	sld [smem:$0x3FFE];
	_ =	sdelay $0x1  }
0x8a: {  	s1 =	srdreg.scid  }
0x8b: {  	s0 =	sand.u32 $0x1, s1  }
0x8c: {  	s17 =	sshll.u32 s0, $0xA;
	s2 =	sadd.s32 s3, s2  }
0x8d: {  	s2 =	sadd.s32 s2, s17  }
0x8e: {  	[smem:$0x3FC6] =	sst s2  }
0x8f: {  	_ = 	snop  }
0x90: {  	s2 =	sld [smem:$0x3FC9];
	(tm) =	ssettm $0x1  }
0x91: {  	s18 =	sld [smem:$0x3FFB];
	_ =	sdelay $0x3  }
0x92: {  	_ =	strace s18  }
0x93: {  	s3 =	sld [smem:$0x3FFC];
	_ =	sdelay $0x3  }
0x94: {  	_ =	strace s3  }
0x95: {  	s3 =	sld [smem:$0x3FFD];
	_ =	sdelay $0x3  }
0x96: {  	_ =	strace s3  }
0x97: {  	_ =	strace $0x8FFFFFFF  }
0x98: {  	s19 =	sld [smem:$0x3FDB];
	_ =	sdelay $0x1  }
0x99: {  	s4 =	simm.s32 $_scs_section_size  }
0x9a: {  	s5 =	simm.s32 $_size__tile_overlayer_lowered;
	s6 =	simm.s32 $_tile_overlayer_lowered  }
0x9b: {  	s22 =	simm.s32 $0x1BFF;
	s21 =	sshll.u32 s6, $0x1;
	s3 =	sadd.s32 s4, s19  }
0x9c: {  	s7 =	simm.s32 $0x0;
	s20 =	sshll.u32 s5, $0x1;
	s5 =	sadd.s32 s21, s3  }
0x9d: {  	[timem:s7], [sflag:s22] =	dma.local [hbm:s5], s20  }
0x9e: {  	_ =	swait.ge [sflag:s22], s20  }
0x9f: {  	s4 =	ssub.s32 $0x0, s20;
	[sflag:s22] =	ssyncset.done $0x0  }
0xa0: {  	[sflag:s22] =	ssyncadd.s32 s4;
	_ =	sdelay $0x1  }
0xa1: {  	s23 =	simm.s32 $0x1B8B  }
0xa2: {  	_ =	swait.ge [sflag:s23], $0x1  }
0xa3: {  	[sflag:s23] =	ssyncset.done $0x0  }
0xa4: {  	s25 =	simm.s32 $0x1B8E;
	s24 =	sld [smem:$0x3FFE];
	[sflag:s23] =	ssyncadd.s32 $0xFFFFFFFF  }
0xa5: {  	s26 =	simm.s32 $execute0_lowered;
	[smem:$0x3FD2] =	sst s25  }
0xa6: {  	s5 =	sshll.u32 s26, $0x1;
	_ =	strace $0x80000046;
	[dreg:$0x1] =	wrdreg $0xFFFFFFFF  }
0xa7: {  	s28 =	simm.s32 $_size_execute0_lowered;
	s3 =	sadd.s32 s3, s5;
	[dreg:$0x0] =	wrdreg $0x0  }
0xa8: {  	s5 =	sshll.u32 s28, $0x1;
	[dreg:$0x2] =	wrdreg s3  }
0xa9: {  	[dreg:$0x3] =	wrdreg s5  }
0xaa: {  	[dreg:$0x4] =	wrdreg $0xC0  }
0xab: {  	_ =	task [dreg:s7], $0x5FFFF  }
0xac: {  	[dreg:$0x1] =	wrdreg $0xFFFFFFFF  }
0xad: {  	[dreg:$0x0] =	wrdreg $0x60  }
0xae: {  	[dreg:$0x2] =	wrdreg s2  }
0xaf: {  	[dreg:$0x3] =	wrdreg s24  }
0xb0: {  	[dreg:$0x4] =	wrdreg $0x9  }
0xb1: {  	_ =	task.clear_ibuf [dreg:s7], $0x5FFFF;
	_ =	strace $0x90000046  }
0xb2: {  	s29 =	simm.s32 $0x9;
	_ =	strace $0x80000048  }
0xb3: {  	_ =	swait.ge [sflag:s29], $0x1  }
0xb4: {  	[sflag:s29] =	ssyncadd.s32 $0xFFFFFFFF  }
0xb5: {  	_ =	strace $0x90000048  }
0xb6: {  	_ =	sfence  }
0xb7: {  	s30 =	sld [smem:$0x0];
	_ =	sdelay $0x2  }
0xb8: {  	s31 =	sshll.u32 s1, $0xD;
	s1 =	sshrl.u32 s1, $0x2  }
0xb9: {  	s3 =	sand.u32 $0x4000, s31;
	s1 =	sadd.s32 s1, s30  }
0xba: {  	s0 =	sor.u32 s3, s0;
	s1 =	sshll.u32 s1, $0x11  }
0xbb: {  	s0 =	sor.u32 s1, s0  }
0xbc: {  	s0 =	sadd.s32 $0x8F2B, s0  }
0xbd: {  	[sflag:s0] =	ssyncadd.remote.s32 $0x1  }
0xbe: {  	_ =	sfence.sel $0xFFFF  }
0xbf: {  	[dreg:$0x0] =	wrdreg $0xFFFFFFFF;
	(pc) =	sbr.abs _section_cstart, $3  }
0xc0: {  	[dreg:$0x1] =	wrdreg $0xFFFFFFFF  }
0xc1: {  	_ =	task.clear_ibuf [dreg:s7], $0x2FFFF;
	_ =	strace $0x9FFFFFFF  }
0xc2: {  	(tm) =	ssettm $0x7FFFFFFF  }
0xc3: {  	_ =	shalt  }
tec
execute0_lowered:
.L_overlay_start_1:
0x0: {  	(tag) =	ssettag $0x1  }
0x1: {  	s3 =	rddreg [dreg:$0x0]  }
0x2: {  	s4 =	rddreg [dreg:$0x1];
	s2 =	srdreg.scid  }
0x3: {  	s1 =	stileid.u32;
	s0 =	rddreg [dreg:$0x2];
	s21 =	simm.s32 $0x8000  }
0x4: {  	s22 =	simm.s32 $0x1;
	s23 =	simm.s32 $0x10000;
	s24 =	simm.s32 $0x2  }
0x5: {  	s25 =	simm.s32 $0x80;
	s26 =	simm.s32 $0x400;
	s28 =	simm.s32 $0x3  }
0x6: {  	s29 =	simm.s32 $0x0;
	s5 =	sand.u32 $0x1, s2;
	s6 =	sshll.u32 s1, $0x1  }
0x7: {  	s2 =	simm.s32 $0x0;
	s7 =	sshrl.u32 s1, $0x2;
	s6 =	sor.u32 s5, s6  }
0x8: {  	[smem:$0x7FF] =	sst s2;
	s7 =	smul.u32 $0xC00, s7;
	s5 =	ssub.s32 $0x2, s5  }
0x9: {  	s8 =	sshll.u32 s6, $0x7;
	_ =	strace $0x80000047;
	s6 =	sshll.u32 s6, $0x10  }
0xa: {  	s31 =	sshrl.u32 s5, $0x1;
	s8 =	sand.u32 $0x380, s8;
	s3 =	sadd.s32 s3, s6  }
0xb: {  	s20 =	ssub.s32 s5, s31;
	s7 =	sor.u32 s7, s8;
	s5 =	sadd.s32 $0x2000, s3  }
0xc: {  	s6 =	sadd.s32 $0x3000, s3;
	s8 =	sadd.s32 $0x5000, s3;
	s9 =	sadd.s32 $0x6000, s3  }
0xd: {  	s10 =	sadd.s32 $0x7000, s3;
	s11 =	sadd.s32 $0x8000, s3;
	s12 =	sadd.s32 $0x9000, s3  }
0xe: {  	s13 =	sadd.s32 $0xA000, s3;
	s14 =	sadd.s32 $0xB000, s3;
	s15 =	sadd.s32 $0xC000, s3  }
0xf: {  	s16 =	sadd.s32 $0xD000, s3;
	s17 =	sadd.s32 $0xE000, s3;
	s7 =	sshrl.u32 s7, $0x3  }
0x10: {  	v1 =	vlaneseq.u32;
	s18 =	sadd.s32 $0xF000, s3;
	s20 =	smax.u32 s20, $0x1;
	s19 =	sadd.s32 s7, s4  }
0x11: {  	v0 =	vimm.f32 $0.0e+00;
	v2 =	vimm.f32 $1.000000000e+00;
	v1 =	vmul.u32 $0x14, v1;
	s4 =	sadd.s32 $0x1000, s3;
	s7 =	sadd.s32 $0x4000, s3;
	s19 =	sadd.s32 $0x600, s19  }
.LBB2_1:
0x12: {  	[tilespmem:$0x10000] =	vst v0  }
0x13: {  	[tilespmem:$0x10010] =	vst v0  }
0x14: {  	[tilespmem:$0x10020] =	vst v0  }
0x15: {  	[tilespmem:$0x10030] =	vst v0  }
0x16: {  	[tilespmem:$0x10040] =	vst v0  }
0x17: {  	[tilespmem:$0x10050] =	vst v0  }
0x18: {  	[tilespmem:$0x10060] =	vst v0  }
0x19: {  	[tilespmem:$0x10070] =	vst v0  }
0x1a: {  	[tilespmem:$0x10080] =	vst v0  }
0x1b: {  	[tilespmem:$0x10090] =	vst v0  }
0x1c: {  	[tilespmem:$0x100A0] =	vst v0  }
0x1d: {  	[tilespmem:$0x100B0] =	vst v0  }
0x1e: {  	[tilespmem:$0x100C0] =	vst v0  }
0x1f: {  	[tilespmem:$0x100D0] =	vst v0  }
0x20: {  	[tilespmem:$0x100E0] =	vst v0  }
0x21: {  	[tilespmem:$0x100F0] =	vst v0  }
0x22: {  	[tilespmem:$0x10100] =	vst v0  }
0x23: {  	[tilespmem:$0x10110] =	vst v0  }
0x24: {  	[tilespmem:$0x10120] =	vst v0  }
0x25: {  	[tilespmem:$0x10130] =	vst v0  }
0x26: {  	[tilespmem:s2], [sflag:$0x1] =	stream.linear.gather [hbm4b:s3+s2], $0x8000, $0x38;
	[tilespmem:$0x10180] =	vst v63  }
0x27: {  	_ = 	snop  }
0x28: {  	[tilespmem:s21], [sflag:$0x2] =	stream.linear.gather [hbm4b:s4+s2], $0x8000, $0x38;
	[tilespmem:$0x10180] =	vst v63  }
0x29: {  	_ =	swait.ge [sflag:s22], $0x8000  }
0x2a: {  	[sflag:s22] =	ssyncset.done $0x0  }
0x2b: {  	s30 =	simm.s32 $0x0;
	[sflag:s22] =	ssyncadd.s32 $0xFFFF8000  }
.LBB2_2:
0x2c: {  	s31 =	sshra.s32 s30, $0x2  }
0x2d: {  	v3 =	vld [tilespmem:s31+$0x0];
	_ =	sdelay $0x4  }
0x2e: {  	v3 =	vmul.f32 $2.000000000e+01, v3;
	_ =	sdelay $0x1  }
0x2f: {  	v3 =	vtrunc.f32 v3  }
0x30: {  	v3 =	vcvt.f32.s32 v3;
	_ =	sdelay $0x1  }
0x31: {  	v3 =	vadd.s32 v1, v3;
	_ =	sdelay $0x4  }
0x32: {  	[tilespmem:v3+s23+$0x0] =	vst.idx.add.f32.msk $0xffff, v2  }
0x33: {  	v3 =	vld [tilespmem:s31+$0x10];
	_ =	sdelay $0x4  }
0x34: {  	v3 =	vmul.f32 $2.000000000e+01, v3;
	_ =	sdelay $0x1  }
0x35: {  	v3 =	vtrunc.f32 v3  }
0x36: {  	v3 =	vcvt.f32.s32 v3;
	_ =	sdelay $0x1  }
0x37: {  	v3 =	vadd.s32 v1, v3;
	_ =	sdelay $0x4  }
0x38: {  	[tilespmem:v3+s23+$0x0] =	vst.idx.add.f32.msk $0xffff, v2  }
0x39: {  	v3 =	vld [tilespmem:s31+$0x20];
	_ =	sdelay $0x4  }
0x3a: {  	v3 =	vmul.f32 $2.000000000e+01, v3;
	_ =	sdelay $0x1  }
0x3b: {  	v3 =	vtrunc.f32 v3  }
0x3c: {  	v3 =	vcvt.f32.s32 v3;
	_ =	sdelay $0x1  }
0x3d: {  	v3 =	vadd.s32 v1, v3;
	_ =	sdelay $0x4  }
0x3e: {  	[tilespmem:v3+s23+$0x0] =	vst.idx.add.f32.msk $0xffff, v2  }
0x3f: {  	v3 =	vld [tilespmem:s31+$0x30];
	_ =	sdelay $0x4  }
0x40: {  	v3 =	vmul.f32 $2.000000000e+01, v3;
	_ =	sdelay $0x1  }
0x41: {  	v3 =	vtrunc.f32 v3  }
0x42: {  	v3 =	vcvt.f32.s32 v3;
	_ =	sdelay $0x1  }
0x43: {  	v3 =	vadd.s32 v1, v3;
	_ =	sdelay $0x4  }
0x44: {  	[tilespmem:v3+s23+$0x0] =	vst.idx.add.f32.msk $0xffff, v2  }
0x45: {  	v3 =	vld [tilespmem:s31+$0x40];
	_ =	sdelay $0x4  }
0x46: {  	v3 =	vmul.f32 $2.000000000e+01, v3;
	_ =	sdelay $0x1  }
0x47: {  	v3 =	vtrunc.f32 v3  }
0x48: {  	v3 =	vcvt.f32.s32 v3;
	_ =	sdelay $0x1  }
0x49: {  	v3 =	vadd.s32 v1, v3;
	_ =	sdelay $0x4  }
0x4a: {  	[tilespmem:v3+s23+$0x0] =	vst.idx.add.f32.msk $0xffff, v2  }
0x4b: {  	v3 =	vld [tilespmem:s31+$0x50];
	_ =	sdelay $0x4  }
0x4c: {  	v3 =	vmul.f32 $2.000000000e+01, v3;
	_ =	sdelay $0x1  }
0x4d: {  	v3 =	vtrunc.f32 v3  }
0x4e: {  	v3 =	vcvt.f32.s32 v3;
	_ =	sdelay $0x1  }
0x4f: {  	v3 =	vadd.s32 v1, v3;
	_ =	sdelay $0x4  }
0x50: {  	[tilespmem:v3+s23+$0x0] =	vst.idx.add.f32.msk $0xffff, v2  }
0x51: {  	v3 =	vld [tilespmem:s31+$0x60];
	_ =	sdelay $0x4  }
0x52: {  	v3 =	vmul.f32 $2.000000000e+01, v3;
	_ =	sdelay $0x1  }
0x53: {  	v3 =	vtrunc.f32 v3  }
0x54: {  	v3 =	vcvt.f32.s32 v3;
	_ =	sdelay $0x1  }
0x55: {  	v3 =	vadd.s32 v1, v3;
	_ =	sdelay $0x4  }
0x56: {  	[tilespmem:v3+s23+$0x0] =	vst.idx.add.f32.msk $0xffff, v2  }
0x57: {  	v3 =	vld [tilespmem:s31+$0x70];
	_ =	sdelay $0x4  }
0x58: {  	v3 =	vmul.f32 $2.000000000e+01, v3;
	_ =	sdelay $0x1  }
0x59: {  	v3 =	vtrunc.f32 v3  }
0x5a: {  	v3 =	vcvt.f32.s32 v3;
	_ =	sdelay $0x1  }
0x5b: {  	p0 =	sne.s32 s30, $0x1FE00;
	v3 =	vadd.s32 v1, v3  }
.Ltmp0:
0x5c: {  	_ = 	snop;
	(pc) =	sbr.rel @p0 .LBB2_2-.Ltmp0, $2  }
0x5d: {  	_ =	sdelay $0x2  }
0x5e: {  	s30 =	sadd.s32 $0x200, s30;
	[tilespmem:v3+s23+$0x0] =	vst.idx.add.f32.msk $0xffff, v2  }
0x5f: {  	s30 =	simm.s32 $0x0  }
0x60: {  	[tilespmem:s30], [sflag:$0x1] =	stream.linear.gather [hbm4b:s5+s30], $0x8000, $0x38;
	[tilespmem:$0x10180] =	vst v63  }
0x61: {  	_ =	swait.ge [sflag:s24], $0x8000  }
0x62: {  	[sflag:s24] =	ssyncset.done $0x0  }
0x63: {  	[sflag:s24] =	ssyncadd.s32 $0xFFFF8000  }
.LBB2_4:
0x64: {  	s31 =	sshra.s32 s30, $0x2  }
0x65: {  	v3 =	vld [tilespmem:s31+$0x8000];
	_ =	sdelay $0x4  }
0x66: {  	v3 =	vmul.f32 $2.000000000e+01, v3;
	_ =	sdelay $0x1  }
0x67: {  	v3 =	vtrunc.f32 v3  }
0x68: {  	v3 =	vcvt.f32.s32 v3;
	_ =	sdelay $0x1  }
0x69: {  	v3 =	vadd.s32 v1, v3;
	_ =	sdelay $0x4  }
0x6a: {  	[tilespmem:v3+s23+$0x0] =	vst.idx.add.f32.msk $0xffff, v2  }
0x6b: {  	v3 =	vld [tilespmem:s31+$0x8010];
	_ =	sdelay $0x4  }
0x6c: {  	v3 =	vmul.f32 $2.000000000e+01, v3;
	_ =	sdelay $0x1  }
0x6d: {  	v3 =	vtrunc.f32 v3  }
0x6e: {  	v3 =	vcvt.f32.s32 v3;
	_ =	sdelay $0x1  }
0x6f: {  	v3 =	vadd.s32 v1, v3;
	_ =	sdelay $0x4  }
0x70: {  	[tilespmem:v3+s23+$0x0] =	vst.idx.add.f32.msk $0xffff, v2  }
0x71: {  	v3 =	vld [tilespmem:s31+$0x8020];
	_ =	sdelay $0x4  }
0x72: {  	v3 =	vmul.f32 $2.000000000e+01, v3;
	_ =	sdelay $0x1  }
0x73: {  	v3 =	vtrunc.f32 v3  }
0x74: {  	v3 =	vcvt.f32.s32 v3;
	_ =	sdelay $0x1  }
0x75: {  	v3 =	vadd.s32 v1, v3;
	_ =	sdelay $0x4  }
0x76: {  	[tilespmem:v3+s23+$0x0] =	vst.idx.add.f32.msk $0xffff, v2  }
0x77: {  	v3 =	vld [tilespmem:s31+$0x8030];
	_ =	sdelay $0x4  }
0x78: {  	v3 =	vmul.f32 $2.000000000e+01, v3;
	_ =	sdelay $0x1  }
0x79: {  	v3 =	vtrunc.f32 v3  }
0x7a: {  	v3 =	vcvt.f32.s32 v3;
	_ =	sdelay $0x1  }
0x7b: {  	v3 =	vadd.s32 v1, v3;
	_ =	sdelay $0x4  }
0x7c: {  	[tilespmem:v3+s23+$0x0] =	vst.idx.add.f32.msk $0xffff, v2  }
0x7d: {  	v3 =	vld [tilespmem:s31+$0x8040];
	_ =	sdelay $0x4  }
0x7e: {  	v3 =	vmul.f32 $2.000000000e+01, v3;
	_ =	sdelay $0x1  }
0x7f: {  	v3 =	vtrunc.f32 v3  }
0x80: {  	v3 =	vcvt.f32.s32 v3;
	_ =	sdelay $0x1  }
0x81: {  	v3 =	vadd.s32 v1, v3;
	_ =	sdelay $0x4  }
0x82: {  	[tilespmem:v3+s23+$0x0] =	vst.idx.add.f32.msk $0xffff, v2  }
0x83: {  	v3 =	vld [tilespmem:s31+$0x8050];
	_ =	sdelay $0x4  }
0x84: {  	v3 =	vmul.f32 $2.000000000e+01, v3;
	_ =	sdelay $0x1  }
0x85: {  	v3 =	vtrunc.f32 v3  }
0x86: {  	v3 =	vcvt.f32.s32 v3;
	_ =	sdelay $0x1  }
0x87: {  	v3 =	vadd.s32 v1, v3;
	_ =	sdelay $0x4  }
0x88: {  	[tilespmem:v3+s23+$0x0] =	vst.idx.add.f32.msk $0xffff, v2  }
0x89: {  	v3 =	vld [tilespmem:s31+$0x8060];
	_ =	sdelay $0x4  }
0x8a: {  	v3 =	vmul.f32 $2.000000000e+01, v3;
	_ =	sdelay $0x1  }
0x8b: {  	v3 =	vtrunc.f32 v3  }
0x8c: {  	v3 =	vcvt.f32.s32 v3;
	_ =	sdelay $0x1  }
0x8d: {  	v3 =	vadd.s32 v1, v3;
	_ =	sdelay $0x4  }
0x8e: {  	[tilespmem:v3+s23+$0x0] =	vst.idx.add.f32.msk $0xffff, v2  }
0x8f: {  	v3 =	vld [tilespmem:s31+$0x8070];
	_ =	sdelay $0x4  }
0x90: {  	v3 =	vmul.f32 $2.000000000e+01, v3;
	_ =	sdelay $0x1  }
0x91: {  	v3 =	vtrunc.f32 v3  }
0x92: {  	v3 =	vcvt.f32.s32 v3;
	_ =	sdelay $0x1  }
0x93: {  	p0 =	sne.s32 s30, $0x1FE00;
	v3 =	vadd.s32 v1, v3  }
.Ltmp1:
0x94: {  	_ = 	snop;
	(pc) =	sbr.rel @p0 .LBB2_4-.Ltmp1, $2  }
0x95: {  	_ =	sdelay $0x2  }
0x96: {  	s30 =	sadd.s32 $0x200, s30;
	[tilespmem:v3+s23+$0x0] =	vst.idx.add.f32.msk $0xffff, v2  }
0x97: {  	s30 =	simm.s32 $0x0  }
0x98: {  	[tilespmem:s21], [sflag:$0x2] =	stream.linear.gather [hbm4b:s6+s30], $0x8000, $0x38;
	[tilespmem:$0x10180] =	vst v63  }
0x99: {  	_ =	swait.ge [sflag:s22], $0x8000  }
0x9a: {  	[sflag:s22] =	ssyncset.done $0x0  }
0x9b: {  	[sflag:s22] =	ssyncadd.s32 $0xFFFF8000  }
.LBB2_6:
0x9c: {  	s31 =	sshra.s32 s30, $0x2  }
0x9d: {  	v3 =	vld [tilespmem:s31+$0x0];
	_ =	sdelay $0x4  }
0x9e: {  	v3 =	vmul.f32 $2.000000000e+01, v3;
	_ =	sdelay $0x1  }
0x9f: {  	v3 =	vtrunc.f32 v3  }
0xa0: {  	v3 =	vcvt.f32.s32 v3;
	_ =	sdelay $0x1  }
0xa1: {  	v3 =	vadd.s32 v1, v3;
	_ =	sdelay $0x4  }
0xa2: {  	[tilespmem:v3+s23+$0x0] =	vst.idx.add.f32.msk $0xffff, v2  }
0xa3: {  	v3 =	vld [tilespmem:s31+$0x10];
	_ =	sdelay $0x4  }
0xa4: {  	v3 =	vmul.f32 $2.000000000e+01, v3;
	_ =	sdelay $0x1  }
0xa5: {  	v3 =	vtrunc.f32 v3  }
0xa6: {  	v3 =	vcvt.f32.s32 v3;
	_ =	sdelay $0x1  }
0xa7: {  	v3 =	vadd.s32 v1, v3;
	_ =	sdelay $0x4  }
0xa8: {  	[tilespmem:v3+s23+$0x0] =	vst.idx.add.f32.msk $0xffff, v2  }
0xa9: {  	v3 =	vld [tilespmem:s31+$0x20];
	_ =	sdelay $0x4  }
0xaa: {  	v3 =	vmul.f32 $2.000000000e+01, v3;
	_ =	sdelay $0x1  }
0xab: {  	v3 =	vtrunc.f32 v3  }
0xac: {  	v3 =	vcvt.f32.s32 v3;
	_ =	sdelay $0x1  }
0xad: {  	v3 =	vadd.s32 v1, v3;
	_ =	sdelay $0x4  }
0xae: {  	[tilespmem:v3+s23+$0x0] =	vst.idx.add.f32.msk $0xffff, v2  }
0xaf: {  	v3 =	vld [tilespmem:s31+$0x30];
	_ =	sdelay $0x4  }
0xb0: {  	v3 =	vmul.f32 $2.000000000e+01, v3;
	_ =	sdelay $0x1  }
0xb1: {  	v3 =	vtrunc.f32 v3  }
0xb2: {  	v3 =	vcvt.f32.s32 v3;
	_ =	sdelay $0x1  }
0xb3: {  	v3 =	vadd.s32 v1, v3;
	_ =	sdelay $0x4  }
0xb4: {  	[tilespmem:v3+s23+$0x0] =	vst.idx.add.f32.msk $0xffff, v2  }
0xb5: {  	v3 =	vld [tilespmem:s31+$0x40];
	_ =	sdelay $0x4  }
0xb6: {  	v3 =	vmul.f32 $2.000000000e+01, v3;
	_ =	sdelay $0x1  }
0xb7: {  	v3 =	vtrunc.f32 v3  }
0xb8: {  	v3 =	vcvt.f32.s32 v3;
	_ =	sdelay $0x1  }
0xb9: {  	v3 =	vadd.s32 v1, v3;
	_ =	sdelay $0x4  }
0xba: {  	[tilespmem:v3+s23+$0x0] =	vst.idx.add.f32.msk $0xffff, v2  }
0xbb: {  	v3 =	vld [tilespmem:s31+$0x50];
	_ =	sdelay $0x4  }
0xbc: {  	v3 =	vmul.f32 $2.000000000e+01, v3;
	_ =	sdelay $0x1  }
0xbd: {  	v3 =	vtrunc.f32 v3  }
0xbe: {  	v3 =	vcvt.f32.s32 v3;
	_ =	sdelay $0x1  }
0xbf: {  	v3 =	vadd.s32 v1, v3;
	_ =	sdelay $0x4  }
0xc0: {  	[tilespmem:v3+s23+$0x0] =	vst.idx.add.f32.msk $0xffff, v2  }
0xc1: {  	v3 =	vld [tilespmem:s31+$0x60];
	_ =	sdelay $0x4  }
0xc2: {  	v3 =	vmul.f32 $2.000000000e+01, v3;
	_ =	sdelay $0x1  }
0xc3: {  	v3 =	vtrunc.f32 v3  }
0xc4: {  	v3 =	vcvt.f32.s32 v3;
	_ =	sdelay $0x1  }
0xc5: {  	v3 =	vadd.s32 v1, v3;
	_ =	sdelay $0x4  }
0xc6: {  	[tilespmem:v3+s23+$0x0] =	vst.idx.add.f32.msk $0xffff, v2  }
0xc7: {  	v3 =	vld [tilespmem:s31+$0x70];
	_ =	sdelay $0x4  }
0xc8: {  	v3 =	vmul.f32 $2.000000000e+01, v3;
	_ =	sdelay $0x1  }
0xc9: {  	v3 =	vtrunc.f32 v3  }
0xca: {  	v3 =	vcvt.f32.s32 v3;
	_ =	sdelay $0x1  }
0xcb: {  	p0 =	sne.s32 s30, $0x1FE00;
	v3 =	vadd.s32 v1, v3  }
.Ltmp2:
0xcc: {  	_ = 	snop;
	(pc) =	sbr.rel @p0 .LBB2_6-.Ltmp2, $2  }
0xcd: {  	_ =	sdelay $0x2  }
0xce: {  	s30 =	sadd.s32 $0x200, s30;
	[tilespmem:v3+s23+$0x0] =	vst.idx.add.f32.msk $0xffff, v2  }
0xcf: {  	s30 =	simm.s32 $0x0  }
0xd0: {  	[tilespmem:s30], [sflag:$0x1] =	stream.linear.gather [hbm4b:s7+s30], $0x8000, $0x38;
	[tilespmem:$0x10180] =	vst v63  }
0xd1: {  	_ =	swait.ge [sflag:s24], $0x8000  }
0xd2: {  	[sflag:s24] =	ssyncset.done $0x0  }
0xd3: {  	[sflag:s24] =	ssyncadd.s32 $0xFFFF8000  }
.LBB2_8:
0xd4: {  	s31 =	sshra.s32 s30, $0x2  }
0xd5: {  	v3 =	vld [tilespmem:s31+$0x8000];
	_ =	sdelay $0x4  }
0xd6: {  	v3 =	vmul.f32 $2.000000000e+01, v3;
	_ =	sdelay $0x1  }
0xd7: {  	v3 =	vtrunc.f32 v3  }
0xd8: {  	v3 =	vcvt.f32.s32 v3;
	_ =	sdelay $0x1  }
0xd9: {  	v3 =	vadd.s32 v1, v3;
	_ =	sdelay $0x4  }
0xda: {  	[tilespmem:v3+s23+$0x0] =	vst.idx.add.f32.msk $0xffff, v2  }
0xdb: {  	v3 =	vld [tilespmem:s31+$0x8010];
	_ =	sdelay $0x4  }
0xdc: {  	v3 =	vmul.f32 $2.000000000e+01, v3;
	_ =	sdelay $0x1  }
0xdd: {  	v3 =	vtrunc.f32 v3  }
0xde: {  	v3 =	vcvt.f32.s32 v3;
	_ =	sdelay $0x1  }
0xdf: {  	v3 =	vadd.s32 v1, v3;
	_ =	sdelay $0x4  }
0xe0: {  	[tilespmem:v3+s23+$0x0] =	vst.idx.add.f32.msk $0xffff, v2  }
0xe1: {  	v3 =	vld [tilespmem:s31+$0x8020];
	_ =	sdelay $0x4  }
0xe2: {  	v3 =	vmul.f32 $2.000000000e+01, v3;
	_ =	sdelay $0x1  }
0xe3: {  	v3 =	vtrunc.f32 v3  }
0xe4: {  	v3 =	vcvt.f32.s32 v3;
	_ =	sdelay $0x1  }
0xe5: {  	v3 =	vadd.s32 v1, v3;
	_ =	sdelay $0x4  }
0xe6: {  	[tilespmem:v3+s23+$0x0] =	vst.idx.add.f32.msk $0xffff, v2  }
0xe7: {  	v3 =	vld [tilespmem:s31+$0x8030];
	_ =	sdelay $0x4  }
0xe8: {  	v3 =	vmul.f32 $2.000000000e+01, v3;
	_ =	sdelay $0x1  }
0xe9: {  	v3 =	vtrunc.f32 v3  }
0xea: {  	v3 =	vcvt.f32.s32 v3;
	_ =	sdelay $0x1  }
0xeb: {  	v3 =	vadd.s32 v1, v3;
	_ =	sdelay $0x4  }
0xec: {  	[tilespmem:v3+s23+$0x0] =	vst.idx.add.f32.msk $0xffff, v2  }
0xed: {  	v3 =	vld [tilespmem:s31+$0x8040];
	_ =	sdelay $0x4  }
0xee: {  	v3 =	vmul.f32 $2.000000000e+01, v3;
	_ =	sdelay $0x1  }
0xef: {  	v3 =	vtrunc.f32 v3  }
0xf0: {  	v3 =	vcvt.f32.s32 v3;
	_ =	sdelay $0x1  }
0xf1: {  	v3 =	vadd.s32 v1, v3;
	_ =	sdelay $0x4  }
0xf2: {  	[tilespmem:v3+s23+$0x0] =	vst.idx.add.f32.msk $0xffff, v2  }
0xf3: {  	v3 =	vld [tilespmem:s31+$0x8050];
	_ =	sdelay $0x4  }
0xf4: {  	v3 =	vmul.f32 $2.000000000e+01, v3;
	_ =	sdelay $0x1  }
0xf5: {  	v3 =	vtrunc.f32 v3  }
0xf6: {  	v3 =	vcvt.f32.s32 v3;
	_ =	sdelay $0x1  }
0xf7: {  	v3 =	vadd.s32 v1, v3;
	_ =	sdelay $0x4  }
0xf8: {  	[tilespmem:v3+s23+$0x0] =	vst.idx.add.f32.msk $0xffff, v2  }
0xf9: {  	v3 =	vld [tilespmem:s31+$0x8060];
	_ =	sdelay $0x4  }
0xfa: {  	v3 =	vmul.f32 $2.000000000e+01, v3;
	_ =	sdelay $0x1  }
0xfb: {  	v3 =	vtrunc.f32 v3  }
0xfc: {  	v3 =	vcvt.f32.s32 v3;
	_ =	sdelay $0x1  }
0xfd: {  	v3 =	vadd.s32 v1, v3;
	_ =	sdelay $0x4  }
0xfe: {  	[tilespmem:v3+s23+$0x0] =	vst.idx.add.f32.msk $0xffff, v2  }
0xff: {  	v3 =	vld [tilespmem:s31+$0x8070];
	_ =	sdelay $0x4  }
0x100: {  	v3 =	vmul.f32 $2.000000000e+01, v3;
	_ =	sdelay $0x1  }
0x101: {  	v3 =	vtrunc.f32 v3  }
0x102: {  	v3 =	vcvt.f32.s32 v3;
	_ =	sdelay $0x1  }
0x103: {  	p0 =	sne.s32 s30, $0x1FE00;
	v3 =	vadd.s32 v1, v3  }
.Ltmp3:
0x104: {  	_ = 	snop;
	(pc) =	sbr.rel @p0 .LBB2_8-.Ltmp3, $2  }
0x105: {  	_ =	sdelay $0x2  }
0x106: {  	s30 =	sadd.s32 $0x200, s30;
	[tilespmem:v3+s23+$0x0] =	vst.idx.add.f32.msk $0xffff, v2  }
0x107: {  	s30 =	simm.s32 $0x0  }
0x108: {  	[tilespmem:s21], [sflag:$0x2] =	stream.linear.gather [hbm4b:s8+s30], $0x8000, $0x38;
	[tilespmem:$0x10180] =	vst v63  }
0x109: {  	_ =	swait.ge [sflag:s22], $0x8000  }
0x10a: {  	[sflag:s22] =	ssyncset.done $0x0  }
0x10b: {  	[sflag:s22] =	ssyncadd.s32 $0xFFFF8000  }
.LBB2_10:
0x10c: {  	s31 =	sshra.s32 s30, $0x2  }
0x10d: {  	v3 =	vld [tilespmem:s31+$0x0];
	_ =	sdelay $0x4  }
0x10e: {  	v3 =	vmul.f32 $2.000000000e+01, v3;
	_ =	sdelay $0x1  }
0x10f: {  	v3 =	vtrunc.f32 v3  }
0x110: {  	v3 =	vcvt.f32.s32 v3;
	_ =	sdelay $0x1  }
0x111: {  	v3 =	vadd.s32 v1, v3;
	_ =	sdelay $0x4  }
0x112: {  	[tilespmem:v3+s23+$0x0] =	vst.idx.add.f32.msk $0xffff, v2  }
0x113: {  	v3 =	vld [tilespmem:s31+$0x10];
	_ =	sdelay $0x4  }
0x114: {  	v3 =	vmul.f32 $2.000000000e+01, v3;
	_ =	sdelay $0x1  }
0x115: {  	v3 =	vtrunc.f32 v3  }
0x116: {  	v3 =	vcvt.f32.s32 v3;
	_ =	sdelay $0x1  }
0x117: {  	v3 =	vadd.s32 v1, v3;
	_ =	sdelay $0x4  }
0x118: {  	[tilespmem:v3+s23+$0x0] =	vst.idx.add.f32.msk $0xffff, v2  }
0x119: {  	v3 =	vld [tilespmem:s31+$0x20];
	_ =	sdelay $0x4  }
0x11a: {  	v3 =	vmul.f32 $2.000000000e+01, v3;
	_ =	sdelay $0x1  }
0x11b: {  	v3 =	vtrunc.f32 v3  }
0x11c: {  	v3 =	vcvt.f32.s32 v3;
	_ =	sdelay $0x1  }
0x11d: {  	v3 =	vadd.s32 v1, v3;
	_ =	sdelay $0x4  }
0x11e: {  	[tilespmem:v3+s23+$0x0] =	vst.idx.add.f32.msk $0xffff, v2  }
0x11f: {  	v3 =	vld [tilespmem:s31+$0x30];
	_ =	sdelay $0x4  }
0x120: {  	v3 =	vmul.f32 $2.000000000e+01, v3;
	_ =	sdelay $0x1  }
0x121: {  	v3 =	vtrunc.f32 v3  }
0x122: {  	v3 =	vcvt.f32.s32 v3;
	_ =	sdelay $0x1  }
0x123: {  	v3 =	vadd.s32 v1, v3;
	_ =	sdelay $0x4  }
0x124: {  	[tilespmem:v3+s23+$0x0] =	vst.idx.add.f32.msk $0xffff, v2  }
0x125: {  	v3 =	vld [tilespmem:s31+$0x40];
	_ =	sdelay $0x4  }
0x126: {  	v3 =	vmul.f32 $2.000000000e+01, v3;
	_ =	sdelay $0x1  }
0x127: {  	v3 =	vtrunc.f32 v3  }
0x128: {  	v3 =	vcvt.f32.s32 v3;
	_ =	sdelay $0x1  }
0x129: {  	v3 =	vadd.s32 v1, v3;
	_ =	sdelay $0x4  }
0x12a: {  	[tilespmem:v3+s23+$0x0] =	vst.idx.add.f32.msk $0xffff, v2  }
0x12b: {  	v3 =	vld [tilespmem:s31+$0x50];
	_ =	sdelay $0x4  }
0x12c: {  	v3 =	vmul.f32 $2.000000000e+01, v3;
	_ =	sdelay $0x1  }
0x12d: {  	v3 =	vtrunc.f32 v3  }
0x12e: {  	v3 =	vcvt.f32.s32 v3;
	_ =	sdelay $0x1  }
0x12f: {  	v3 =	vadd.s32 v1, v3;
	_ =	sdelay $0x4  }
0x130: {  	[tilespmem:v3+s23+$0x0] =	vst.idx.add.f32.msk $0xffff, v2  }
0x131: {  	v3 =	vld [tilespmem:s31+$0x60];
	_ =	sdelay $0x4  }
0x132: {  	v3 =	vmul.f32 $2.000000000e+01, v3;
	_ =	sdelay $0x1  }
0x133: {  	v3 =	vtrunc.f32 v3  }
0x134: {  	v3 =	vcvt.f32.s32 v3;
	_ =	sdelay $0x1  }
0x135: {  	v3 =	vadd.s32 v1, v3;
	_ =	sdelay $0x4  }
0x136: {  	[tilespmem:v3+s23+$0x0] =	vst.idx.add.f32.msk $0xffff, v2  }
0x137: {  	v3 =	vld [tilespmem:s31+$0x70];
	_ =	sdelay $0x4  }
0x138: {  	v3 =	vmul.f32 $2.000000000e+01, v3;
	_ =	sdelay $0x1  }
0x139: {  	v3 =	vtrunc.f32 v3  }
0x13a: {  	v3 =	vcvt.f32.s32 v3;
	_ =	sdelay $0x1  }
0x13b: {  	p0 =	sne.s32 s30, $0x1FE00;
	v3 =	vadd.s32 v1, v3  }
.Ltmp4:
0x13c: {  	_ = 	snop;
	(pc) =	sbr.rel @p0 .LBB2_10-.Ltmp4, $2  }
0x13d: {  	_ =	sdelay $0x2  }
0x13e: {  	s30 =	sadd.s32 $0x200, s30;
	[tilespmem:v3+s23+$0x0] =	vst.idx.add.f32.msk $0xffff, v2  }
0x13f: {  	s30 =	simm.s32 $0x0  }
0x140: {  	[tilespmem:s30], [sflag:$0x1] =	stream.linear.gather [hbm4b:s9+s30], $0x8000, $0x38;
	[tilespmem:$0x10180] =	vst v63  }
0x141: {  	_ =	swait.ge [sflag:s24], $0x8000  }
0x142: {  	[sflag:s24] =	ssyncset.done $0x0  }
0x143: {  	[sflag:s24] =	ssyncadd.s32 $0xFFFF8000  }
.LBB2_12:
0x144: {  	s31 =	sshra.s32 s30, $0x2  }
0x145: {  	v3 =	vld [tilespmem:s31+$0x8000];
	_ =	sdelay $0x4  }
0x146: {  	v3 =	vmul.f32 $2.000000000e+01, v3;
	_ =	sdelay $0x1  }
0x147: {  	v3 =	vtrunc.f32 v3  }
0x148: {  	v3 =	vcvt.f32.s32 v3;
	_ =	sdelay $0x1  }
0x149: {  	v3 =	vadd.s32 v1, v3;
	_ =	sdelay $0x4  }
0x14a: {  	[tilespmem:v3+s23+$0x0] =	vst.idx.add.f32.msk $0xffff, v2  }
0x14b: {  	v3 =	vld [tilespmem:s31+$0x8010];
	_ =	sdelay $0x4  }
0x14c: {  	v3 =	vmul.f32 $2.000000000e+01, v3;
	_ =	sdelay $0x1  }
0x14d: {  	v3 =	vtrunc.f32 v3  }
0x14e: {  	v3 =	vcvt.f32.s32 v3;
	_ =	sdelay $0x1  }
0x14f: {  	v3 =	vadd.s32 v1, v3;
	_ =	sdelay $0x4  }
0x150: {  	[tilespmem:v3+s23+$0x0] =	vst.idx.add.f32.msk $0xffff, v2  }
0x151: {  	v3 =	vld [tilespmem:s31+$0x8020];
	_ =	sdelay $0x4  }
0x152: {  	v3 =	vmul.f32 $2.000000000e+01, v3;
	_ =	sdelay $0x1  }
0x153: {  	v3 =	vtrunc.f32 v3  }
0x154: {  	v3 =	vcvt.f32.s32 v3;
	_ =	sdelay $0x1  }
0x155: {  	v3 =	vadd.s32 v1, v3;
	_ =	sdelay $0x4  }
0x156: {  	[tilespmem:v3+s23+$0x0] =	vst.idx.add.f32.msk $0xffff, v2  }
0x157: {  	v3 =	vld [tilespmem:s31+$0x8030];
	_ =	sdelay $0x4  }
0x158: {  	v3 =	vmul.f32 $2.000000000e+01, v3;
	_ =	sdelay $0x1  }
0x159: {  	v3 =	vtrunc.f32 v3  }
0x15a: {  	v3 =	vcvt.f32.s32 v3;
	_ =	sdelay $0x1  }
0x15b: {  	v3 =	vadd.s32 v1, v3;
	_ =	sdelay $0x4  }
0x15c: {  	[tilespmem:v3+s23+$0x0] =	vst.idx.add.f32.msk $0xffff, v2  }
0x15d: {  	v3 =	vld [tilespmem:s31+$0x8040];
	_ =	sdelay $0x4  }
0x15e: {  	v3 =	vmul.f32 $2.000000000e+01, v3;
	_ =	sdelay $0x1  }
0x15f: {  	v3 =	vtrunc.f32 v3  }
0x160: {  	v3 =	vcvt.f32.s32 v3;
	_ =	sdelay $0x1  }
0x161: {  	v3 =	vadd.s32 v1, v3;
	_ =	sdelay $0x4  }
0x162: {  	[tilespmem:v3+s23+$0x0] =	vst.idx.add.f32.msk $0xffff, v2  }
0x163: {  	v3 =	vld [tilespmem:s31+$0x8050];
	_ =	sdelay $0x4  }
0x164: {  	v3 =	vmul.f32 $2.000000000e+01, v3;
	_ =	sdelay $0x1  }
0x165: {  	v3 =	vtrunc.f32 v3  }
0x166: {  	v3 =	vcvt.f32.s32 v3;
	_ =	sdelay $0x1  }
0x167: {  	v3 =	vadd.s32 v1, v3;
	_ =	sdelay $0x4  }
0x168: {  	[tilespmem:v3+s23+$0x0] =	vst.idx.add.f32.msk $0xffff, v2  }
0x169: {  	v3 =	vld [tilespmem:s31+$0x8060];
	_ =	sdelay $0x4  }
0x16a: {  	v3 =	vmul.f32 $2.000000000e+01, v3;
	_ =	sdelay $0x1  }
0x16b: {  	v3 =	vtrunc.f32 v3  }
0x16c: {  	v3 =	vcvt.f32.s32 v3;
	_ =	sdelay $0x1  }
0x16d: {  	v3 =	vadd.s32 v1, v3;
	_ =	sdelay $0x4  }
0x16e: {  	[tilespmem:v3+s23+$0x0] =	vst.idx.add.f32.msk $0xffff, v2  }
0x16f: {  	v3 =	vld [tilespmem:s31+$0x8070];
	_ =	sdelay $0x4  }
0x170: {  	v3 =	vmul.f32 $2.000000000e+01, v3;
	_ =	sdelay $0x1  }
0x171: {  	v3 =	vtrunc.f32 v3  }
0x172: {  	v3 =	vcvt.f32.s32 v3;
	_ =	sdelay $0x1  }
0x173: {  	p0 =	sne.s32 s30, $0x1FE00;
	v3 =	vadd.s32 v1, v3  }
.Ltmp5:
0x174: {  	_ = 	snop;
	(pc) =	sbr.rel @p0 .LBB2_12-.Ltmp5, $2  }
0x175: {  	_ =	sdelay $0x2  }
0x176: {  	s30 =	sadd.s32 $0x200, s30;
	[tilespmem:v3+s23+$0x0] =	vst.idx.add.f32.msk $0xffff, v2  }
0x177: {  	s30 =	simm.s32 $0x0  }
0x178: {  	[tilespmem:s21], [sflag:$0x2] =	stream.linear.gather [hbm4b:s10+s30], $0x8000, $0x38;
	[tilespmem:$0x10180] =	vst v63  }
0x179: {  	_ =	swait.ge [sflag:s22], $0x8000  }
0x17a: {  	[sflag:s22] =	ssyncset.done $0x0  }
0x17b: {  	[sflag:s22] =	ssyncadd.s32 $0xFFFF8000  }
.LBB2_14:
0x17c: {  	s31 =	sshra.s32 s30, $0x2  }
0x17d: {  	v3 =	vld [tilespmem:s31+$0x0];
	_ =	sdelay $0x4  }
0x17e: {  	v3 =	vmul.f32 $2.000000000e+01, v3;
	_ =	sdelay $0x1  }
0x17f: {  	v3 =	vtrunc.f32 v3  }
0x180: {  	v3 =	vcvt.f32.s32 v3;
	_ =	sdelay $0x1  }
0x181: {  	v3 =	vadd.s32 v1, v3;
	_ =	sdelay $0x4  }
0x182: {  	[tilespmem:v3+s23+$0x0] =	vst.idx.add.f32.msk $0xffff, v2  }
0x183: {  	v3 =	vld [tilespmem:s31+$0x10];
	_ =	sdelay $0x4  }
0x184: {  	v3 =	vmul.f32 $2.000000000e+01, v3;
	_ =	sdelay $0x1  }
0x185: {  	v3 =	vtrunc.f32 v3  }
0x186: {  	v3 =	vcvt.f32.s32 v3;
	_ =	sdelay $0x1  }
0x187: {  	v3 =	vadd.s32 v1, v3;
	_ =	sdelay $0x4  }
0x188: {  	[tilespmem:v3+s23+$0x0] =	vst.idx.add.f32.msk $0xffff, v2  }
0x189: {  	v3 =	vld [tilespmem:s31+$0x20];
	_ =	sdelay $0x4  }
0x18a: {  	v3 =	vmul.f32 $2.000000000e+01, v3;
	_ =	sdelay $0x1  }
0x18b: {  	v3 =	vtrunc.f32 v3  }
0x18c: {  	v3 =	vcvt.f32.s32 v3;
	_ =	sdelay $0x1  }
0x18d: {  	v3 =	vadd.s32 v1, v3;
	_ =	sdelay $0x4  }
0x18e: {  	[tilespmem:v3+s23+$0x0] =	vst.idx.add.f32.msk $0xffff, v2  }
0x18f: {  	v3 =	vld [tilespmem:s31+$0x30];
	_ =	sdelay $0x4  }
0x190: {  	v3 =	vmul.f32 $2.000000000e+01, v3;
	_ =	sdelay $0x1  }
0x191: {  	v3 =	vtrunc.f32 v3  }
0x192: {  	v3 =	vcvt.f32.s32 v3;
	_ =	sdelay $0x1  }
0x193: {  	v3 =	vadd.s32 v1, v3;
	_ =	sdelay $0x4  }
0x194: {  	[tilespmem:v3+s23+$0x0] =	vst.idx.add.f32.msk $0xffff, v2  }
0x195: {  	v3 =	vld [tilespmem:s31+$0x40];
	_ =	sdelay $0x4  }
0x196: {  	v3 =	vmul.f32 $2.000000000e+01, v3;
	_ =	sdelay $0x1  }
0x197: {  	v3 =	vtrunc.f32 v3  }
0x198: {  	v3 =	vcvt.f32.s32 v3;
	_ =	sdelay $0x1  }
0x199: {  	v3 =	vadd.s32 v1, v3;
	_ =	sdelay $0x4  }
0x19a: {  	[tilespmem:v3+s23+$0x0] =	vst.idx.add.f32.msk $0xffff, v2  }
0x19b: {  	v3 =	vld [tilespmem:s31+$0x50];
	_ =	sdelay $0x4  }
0x19c: {  	v3 =	vmul.f32 $2.000000000e+01, v3;
	_ =	sdelay $0x1  }
0x19d: {  	v3 =	vtrunc.f32 v3  }
0x19e: {  	v3 =	vcvt.f32.s32 v3;
	_ =	sdelay $0x1  }
0x19f: {  	v3 =	vadd.s32 v1, v3;
	_ =	sdelay $0x4  }
0x1a0: {  	[tilespmem:v3+s23+$0x0] =	vst.idx.add.f32.msk $0xffff, v2  }
0x1a1: {  	v3 =	vld [tilespmem:s31+$0x60];
	_ =	sdelay $0x4  }
0x1a2: {  	v3 =	vmul.f32 $2.000000000e+01, v3;
	_ =	sdelay $0x1  }
0x1a3: {  	v3 =	vtrunc.f32 v3  }
0x1a4: {  	v3 =	vcvt.f32.s32 v3;
	_ =	sdelay $0x1  }
0x1a5: {  	v3 =	vadd.s32 v1, v3;
	_ =	sdelay $0x4  }
0x1a6: {  	[tilespmem:v3+s23+$0x0] =	vst.idx.add.f32.msk $0xffff, v2  }
0x1a7: {  	v3 =	vld [tilespmem:s31+$0x70];
	_ =	sdelay $0x4  }
0x1a8: {  	v3 =	vmul.f32 $2.000000000e+01, v3;
	_ =	sdelay $0x1  }
0x1a9: {  	v3 =	vtrunc.f32 v3  }
0x1aa: {  	v3 =	vcvt.f32.s32 v3;
	_ =	sdelay $0x1  }
0x1ab: {  	p0 =	sne.s32 s30, $0x1FE00;
	v3 =	vadd.s32 v1, v3  }
.Ltmp6:
0x1ac: {  	_ = 	snop;
	(pc) =	sbr.rel @p0 .LBB2_14-.Ltmp6, $2  }
0x1ad: {  	_ =	sdelay $0x2  }
0x1ae: {  	s30 =	sadd.s32 $0x200, s30;
	[tilespmem:v3+s23+$0x0] =	vst.idx.add.f32.msk $0xffff, v2  }
0x1af: {  	s30 =	simm.s32 $0x0  }
0x1b0: {  	[tilespmem:s30], [sflag:$0x1] =	stream.linear.gather [hbm4b:s11+s30], $0x8000, $0x38;
	[tilespmem:$0x10180] =	vst v63  }
0x1b1: {  	_ =	swait.ge [sflag:s24], $0x8000  }
0x1b2: {  	[sflag:s24] =	ssyncset.done $0x0  }
0x1b3: {  	[sflag:s24] =	ssyncadd.s32 $0xFFFF8000  }
.LBB2_16:
0x1b4: {  	s31 =	sshra.s32 s30, $0x2  }
0x1b5: {  	v3 =	vld [tilespmem:s31+$0x8000];
	_ =	sdelay $0x4  }
0x1b6: {  	v3 =	vmul.f32 $2.000000000e+01, v3;
	_ =	sdelay $0x1  }
0x1b7: {  	v3 =	vtrunc.f32 v3  }
0x1b8: {  	v3 =	vcvt.f32.s32 v3;
	_ =	sdelay $0x1  }
0x1b9: {  	v3 =	vadd.s32 v1, v3;
	_ =	sdelay $0x4  }
0x1ba: {  	[tilespmem:v3+s23+$0x0] =	vst.idx.add.f32.msk $0xffff, v2  }
0x1bb: {  	v3 =	vld [tilespmem:s31+$0x8010];
	_ =	sdelay $0x4  }
0x1bc: {  	v3 =	vmul.f32 $2.000000000e+01, v3;
	_ =	sdelay $0x1  }
0x1bd: {  	v3 =	vtrunc.f32 v3  }
0x1be: {  	v3 =	vcvt.f32.s32 v3;
	_ =	sdelay $0x1  }
0x1bf: {  	v3 =	vadd.s32 v1, v3;
	_ =	sdelay $0x4  }
0x1c0: {  	[tilespmem:v3+s23+$0x0] =	vst.idx.add.f32.msk $0xffff, v2  }
0x1c1: {  	v3 =	vld [tilespmem:s31+$0x8020];
	_ =	sdelay $0x4  }
0x1c2: {  	v3 =	vmul.f32 $2.000000000e+01, v3;
	_ =	sdelay $0x1  }
0x1c3: {  	v3 =	vtrunc.f32 v3  }
0x1c4: {  	v3 =	vcvt.f32.s32 v3;
	_ =	sdelay $0x1  }
0x1c5: {  	v3 =	vadd.s32 v1, v3;
	_ =	sdelay $0x4  }
0x1c6: {  	[tilespmem:v3+s23+$0x0] =	vst.idx.add.f32.msk $0xffff, v2  }
0x1c7: {  	v3 =	vld [tilespmem:s31+$0x8030];
	_ =	sdelay $0x4  }
0x1c8: {  	v3 =	vmul.f32 $2.000000000e+01, v3;
	_ =	sdelay $0x1  }
0x1c9: {  	v3 =	vtrunc.f32 v3  }
0x1ca: {  	v3 =	vcvt.f32.s32 v3;
	_ =	sdelay $0x1  }
0x1cb: {  	v3 =	vadd.s32 v1, v3;
	_ =	sdelay $0x4  }
0x1cc: {  	[tilespmem:v3+s23+$0x0] =	vst.idx.add.f32.msk $0xffff, v2  }
0x1cd: {  	v3 =	vld [tilespmem:s31+$0x8040];
	_ =	sdelay $0x4  }
0x1ce: {  	v3 =	vmul.f32 $2.000000000e+01, v3;
	_ =	sdelay $0x1  }
0x1cf: {  	v3 =	vtrunc.f32 v3  }
0x1d0: {  	v3 =	vcvt.f32.s32 v3;
	_ =	sdelay $0x1  }
0x1d1: {  	v3 =	vadd.s32 v1, v3;
	_ =	sdelay $0x4  }
0x1d2: {  	[tilespmem:v3+s23+$0x0] =	vst.idx.add.f32.msk $0xffff, v2  }
0x1d3: {  	v3 =	vld [tilespmem:s31+$0x8050];
	_ =	sdelay $0x4  }
0x1d4: {  	v3 =	vmul.f32 $2.000000000e+01, v3;
	_ =	sdelay $0x1  }
0x1d5: {  	v3 =	vtrunc.f32 v3  }
0x1d6: {  	v3 =	vcvt.f32.s32 v3;
	_ =	sdelay $0x1  }
0x1d7: {  	v3 =	vadd.s32 v1, v3;
	_ =	sdelay $0x4  }
0x1d8: {  	[tilespmem:v3+s23+$0x0] =	vst.idx.add.f32.msk $0xffff, v2  }
0x1d9: {  	v3 =	vld [tilespmem:s31+$0x8060];
	_ =	sdelay $0x4  }
0x1da: {  	v3 =	vmul.f32 $2.000000000e+01, v3;
	_ =	sdelay $0x1  }
0x1db: {  	v3 =	vtrunc.f32 v3  }
0x1dc: {  	v3 =	vcvt.f32.s32 v3;
	_ =	sdelay $0x1  }
0x1dd: {  	v3 =	vadd.s32 v1, v3;
	_ =	sdelay $0x4  }
0x1de: {  	[tilespmem:v3+s23+$0x0] =	vst.idx.add.f32.msk $0xffff, v2  }
0x1df: {  	v3 =	vld [tilespmem:s31+$0x8070];
	_ =	sdelay $0x4  }
0x1e0: {  	v3 =	vmul.f32 $2.000000000e+01, v3;
	_ =	sdelay $0x1  }
0x1e1: {  	v3 =	vtrunc.f32 v3  }
0x1e2: {  	v3 =	vcvt.f32.s32 v3;
	_ =	sdelay $0x1  }
0x1e3: {  	p0 =	sne.s32 s30, $0x1FE00;
	v3 =	vadd.s32 v1, v3  }
.Ltmp7:
0x1e4: {  	_ = 	snop;
	(pc) =	sbr.rel @p0 .LBB2_16-.Ltmp7, $2  }
0x1e5: {  	_ =	sdelay $0x2  }
0x1e6: {  	s30 =	sadd.s32 $0x200, s30;
	[tilespmem:v3+s23+$0x0] =	vst.idx.add.f32.msk $0xffff, v2  }
0x1e7: {  	s30 =	simm.s32 $0x0  }
0x1e8: {  	[tilespmem:s21], [sflag:$0x2] =	stream.linear.gather [hbm4b:s12+s30], $0x8000, $0x38;
	[tilespmem:$0x10180] =	vst v63  }
0x1e9: {  	_ =	swait.ge [sflag:s22], $0x8000  }
0x1ea: {  	[sflag:s22] =	ssyncset.done $0x0  }
0x1eb: {  	[sflag:s22] =	ssyncadd.s32 $0xFFFF8000  }
.LBB2_18:
0x1ec: {  	s31 =	sshra.s32 s30, $0x2  }
0x1ed: {  	v3 =	vld [tilespmem:s31+$0x0];
	_ =	sdelay $0x4  }
0x1ee: {  	v3 =	vmul.f32 $2.000000000e+01, v3;
	_ =	sdelay $0x1  }
0x1ef: {  	v3 =	vtrunc.f32 v3  }
0x1f0: {  	v3 =	vcvt.f32.s32 v3;
	_ =	sdelay $0x1  }
0x1f1: {  	v3 =	vadd.s32 v1, v3;
	_ =	sdelay $0x4  }
0x1f2: {  	[tilespmem:v3+s23+$0x0] =	vst.idx.add.f32.msk $0xffff, v2  }
0x1f3: {  	v3 =	vld [tilespmem:s31+$0x10];
	_ =	sdelay $0x4  }
0x1f4: {  	v3 =	vmul.f32 $2.000000000e+01, v3;
	_ =	sdelay $0x1  }
0x1f5: {  	v3 =	vtrunc.f32 v3  }
0x1f6: {  	v3 =	vcvt.f32.s32 v3;
	_ =	sdelay $0x1  }
0x1f7: {  	v3 =	vadd.s32 v1, v3;
	_ =	sdelay $0x4  }
0x1f8: {  	[tilespmem:v3+s23+$0x0] =	vst.idx.add.f32.msk $0xffff, v2  }
0x1f9: {  	v3 =	vld [tilespmem:s31+$0x20];
	_ =	sdelay $0x4  }
0x1fa: {  	v3 =	vmul.f32 $2.000000000e+01, v3;
	_ =	sdelay $0x1  }
0x1fb: {  	v3 =	vtrunc.f32 v3  }
0x1fc: {  	v3 =	vcvt.f32.s32 v3;
	_ =	sdelay $0x1  }
0x1fd: {  	v3 =	vadd.s32 v1, v3;
	_ =	sdelay $0x4  }
0x1fe: {  	[tilespmem:v3+s23+$0x0] =	vst.idx.add.f32.msk $0xffff, v2  }
0x1ff: {  	v3 =	vld [tilespmem:s31+$0x30];
	_ =	sdelay $0x4  }
0x200: {  	v3 =	vmul.f32 $2.000000000e+01, v3;
	_ =	sdelay $0x1  }
0x201: {  	v3 =	vtrunc.f32 v3  }
0x202: {  	v3 =	vcvt.f32.s32 v3;
	_ =	sdelay $0x1  }
0x203: {  	v3 =	vadd.s32 v1, v3;
	_ =	sdelay $0x4  }
0x204: {  	[tilespmem:v3+s23+$0x0] =	vst.idx.add.f32.msk $0xffff, v2  }
0x205: {  	v3 =	vld [tilespmem:s31+$0x40];
	_ =	sdelay $0x4  }
0x206: {  	v3 =	vmul.f32 $2.000000000e+01, v3;
	_ =	sdelay $0x1  }
0x207: {  	v3 =	vtrunc.f32 v3  }
0x208: {  	v3 =	vcvt.f32.s32 v3;
	_ =	sdelay $0x1  }
0x209: {  	v3 =	vadd.s32 v1, v3;
	_ =	sdelay $0x4  }
0x20a: {  	[tilespmem:v3+s23+$0x0] =	vst.idx.add.f32.msk $0xffff, v2  }
0x20b: {  	v3 =	vld [tilespmem:s31+$0x50];
	_ =	sdelay $0x4  }
0x20c: {  	v3 =	vmul.f32 $2.000000000e+01, v3;
	_ =	sdelay $0x1  }
0x20d: {  	v3 =	vtrunc.f32 v3  }
0x20e: {  	v3 =	vcvt.f32.s32 v3;
	_ =	sdelay $0x1  }
0x20f: {  	v3 =	vadd.s32 v1, v3;
	_ =	sdelay $0x4  }
0x210: {  	[tilespmem:v3+s23+$0x0] =	vst.idx.add.f32.msk $0xffff, v2  }
0x211: {  	v3 =	vld [tilespmem:s31+$0x60];
	_ =	sdelay $0x4  }
0x212: {  	v3 =	vmul.f32 $2.000000000e+01, v3;
	_ =	sdelay $0x1  }
0x213: {  	v3 =	vtrunc.f32 v3  }
0x214: {  	v3 =	vcvt.f32.s32 v3;
	_ =	sdelay $0x1  }
0x215: {  	v3 =	vadd.s32 v1, v3;
	_ =	sdelay $0x4  }
0x216: {  	[tilespmem:v3+s23+$0x0] =	vst.idx.add.f32.msk $0xffff, v2  }
0x217: {  	v3 =	vld [tilespmem:s31+$0x70];
	_ =	sdelay $0x4  }
0x218: {  	v3 =	vmul.f32 $2.000000000e+01, v3;
	_ =	sdelay $0x1  }
0x219: {  	v3 =	vtrunc.f32 v3  }
0x21a: {  	v3 =	vcvt.f32.s32 v3;
	_ =	sdelay $0x1  }
0x21b: {  	p0 =	sne.s32 s30, $0x1FE00;
	v3 =	vadd.s32 v1, v3  }
.Ltmp8:
0x21c: {  	_ = 	snop;
	(pc) =	sbr.rel @p0 .LBB2_18-.Ltmp8, $2  }
0x21d: {  	_ =	sdelay $0x2  }
0x21e: {  	s30 =	sadd.s32 $0x200, s30;
	[tilespmem:v3+s23+$0x0] =	vst.idx.add.f32.msk $0xffff, v2  }
0x21f: {  	s30 =	simm.s32 $0x0  }
0x220: {  	[tilespmem:s30], [sflag:$0x1] =	stream.linear.gather [hbm4b:s13+s30], $0x8000, $0x38;
	[tilespmem:$0x10180] =	vst v63  }
0x221: {  	_ =	swait.ge [sflag:s24], $0x8000  }
0x222: {  	[sflag:s24] =	ssyncset.done $0x0  }
0x223: {  	[sflag:s24] =	ssyncadd.s32 $0xFFFF8000  }
.LBB2_20:
0x224: {  	s31 =	sshra.s32 s30, $0x2  }
0x225: {  	v3 =	vld [tilespmem:s31+$0x8000];
	_ =	sdelay $0x4  }
0x226: {  	v3 =	vmul.f32 $2.000000000e+01, v3;
	_ =	sdelay $0x1  }
0x227: {  	v3 =	vtrunc.f32 v3  }
0x228: {  	v3 =	vcvt.f32.s32 v3;
	_ =	sdelay $0x1  }
0x229: {  	v3 =	vadd.s32 v1, v3;
	_ =	sdelay $0x4  }
0x22a: {  	[tilespmem:v3+s23+$0x0] =	vst.idx.add.f32.msk $0xffff, v2  }
0x22b: {  	v3 =	vld [tilespmem:s31+$0x8010];
	_ =	sdelay $0x4  }
0x22c: {  	v3 =	vmul.f32 $2.000000000e+01, v3;
	_ =	sdelay $0x1  }
0x22d: {  	v3 =	vtrunc.f32 v3  }
0x22e: {  	v3 =	vcvt.f32.s32 v3;
	_ =	sdelay $0x1  }
0x22f: {  	v3 =	vadd.s32 v1, v3;
	_ =	sdelay $0x4  }
0x230: {  	[tilespmem:v3+s23+$0x0] =	vst.idx.add.f32.msk $0xffff, v2  }
0x231: {  	v3 =	vld [tilespmem:s31+$0x8020];
	_ =	sdelay $0x4  }
0x232: {  	v3 =	vmul.f32 $2.000000000e+01, v3;
	_ =	sdelay $0x1  }
0x233: {  	v3 =	vtrunc.f32 v3  }
0x234: {  	v3 =	vcvt.f32.s32 v3;
	_ =	sdelay $0x1  }
0x235: {  	v3 =	vadd.s32 v1, v3;
	_ =	sdelay $0x4  }
0x236: {  	[tilespmem:v3+s23+$0x0] =	vst.idx.add.f32.msk $0xffff, v2  }
0x237: {  	v3 =	vld [tilespmem:s31+$0x8030];
	_ =	sdelay $0x4  }
0x238: {  	v3 =	vmul.f32 $2.000000000e+01, v3;
	_ =	sdelay $0x1  }
0x239: {  	v3 =	vtrunc.f32 v3  }
0x23a: {  	v3 =	vcvt.f32.s32 v3;
	_ =	sdelay $0x1  }
0x23b: {  	v3 =	vadd.s32 v1, v3;
	_ =	sdelay $0x4  }
0x23c: {  	[tilespmem:v3+s23+$0x0] =	vst.idx.add.f32.msk $0xffff, v2  }
0x23d: {  	v3 =	vld [tilespmem:s31+$0x8040];
	_ =	sdelay $0x4  }
0x23e: {  	v3 =	vmul.f32 $2.000000000e+01, v3;
	_ =	sdelay $0x1  }
0x23f: {  	v3 =	vtrunc.f32 v3  }
0x240: {  	v3 =	vcvt.f32.s32 v3;
	_ =	sdelay $0x1  }
0x241: {  	v3 =	vadd.s32 v1, v3;
	_ =	sdelay $0x4  }
0x242: {  	[tilespmem:v3+s23+$0x0] =	vst.idx.add.f32.msk $0xffff, v2  }
0x243: {  	v3 =	vld [tilespmem:s31+$0x8050];
	_ =	sdelay $0x4  }
0x244: {  	v3 =	vmul.f32 $2.000000000e+01, v3;
	_ =	sdelay $0x1  }
0x245: {  	v3 =	vtrunc.f32 v3  }
0x246: {  	v3 =	vcvt.f32.s32 v3;
	_ =	sdelay $0x1  }
0x247: {  	v3 =	vadd.s32 v1, v3;
	_ =	sdelay $0x4  }
0x248: {  	[tilespmem:v3+s23+$0x0] =	vst.idx.add.f32.msk $0xffff, v2  }
0x249: {  	v3 =	vld [tilespmem:s31+$0x8060];
	_ =	sdelay $0x4  }
0x24a: {  	v3 =	vmul.f32 $2.000000000e+01, v3;
	_ =	sdelay $0x1  }
0x24b: {  	v3 =	vtrunc.f32 v3  }
0x24c: {  	v3 =	vcvt.f32.s32 v3;
	_ =	sdelay $0x1  }
0x24d: {  	v3 =	vadd.s32 v1, v3;
	_ =	sdelay $0x4  }
0x24e: {  	[tilespmem:v3+s23+$0x0] =	vst.idx.add.f32.msk $0xffff, v2  }
0x24f: {  	v3 =	vld [tilespmem:s31+$0x8070];
	_ =	sdelay $0x4  }
0x250: {  	v3 =	vmul.f32 $2.000000000e+01, v3;
	_ =	sdelay $0x1  }
0x251: {  	v3 =	vtrunc.f32 v3  }
0x252: {  	v3 =	vcvt.f32.s32 v3;
	_ =	sdelay $0x1  }
0x253: {  	p0 =	sne.s32 s30, $0x1FE00;
	v3 =	vadd.s32 v1, v3  }
.Ltmp9:
0x254: {  	_ = 	snop;
	(pc) =	sbr.rel @p0 .LBB2_20-.Ltmp9, $2  }
0x255: {  	_ =	sdelay $0x2  }
0x256: {  	s30 =	sadd.s32 $0x200, s30;
	[tilespmem:v3+s23+$0x0] =	vst.idx.add.f32.msk $0xffff, v2  }
0x257: {  	s30 =	simm.s32 $0x0  }
0x258: {  	[tilespmem:s21], [sflag:$0x2] =	stream.linear.gather [hbm4b:s14+s30], $0x8000, $0x38;
	[tilespmem:$0x10180] =	vst v63  }
0x259: {  	_ =	swait.ge [sflag:s22], $0x8000  }
0x25a: {  	[sflag:s22] =	ssyncset.done $0x0  }
0x25b: {  	[sflag:s22] =	ssyncadd.s32 $0xFFFF8000  }
.LBB2_22:
0x25c: {  	s31 =	sshra.s32 s30, $0x2  }
0x25d: {  	v3 =	vld [tilespmem:s31+$0x0];
	_ =	sdelay $0x4  }
0x25e: {  	v3 =	vmul.f32 $2.000000000e+01, v3;
	_ =	sdelay $0x1  }
0x25f: {  	v3 =	vtrunc.f32 v3  }
0x260: {  	v3 =	vcvt.f32.s32 v3;
	_ =	sdelay $0x1  }
0x261: {  	v3 =	vadd.s32 v1, v3;
	_ =	sdelay $0x4  }
0x262: {  	[tilespmem:v3+s23+$0x0] =	vst.idx.add.f32.msk $0xffff, v2  }
0x263: {  	v3 =	vld [tilespmem:s31+$0x10];
	_ =	sdelay $0x4  }
0x264: {  	v3 =	vmul.f32 $2.000000000e+01, v3;
	_ =	sdelay $0x1  }
0x265: {  	v3 =	vtrunc.f32 v3  }
0x266: {  	v3 =	vcvt.f32.s32 v3;
	_ =	sdelay $0x1  }
0x267: {  	v3 =	vadd.s32 v1, v3;
	_ =	sdelay $0x4  }
0x268: {  	[tilespmem:v3+s23+$0x0] =	vst.idx.add.f32.msk $0xffff, v2  }
0x269: {  	v3 =	vld [tilespmem:s31+$0x20];
	_ =	sdelay $0x4  }
0x26a: {  	v3 =	vmul.f32 $2.000000000e+01, v3;
	_ =	sdelay $0x1  }
0x26b: {  	v3 =	vtrunc.f32 v3  }
0x26c: {  	v3 =	vcvt.f32.s32 v3;
	_ =	sdelay $0x1  }
0x26d: {  	v3 =	vadd.s32 v1, v3;
	_ =	sdelay $0x4  }
0x26e: {  	[tilespmem:v3+s23+$0x0] =	vst.idx.add.f32.msk $0xffff, v2  }
0x26f: {  	v3 =	vld [tilespmem:s31+$0x30];
	_ =	sdelay $0x4  }
0x270: {  	v3 =	vmul.f32 $2.000000000e+01, v3;
	_ =	sdelay $0x1  }
0x271: {  	v3 =	vtrunc.f32 v3  }
0x272: {  	v3 =	vcvt.f32.s32 v3;
	_ =	sdelay $0x1  }
0x273: {  	v3 =	vadd.s32 v1, v3;
	_ =	sdelay $0x4  }
0x274: {  	[tilespmem:v3+s23+$0x0] =	vst.idx.add.f32.msk $0xffff, v2  }
0x275: {  	v3 =	vld [tilespmem:s31+$0x40];
	_ =	sdelay $0x4  }
0x276: {  	v3 =	vmul.f32 $2.000000000e+01, v3;
	_ =	sdelay $0x1  }
0x277: {  	v3 =	vtrunc.f32 v3  }
0x278: {  	v3 =	vcvt.f32.s32 v3;
	_ =	sdelay $0x1  }
0x279: {  	v3 =	vadd.s32 v1, v3;
	_ =	sdelay $0x4  }
0x27a: {  	[tilespmem:v3+s23+$0x0] =	vst.idx.add.f32.msk $0xffff, v2  }
0x27b: {  	v3 =	vld [tilespmem:s31+$0x50];
	_ =	sdelay $0x4  }
0x27c: {  	v3 =	vmul.f32 $2.000000000e+01, v3;
	_ =	sdelay $0x1  }
0x27d: {  	v3 =	vtrunc.f32 v3  }
0x27e: {  	v3 =	vcvt.f32.s32 v3;
	_ =	sdelay $0x1  }
0x27f: {  	v3 =	vadd.s32 v1, v3;
	_ =	sdelay $0x4  }
0x280: {  	[tilespmem:v3+s23+$0x0] =	vst.idx.add.f32.msk $0xffff, v2  }
0x281: {  	v3 =	vld [tilespmem:s31+$0x60];
	_ =	sdelay $0x4  }
0x282: {  	v3 =	vmul.f32 $2.000000000e+01, v3;
	_ =	sdelay $0x1  }
0x283: {  	v3 =	vtrunc.f32 v3  }
0x284: {  	v3 =	vcvt.f32.s32 v3;
	_ =	sdelay $0x1  }
0x285: {  	v3 =	vadd.s32 v1, v3;
	_ =	sdelay $0x4  }
0x286: {  	[tilespmem:v3+s23+$0x0] =	vst.idx.add.f32.msk $0xffff, v2  }
0x287: {  	v3 =	vld [tilespmem:s31+$0x70];
	_ =	sdelay $0x4  }
0x288: {  	v3 =	vmul.f32 $2.000000000e+01, v3;
	_ =	sdelay $0x1  }
0x289: {  	v3 =	vtrunc.f32 v3  }
0x28a: {  	v3 =	vcvt.f32.s32 v3;
	_ =	sdelay $0x1  }
0x28b: {  	p0 =	sne.s32 s30, $0x1FE00;
	v3 =	vadd.s32 v1, v3  }
.Ltmp10:
0x28c: {  	_ = 	snop;
	(pc) =	sbr.rel @p0 .LBB2_22-.Ltmp10, $2  }
0x28d: {  	_ =	sdelay $0x2  }
0x28e: {  	s30 =	sadd.s32 $0x200, s30;
	[tilespmem:v3+s23+$0x0] =	vst.idx.add.f32.msk $0xffff, v2  }
0x28f: {  	s30 =	simm.s32 $0x0  }
0x290: {  	[tilespmem:s30], [sflag:$0x1] =	stream.linear.gather [hbm4b:s15+s30], $0x8000, $0x38;
	[tilespmem:$0x10180] =	vst v63  }
0x291: {  	_ =	swait.ge [sflag:s24], $0x8000  }
0x292: {  	[sflag:s24] =	ssyncset.done $0x0  }
0x293: {  	[sflag:s24] =	ssyncadd.s32 $0xFFFF8000  }
.LBB2_24:
0x294: {  	s31 =	sshra.s32 s30, $0x2  }
0x295: {  	v3 =	vld [tilespmem:s31+$0x8000];
	_ =	sdelay $0x4  }
0x296: {  	v3 =	vmul.f32 $2.000000000e+01, v3;
	_ =	sdelay $0x1  }
0x297: {  	v3 =	vtrunc.f32 v3  }
0x298: {  	v3 =	vcvt.f32.s32 v3;
	_ =	sdelay $0x1  }
0x299: {  	v3 =	vadd.s32 v1, v3;
	_ =	sdelay $0x4  }
0x29a: {  	[tilespmem:v3+s23+$0x0] =	vst.idx.add.f32.msk $0xffff, v2  }
0x29b: {  	v3 =	vld [tilespmem:s31+$0x8010];
	_ =	sdelay $0x4  }
0x29c: {  	v3 =	vmul.f32 $2.000000000e+01, v3;
	_ =	sdelay $0x1  }
0x29d: {  	v3 =	vtrunc.f32 v3  }
0x29e: {  	v3 =	vcvt.f32.s32 v3;
	_ =	sdelay $0x1  }
0x29f: {  	v3 =	vadd.s32 v1, v3;
	_ =	sdelay $0x4  }
0x2a0: {  	[tilespmem:v3+s23+$0x0] =	vst.idx.add.f32.msk $0xffff, v2  }
0x2a1: {  	v3 =	vld [tilespmem:s31+$0x8020];
	_ =	sdelay $0x4  }
0x2a2: {  	v3 =	vmul.f32 $2.000000000e+01, v3;
	_ =	sdelay $0x1  }
0x2a3: {  	v3 =	vtrunc.f32 v3  }
0x2a4: {  	v3 =	vcvt.f32.s32 v3;
	_ =	sdelay $0x1  }
0x2a5: {  	v3 =	vadd.s32 v1, v3;
	_ =	sdelay $0x4  }
0x2a6: {  	[tilespmem:v3+s23+$0x0] =	vst.idx.add.f32.msk $0xffff, v2  }
0x2a7: {  	v3 =	vld [tilespmem:s31+$0x8030];
	_ =	sdelay $0x4  }
0x2a8: {  	v3 =	vmul.f32 $2.000000000e+01, v3;
	_ =	sdelay $0x1  }
0x2a9: {  	v3 =	vtrunc.f32 v3  }
0x2aa: {  	v3 =	vcvt.f32.s32 v3;
	_ =	sdelay $0x1  }
0x2ab: {  	v3 =	vadd.s32 v1, v3;
	_ =	sdelay $0x4  }
0x2ac: {  	[tilespmem:v3+s23+$0x0] =	vst.idx.add.f32.msk $0xffff, v2  }
0x2ad: {  	v3 =	vld [tilespmem:s31+$0x8040];
	_ =	sdelay $0x4  }
0x2ae: {  	v3 =	vmul.f32 $2.000000000e+01, v3;
	_ =	sdelay $0x1  }
0x2af: {  	v3 =	vtrunc.f32 v3  }
0x2b0: {  	v3 =	vcvt.f32.s32 v3;
	_ =	sdelay $0x1  }
0x2b1: {  	v3 =	vadd.s32 v1, v3;
	_ =	sdelay $0x4  }
0x2b2: {  	[tilespmem:v3+s23+$0x0] =	vst.idx.add.f32.msk $0xffff, v2  }
0x2b3: {  	v3 =	vld [tilespmem:s31+$0x8050];
	_ =	sdelay $0x4  }
0x2b4: {  	v3 =	vmul.f32 $2.000000000e+01, v3;
	_ =	sdelay $0x1  }
0x2b5: {  	v3 =	vtrunc.f32 v3  }
0x2b6: {  	v3 =	vcvt.f32.s32 v3;
	_ =	sdelay $0x1  }
0x2b7: {  	v3 =	vadd.s32 v1, v3;
	_ =	sdelay $0x4  }
0x2b8: {  	[tilespmem:v3+s23+$0x0] =	vst.idx.add.f32.msk $0xffff, v2  }
0x2b9: {  	v3 =	vld [tilespmem:s31+$0x8060];
	_ =	sdelay $0x4  }
0x2ba: {  	v3 =	vmul.f32 $2.000000000e+01, v3;
	_ =	sdelay $0x1  }
0x2bb: {  	v3 =	vtrunc.f32 v3  }
0x2bc: {  	v3 =	vcvt.f32.s32 v3;
	_ =	sdelay $0x1  }
0x2bd: {  	v3 =	vadd.s32 v1, v3;
	_ =	sdelay $0x4  }
0x2be: {  	[tilespmem:v3+s23+$0x0] =	vst.idx.add.f32.msk $0xffff, v2  }
0x2bf: {  	v3 =	vld [tilespmem:s31+$0x8070];
	_ =	sdelay $0x4  }
0x2c0: {  	v3 =	vmul.f32 $2.000000000e+01, v3;
	_ =	sdelay $0x1  }
0x2c1: {  	v3 =	vtrunc.f32 v3  }
0x2c2: {  	v3 =	vcvt.f32.s32 v3;
	_ =	sdelay $0x1  }
0x2c3: {  	p0 =	sne.s32 s30, $0x1FE00;
	v3 =	vadd.s32 v1, v3  }
.Ltmp11:
0x2c4: {  	_ = 	snop;
	(pc) =	sbr.rel @p0 .LBB2_24-.Ltmp11, $2  }
0x2c5: {  	_ =	sdelay $0x2  }
0x2c6: {  	s30 =	sadd.s32 $0x200, s30;
	[tilespmem:v3+s23+$0x0] =	vst.idx.add.f32.msk $0xffff, v2  }
0x2c7: {  	s30 =	simm.s32 $0x0  }
0x2c8: {  	[tilespmem:s21], [sflag:$0x2] =	stream.linear.gather [hbm4b:s16+s30], $0x8000, $0x38;
	[tilespmem:$0x10180] =	vst v63  }
0x2c9: {  	_ =	swait.ge [sflag:s22], $0x8000  }
0x2ca: {  	[sflag:s22] =	ssyncset.done $0x0  }
0x2cb: {  	[sflag:s22] =	ssyncadd.s32 $0xFFFF8000  }
.LBB2_26:
0x2cc: {  	s31 =	sshra.s32 s30, $0x2  }
0x2cd: {  	v3 =	vld [tilespmem:s31+$0x0];
	_ =	sdelay $0x4  }
0x2ce: {  	v3 =	vmul.f32 $2.000000000e+01, v3;
	_ =	sdelay $0x1  }
0x2cf: {  	v3 =	vtrunc.f32 v3  }
0x2d0: {  	v3 =	vcvt.f32.s32 v3;
	_ =	sdelay $0x1  }
0x2d1: {  	v3 =	vadd.s32 v1, v3;
	_ =	sdelay $0x4  }
0x2d2: {  	[tilespmem:v3+s23+$0x0] =	vst.idx.add.f32.msk $0xffff, v2  }
0x2d3: {  	v3 =	vld [tilespmem:s31+$0x10];
	_ =	sdelay $0x4  }
0x2d4: {  	v3 =	vmul.f32 $2.000000000e+01, v3;
	_ =	sdelay $0x1  }
0x2d5: {  	v3 =	vtrunc.f32 v3  }
0x2d6: {  	v3 =	vcvt.f32.s32 v3;
	_ =	sdelay $0x1  }
0x2d7: {  	v3 =	vadd.s32 v1, v3;
	_ =	sdelay $0x4  }
0x2d8: {  	[tilespmem:v3+s23+$0x0] =	vst.idx.add.f32.msk $0xffff, v2  }
0x2d9: {  	v3 =	vld [tilespmem:s31+$0x20];
	_ =	sdelay $0x4  }
0x2da: {  	v3 =	vmul.f32 $2.000000000e+01, v3;
	_ =	sdelay $0x1  }
0x2db: {  	v3 =	vtrunc.f32 v3  }
0x2dc: {  	v3 =	vcvt.f32.s32 v3;
	_ =	sdelay $0x1  }
0x2dd: {  	v3 =	vadd.s32 v1, v3;
	_ =	sdelay $0x4  }
0x2de: {  	[tilespmem:v3+s23+$0x0] =	vst.idx.add.f32.msk $0xffff, v2  }
0x2df: {  	v3 =	vld [tilespmem:s31+$0x30];
	_ =	sdelay $0x4  }
0x2e0: {  	v3 =	vmul.f32 $2.000000000e+01, v3;
	_ =	sdelay $0x1  }
0x2e1: {  	v3 =	vtrunc.f32 v3  }
0x2e2: {  	v3 =	vcvt.f32.s32 v3;
	_ =	sdelay $0x1  }
0x2e3: {  	v3 =	vadd.s32 v1, v3;
	_ =	sdelay $0x4  }
0x2e4: {  	[tilespmem:v3+s23+$0x0] =	vst.idx.add.f32.msk $0xffff, v2  }
0x2e5: {  	v3 =	vld [tilespmem:s31+$0x40];
	_ =	sdelay $0x4  }
0x2e6: {  	v3 =	vmul.f32 $2.000000000e+01, v3;
	_ =	sdelay $0x1  }
0x2e7: {  	v3 =	vtrunc.f32 v3  }
0x2e8: {  	v3 =	vcvt.f32.s32 v3;
	_ =	sdelay $0x1  }
0x2e9: {  	v3 =	vadd.s32 v1, v3;
	_ =	sdelay $0x4  }
0x2ea: {  	[tilespmem:v3+s23+$0x0] =	vst.idx.add.f32.msk $0xffff, v2  }
0x2eb: {  	v3 =	vld [tilespmem:s31+$0x50];
	_ =	sdelay $0x4  }
0x2ec: {  	v3 =	vmul.f32 $2.000000000e+01, v3;
	_ =	sdelay $0x1  }
0x2ed: {  	v3 =	vtrunc.f32 v3  }
0x2ee: {  	v3 =	vcvt.f32.s32 v3;
	_ =	sdelay $0x1  }
0x2ef: {  	v3 =	vadd.s32 v1, v3;
	_ =	sdelay $0x4  }
0x2f0: {  	[tilespmem:v3+s23+$0x0] =	vst.idx.add.f32.msk $0xffff, v2  }
0x2f1: {  	v3 =	vld [tilespmem:s31+$0x60];
	_ =	sdelay $0x4  }
0x2f2: {  	v3 =	vmul.f32 $2.000000000e+01, v3;
	_ =	sdelay $0x1  }
0x2f3: {  	v3 =	vtrunc.f32 v3  }
0x2f4: {  	v3 =	vcvt.f32.s32 v3;
	_ =	sdelay $0x1  }
0x2f5: {  	v3 =	vadd.s32 v1, v3;
	_ =	sdelay $0x4  }
0x2f6: {  	[tilespmem:v3+s23+$0x0] =	vst.idx.add.f32.msk $0xffff, v2  }
0x2f7: {  	v3 =	vld [tilespmem:s31+$0x70];
	_ =	sdelay $0x4  }
0x2f8: {  	v3 =	vmul.f32 $2.000000000e+01, v3;
	_ =	sdelay $0x1  }
0x2f9: {  	v3 =	vtrunc.f32 v3  }
0x2fa: {  	v3 =	vcvt.f32.s32 v3;
	_ =	sdelay $0x1  }
0x2fb: {  	p0 =	sne.s32 s30, $0x1FE00;
	v3 =	vadd.s32 v1, v3  }
.Ltmp12:
0x2fc: {  	_ = 	snop;
	(pc) =	sbr.rel @p0 .LBB2_26-.Ltmp12, $2  }
0x2fd: {  	_ =	sdelay $0x2  }
0x2fe: {  	s30 =	sadd.s32 $0x200, s30;
	[tilespmem:v3+s23+$0x0] =	vst.idx.add.f32.msk $0xffff, v2  }
0x2ff: {  	s30 =	simm.s32 $0x0  }
0x300: {  	[tilespmem:s30], [sflag:$0x1] =	stream.linear.gather [hbm4b:s17+s30], $0x8000, $0x38;
	[tilespmem:$0x10180] =	vst v63  }
0x301: {  	_ =	swait.ge [sflag:s24], $0x8000  }
0x302: {  	[sflag:s24] =	ssyncset.done $0x0  }
0x303: {  	[sflag:s24] =	ssyncadd.s32 $0xFFFF8000  }
.LBB2_28:
0x304: {  	s31 =	sshra.s32 s30, $0x2  }
0x305: {  	v3 =	vld [tilespmem:s31+$0x8000];
	_ =	sdelay $0x4  }
0x306: {  	v3 =	vmul.f32 $2.000000000e+01, v3;
	_ =	sdelay $0x1  }
0x307: {  	v3 =	vtrunc.f32 v3  }
0x308: {  	v3 =	vcvt.f32.s32 v3;
	_ =	sdelay $0x1  }
0x309: {  	v3 =	vadd.s32 v1, v3;
	_ =	sdelay $0x4  }
0x30a: {  	[tilespmem:v3+s23+$0x0] =	vst.idx.add.f32.msk $0xffff, v2  }
0x30b: {  	v3 =	vld [tilespmem:s31+$0x8010];
	_ =	sdelay $0x4  }
0x30c: {  	v3 =	vmul.f32 $2.000000000e+01, v3;
	_ =	sdelay $0x1  }
0x30d: {  	v3 =	vtrunc.f32 v3  }
0x30e: {  	v3 =	vcvt.f32.s32 v3;
	_ =	sdelay $0x1  }
0x30f: {  	v3 =	vadd.s32 v1, v3;
	_ =	sdelay $0x4  }
0x310: {  	[tilespmem:v3+s23+$0x0] =	vst.idx.add.f32.msk $0xffff, v2  }
0x311: {  	v3 =	vld [tilespmem:s31+$0x8020];
	_ =	sdelay $0x4  }
0x312: {  	v3 =	vmul.f32 $2.000000000e+01, v3;
	_ =	sdelay $0x1  }
0x313: {  	v3 =	vtrunc.f32 v3  }
0x314: {  	v3 =	vcvt.f32.s32 v3;
	_ =	sdelay $0x1  }
0x315: {  	v3 =	vadd.s32 v1, v3;
	_ =	sdelay $0x4  }
0x316: {  	[tilespmem:v3+s23+$0x0] =	vst.idx.add.f32.msk $0xffff, v2  }
0x317: {  	v3 =	vld [tilespmem:s31+$0x8030];
	_ =	sdelay $0x4  }
0x318: {  	v3 =	vmul.f32 $2.000000000e+01, v3;
	_ =	sdelay $0x1  }
0x319: {  	v3 =	vtrunc.f32 v3  }
0x31a: {  	v3 =	vcvt.f32.s32 v3;
	_ =	sdelay $0x1  }
0x31b: {  	v3 =	vadd.s32 v1, v3;
	_ =	sdelay $0x4  }
0x31c: {  	[tilespmem:v3+s23+$0x0] =	vst.idx.add.f32.msk $0xffff, v2  }
0x31d: {  	v3 =	vld [tilespmem:s31+$0x8040];
	_ =	sdelay $0x4  }
0x31e: {  	v3 =	vmul.f32 $2.000000000e+01, v3;
	_ =	sdelay $0x1  }
0x31f: {  	v3 =	vtrunc.f32 v3  }
0x320: {  	v3 =	vcvt.f32.s32 v3;
	_ =	sdelay $0x1  }
0x321: {  	v3 =	vadd.s32 v1, v3;
	_ =	sdelay $0x4  }
0x322: {  	[tilespmem:v3+s23+$0x0] =	vst.idx.add.f32.msk $0xffff, v2  }
0x323: {  	v3 =	vld [tilespmem:s31+$0x8050];
	_ =	sdelay $0x4  }
0x324: {  	v3 =	vmul.f32 $2.000000000e+01, v3;
	_ =	sdelay $0x1  }
0x325: {  	v3 =	vtrunc.f32 v3  }
0x326: {  	v3 =	vcvt.f32.s32 v3;
	_ =	sdelay $0x1  }
0x327: {  	v3 =	vadd.s32 v1, v3;
	_ =	sdelay $0x4  }
0x328: {  	[tilespmem:v3+s23+$0x0] =	vst.idx.add.f32.msk $0xffff, v2  }
0x329: {  	v3 =	vld [tilespmem:s31+$0x8060];
	_ =	sdelay $0x4  }
0x32a: {  	v3 =	vmul.f32 $2.000000000e+01, v3;
	_ =	sdelay $0x1  }
0x32b: {  	v3 =	vtrunc.f32 v3  }
0x32c: {  	v3 =	vcvt.f32.s32 v3;
	_ =	sdelay $0x1  }
0x32d: {  	v3 =	vadd.s32 v1, v3;
	_ =	sdelay $0x4  }
0x32e: {  	[tilespmem:v3+s23+$0x0] =	vst.idx.add.f32.msk $0xffff, v2  }
0x32f: {  	v3 =	vld [tilespmem:s31+$0x8070];
	_ =	sdelay $0x4  }
0x330: {  	v3 =	vmul.f32 $2.000000000e+01, v3;
	_ =	sdelay $0x1  }
0x331: {  	v3 =	vtrunc.f32 v3  }
0x332: {  	v3 =	vcvt.f32.s32 v3;
	_ =	sdelay $0x1  }
0x333: {  	p0 =	sne.s32 s30, $0x1FE00;
	v3 =	vadd.s32 v1, v3  }
.Ltmp13:
0x334: {  	_ = 	snop;
	(pc) =	sbr.rel @p0 .LBB2_28-.Ltmp13, $2  }
0x335: {  	_ =	sdelay $0x2  }
0x336: {  	s30 =	sadd.s32 $0x200, s30;
	[tilespmem:v3+s23+$0x0] =	vst.idx.add.f32.msk $0xffff, v2  }
0x337: {  	s30 =	simm.s32 $0x0  }
0x338: {  	[tilespmem:s21], [sflag:$0x2] =	stream.linear.gather [hbm4b:s18+s30], $0x8000, $0x38;
	[tilespmem:$0x10180] =	vst v63  }
0x339: {  	_ =	swait.ge [sflag:s22], $0x8000  }
0x33a: {  	[sflag:s22] =	ssyncset.done $0x0  }
0x33b: {  	[sflag:s22] =	ssyncadd.s32 $0xFFFF8000  }
.LBB2_30:
0x33c: {  	s31 =	sshra.s32 s30, $0x2  }
0x33d: {  	v3 =	vld [tilespmem:s31+$0x0];
	_ =	sdelay $0x4  }
0x33e: {  	v3 =	vmul.f32 $2.000000000e+01, v3;
	_ =	sdelay $0x1  }
0x33f: {  	v3 =	vtrunc.f32 v3  }
0x340: {  	v3 =	vcvt.f32.s32 v3;
	_ =	sdelay $0x1  }
0x341: {  	v3 =	vadd.s32 v1, v3;
	_ =	sdelay $0x4  }
0x342: {  	[tilespmem:v3+s23+$0x0] =	vst.idx.add.f32.msk $0xffff, v2  }
0x343: {  	v3 =	vld [tilespmem:s31+$0x10];
	_ =	sdelay $0x4  }
0x344: {  	v3 =	vmul.f32 $2.000000000e+01, v3;
	_ =	sdelay $0x1  }
0x345: {  	v3 =	vtrunc.f32 v3  }
0x346: {  	v3 =	vcvt.f32.s32 v3;
	_ =	sdelay $0x1  }
0x347: {  	v3 =	vadd.s32 v1, v3;
	_ =	sdelay $0x4  }
0x348: {  	[tilespmem:v3+s23+$0x0] =	vst.idx.add.f32.msk $0xffff, v2  }
0x349: {  	v3 =	vld [tilespmem:s31+$0x20];
	_ =	sdelay $0x4  }
0x34a: {  	v3 =	vmul.f32 $2.000000000e+01, v3;
	_ =	sdelay $0x1  }
0x34b: {  	v3 =	vtrunc.f32 v3  }
0x34c: {  	v3 =	vcvt.f32.s32 v3;
	_ =	sdelay $0x1  }
0x34d: {  	v3 =	vadd.s32 v1, v3;
	_ =	sdelay $0x4  }
0x34e: {  	[tilespmem:v3+s23+$0x0] =	vst.idx.add.f32.msk $0xffff, v2  }
0x34f: {  	v3 =	vld [tilespmem:s31+$0x30];
	_ =	sdelay $0x4  }
0x350: {  	v3 =	vmul.f32 $2.000000000e+01, v3;
	_ =	sdelay $0x1  }
0x351: {  	v3 =	vtrunc.f32 v3  }
0x352: {  	v3 =	vcvt.f32.s32 v3;
	_ =	sdelay $0x1  }
0x353: {  	v3 =	vadd.s32 v1, v3;
	_ =	sdelay $0x4  }
0x354: {  	[tilespmem:v3+s23+$0x0] =	vst.idx.add.f32.msk $0xffff, v2  }
0x355: {  	v3 =	vld [tilespmem:s31+$0x40];
	_ =	sdelay $0x4  }
0x356: {  	v3 =	vmul.f32 $2.000000000e+01, v3;
	_ =	sdelay $0x1  }
0x357: {  	v3 =	vtrunc.f32 v3  }
0x358: {  	v3 =	vcvt.f32.s32 v3;
	_ =	sdelay $0x1  }
0x359: {  	v3 =	vadd.s32 v1, v3;
	_ =	sdelay $0x4  }
0x35a: {  	[tilespmem:v3+s23+$0x0] =	vst.idx.add.f32.msk $0xffff, v2  }
0x35b: {  	v3 =	vld [tilespmem:s31+$0x50];
	_ =	sdelay $0x4  }
0x35c: {  	v3 =	vmul.f32 $2.000000000e+01, v3;
	_ =	sdelay $0x1  }
0x35d: {  	v3 =	vtrunc.f32 v3  }
0x35e: {  	v3 =	vcvt.f32.s32 v3;
	_ =	sdelay $0x1  }
0x35f: {  	v3 =	vadd.s32 v1, v3;
	_ =	sdelay $0x4  }
0x360: {  	[tilespmem:v3+s23+$0x0] =	vst.idx.add.f32.msk $0xffff, v2  }
0x361: {  	v3 =	vld [tilespmem:s31+$0x60];
	_ =	sdelay $0x4  }
0x362: {  	v3 =	vmul.f32 $2.000000000e+01, v3;
	_ =	sdelay $0x1  }
0x363: {  	v3 =	vtrunc.f32 v3  }
0x364: {  	v3 =	vcvt.f32.s32 v3;
	_ =	sdelay $0x1  }
0x365: {  	v3 =	vadd.s32 v1, v3;
	_ =	sdelay $0x4  }
0x366: {  	[tilespmem:v3+s23+$0x0] =	vst.idx.add.f32.msk $0xffff, v2  }
0x367: {  	v3 =	vld [tilespmem:s31+$0x70];
	_ =	sdelay $0x4  }
0x368: {  	v3 =	vmul.f32 $2.000000000e+01, v3;
	_ =	sdelay $0x1  }
0x369: {  	v3 =	vtrunc.f32 v3  }
0x36a: {  	v3 =	vcvt.f32.s32 v3;
	_ =	sdelay $0x1  }
0x36b: {  	p0 =	sne.s32 s30, $0x1FE00;
	v3 =	vadd.s32 v1, v3  }
.Ltmp14:
0x36c: {  	_ = 	snop;
	(pc) =	sbr.rel @p0 .LBB2_30-.Ltmp14, $2  }
0x36d: {  	_ =	sdelay $0x2  }
0x36e: {  	s30 =	sadd.s32 $0x200, s30;
	[tilespmem:v3+s23+$0x0] =	vst.idx.add.f32.msk $0xffff, v2  }
0x36f: {  	_ =	swait.ge [sflag:s24], $0x8000  }
0x370: {  	[sflag:s24] =	ssyncset.done $0x0  }
0x371: {  	s30 =	simm.s32 $0x0;
	[sflag:s24] =	ssyncadd.s32 $0xFFFF8000  }
.LBB2_32:
0x372: {  	s31 =	sshra.s32 s30, $0x2  }
0x373: {  	v3 =	vld [tilespmem:s31+$0x8000];
	_ =	sdelay $0x4  }
0x374: {  	v3 =	vmul.f32 $2.000000000e+01, v3;
	_ =	sdelay $0x1  }
0x375: {  	v3 =	vtrunc.f32 v3  }
0x376: {  	v3 =	vcvt.f32.s32 v3;
	_ =	sdelay $0x1  }
0x377: {  	v3 =	vadd.s32 v1, v3;
	_ =	sdelay $0x4  }
0x378: {  	[tilespmem:v3+s23+$0x0] =	vst.idx.add.f32.msk $0xffff, v2  }
0x379: {  	v3 =	vld [tilespmem:s31+$0x8010];
	_ =	sdelay $0x4  }
0x37a: {  	v3 =	vmul.f32 $2.000000000e+01, v3;
	_ =	sdelay $0x1  }
0x37b: {  	v3 =	vtrunc.f32 v3  }
0x37c: {  	v3 =	vcvt.f32.s32 v3;
	_ =	sdelay $0x1  }
0x37d: {  	v3 =	vadd.s32 v1, v3;
	_ =	sdelay $0x4  }
0x37e: {  	[tilespmem:v3+s23+$0x0] =	vst.idx.add.f32.msk $0xffff, v2  }
0x37f: {  	v3 =	vld [tilespmem:s31+$0x8020];
	_ =	sdelay $0x4  }
0x380: {  	v3 =	vmul.f32 $2.000000000e+01, v3;
	_ =	sdelay $0x1  }
0x381: {  	v3 =	vtrunc.f32 v3  }
0x382: {  	v3 =	vcvt.f32.s32 v3;
	_ =	sdelay $0x1  }
0x383: {  	v3 =	vadd.s32 v1, v3;
	_ =	sdelay $0x4  }
0x384: {  	[tilespmem:v3+s23+$0x0] =	vst.idx.add.f32.msk $0xffff, v2  }
0x385: {  	v3 =	vld [tilespmem:s31+$0x8030];
	_ =	sdelay $0x4  }
0x386: {  	v3 =	vmul.f32 $2.000000000e+01, v3;
	_ =	sdelay $0x1  }
0x387: {  	v3 =	vtrunc.f32 v3  }
0x388: {  	v3 =	vcvt.f32.s32 v3;
	_ =	sdelay $0x1  }
0x389: {  	v3 =	vadd.s32 v1, v3;
	_ =	sdelay $0x4  }
0x38a: {  	[tilespmem:v3+s23+$0x0] =	vst.idx.add.f32.msk $0xffff, v2  }
0x38b: {  	v3 =	vld [tilespmem:s31+$0x8040];
	_ =	sdelay $0x4  }
0x38c: {  	v3 =	vmul.f32 $2.000000000e+01, v3;
	_ =	sdelay $0x1  }
0x38d: {  	v3 =	vtrunc.f32 v3  }
0x38e: {  	v3 =	vcvt.f32.s32 v3;
	_ =	sdelay $0x1  }
0x38f: {  	v3 =	vadd.s32 v1, v3;
	_ =	sdelay $0x4  }
0x390: {  	[tilespmem:v3+s23+$0x0] =	vst.idx.add.f32.msk $0xffff, v2  }
0x391: {  	v3 =	vld [tilespmem:s31+$0x8050];
	_ =	sdelay $0x4  }
0x392: {  	v3 =	vmul.f32 $2.000000000e+01, v3;
	_ =	sdelay $0x1  }
0x393: {  	v3 =	vtrunc.f32 v3  }
0x394: {  	v3 =	vcvt.f32.s32 v3;
	_ =	sdelay $0x1  }
0x395: {  	v3 =	vadd.s32 v1, v3;
	_ =	sdelay $0x4  }
0x396: {  	[tilespmem:v3+s23+$0x0] =	vst.idx.add.f32.msk $0xffff, v2  }
0x397: {  	v3 =	vld [tilespmem:s31+$0x8060];
	_ =	sdelay $0x4  }
0x398: {  	v3 =	vmul.f32 $2.000000000e+01, v3;
	_ =	sdelay $0x1  }
0x399: {  	v3 =	vtrunc.f32 v3  }
0x39a: {  	v3 =	vcvt.f32.s32 v3;
	_ =	sdelay $0x1  }
0x39b: {  	v3 =	vadd.s32 v1, v3;
	_ =	sdelay $0x4  }
0x39c: {  	[tilespmem:v3+s23+$0x0] =	vst.idx.add.f32.msk $0xffff, v2  }
0x39d: {  	v3 =	vld [tilespmem:s31+$0x8070];
	_ =	sdelay $0x4  }
0x39e: {  	v3 =	vmul.f32 $2.000000000e+01, v3;
	_ =	sdelay $0x1  }
0x39f: {  	v3 =	vtrunc.f32 v3  }
0x3a0: {  	v3 =	vcvt.f32.s32 v3;
	_ =	sdelay $0x1  }
0x3a1: {  	p0 =	sne.s32 s30, $0x1FE00;
	v3 =	vadd.s32 v1, v3  }
.Ltmp15:
0x3a2: {  	_ = 	snop;
	(pc) =	sbr.rel @p0 .LBB2_32-.Ltmp15, $2  }
0x3a3: {  	_ =	sdelay $0x2  }
0x3a4: {  	s30 =	sadd.s32 $0x200, s30;
	[tilespmem:v3+s23+$0x0] =	vst.idx.add.f32.msk $0xffff, v2  }
0x3a5: {  	s29 =	sadd.s32 $0x1, s29  }
0x3a6: {  	p0 =	sne.s32 s29, s20  }
.Ltmp16:
0x3a7: {  	_ = 	snop;
	(pc) =	sbr.rel @p0 .LBB2_1-.Ltmp16, $4  }
0x3a8: {  	[hbm4b:s19+s25] =	stream.strided.scatter [tilespmem:s23], [sflag:$0x3], $0x180, s26, s25, $0x38;
	[tilespmem:$0x10180] =	vst v63  }
0x3a9: {  	_ =	swait.ge [sflag:s28], $0x180  }
0x3aa: {  	[sflag:s28] =	ssyncset.done $0x0  }
0x3ab: {  	[sflag:s28] =	ssyncadd.s32 $0xFFFFFE80  }
0x3ac: {  	_ =	sfence.sel $0x180000  }
0x3ad: {  	[bflag:$0x0] =	sbarrier.arrive $0xFFFF  }
0x3ae: {  	p0 =	sne.s32 s1, $0x0;
	_ =	strace $0x90000047  }
0x3af: {  	s0 =	sadd.s32 @!p0 $0x100000, s0;
	[bflag:$0x2] =	sbarrier.arrive $0xFFFF  }
0x3b0: {  	[sflag:s0] =	ssyncadd.tile.s32 @!p0 $0x1;
	_ =	shalt  }
.Lfunc_end2:
_tile_overlayer_lowered:
.L_overlay_start_2:
0x3b1: {  	(tag) =	ssettag $0x2  }
0x3b2: {  	s0 =	rddreg [dreg:$0x0];
	s2 =	stileid.u32  }
0x3b3: {  	s1 =	rddreg [dreg:$0x1];
	p0 =	sne.s32 s2, $0x0  }
0x3b4: {  	s3 =	rddreg [dreg:$0x2];
	[bflag:$0x3] =	sbarrier.arrive $0xFFFF;
	s2 =	simm.s32 @!p0 $0x1C03  }
0x3b5: {  	[timem:s3], [sflag:s2] =	dma.local @!p0 [hbm:s0], s1  }
0x3b6: {  	s0 =	simm.s32 @!p0 $0x3  }
0x3b7: {  	_ =	swait.ge @!p0 [sflag:s0], s1  }
0x3b8: {  	s1 =	ssub.s32 @!p0 $0x0, s1;
	[sflag:s0] =	ssyncset.done @!p0 $0x0  }
0x3b9: {  	[sflag:s0] =	ssyncadd.s32 @!p0 s1  }
0x3ba: {  	[bflag:$0x3] =	sbarrier.arrive $0xFFFF  }
0x3bb: {  	_ =	shalt  }

</sc_bundles>
